<compile_context>
chip_gen: v7x
topology: tpu7x:2x2x1
jax: 0.10.2.dev20260603
libtpu: 0.0.44.dev20260713+nightly
codegen_flags: <defaults>
</compile_context>

<pallas_src>
import functools

import jax
import jax.numpy as jnp
from jax import lax
from jax.experimental import pallas as pl
from jax.experimental.pallas import tpu as pltpu
from jax.experimental.pallas import tpu_sc as plsc

N_WORDS = 100000
N_LABELS = 128
SHIFT = 12.0

BV = 5000
NB = N_WORDS // BV


def _negc_body(w_ref, out_ref, s_ref):
    i = pl.program_id(0)

    @pl.when(i == 0)
    def _init():
        s_ref[...] = jnp.zeros_like(s_ref[...])

    s_ref[...] += jnp.sum(jnp.exp(w_ref[...] - SHIFT), axis=0,
                          keepdims=True)

    @pl.when(i == NB - 1)
    def _fin():
        out_ref[...] = -(SHIFT + jnp.log(s_ref[...]))


def _compute_negc(weight):
    return pl.pallas_call(
        _negc_body,
        grid=(NB,),
        in_specs=[pl.BlockSpec((BV, N_LABELS), lambda i: (i, 0))],
        out_specs=pl.BlockSpec((1, N_LABELS), lambda i: (0, 0)),
        out_shape=jax.ShapeDtypeStruct((1, N_LABELS), jnp.float32),
        scratch_shapes=[pltpu.VMEM((1, N_LABELS), jnp.float32)],
        compiler_params=pltpu.CompilerParams(
            dimension_semantics=("arbitrary",)),
    )(weight)


NC = 2
NS = 16
NW = NC * NS
TOK = 1024 * 200
K = 5
TOKC = TOK // K
CH = 128
B_PER_W = TOKC // NW
NCH = B_PER_W // CH


@functools.partial(
    pl.kernel,
    mesh=plsc.VectorSubcoreMesh(core_axis_name="c", subcore_axis_name="s"),
    out_type=jax.ShapeDtypeStruct((TOKC, N_LABELS), jnp.float32),
    scratch_types=[
        pltpu.VMEM((NCH, CH), jnp.int32),
        pltpu.VMEM((CH, N_LABELS), jnp.float32),
        pltpu.VMEM((CH, N_LABELS), jnp.float32),
        pltpu.SemaphoreType.DMA,
        pltpu.SemaphoreType.DMA,
        pltpu.SemaphoreType.DMA,
        pltpu.SemaphoreType.DMA,
    ],
)
def _sc_gather(w_hbm, words_hbm, out_hbm,
               idx_v, buf0, buf1, gsem0, gsem1, ssem0, ssem1):
    wid = lax.axis_index("s") * NC + lax.axis_index("c")
    row0 = wid * B_PER_W
    bufs = (buf0, buf1)
    gsems = (gsem0, gsem1)
    ssems = (ssem0, ssem1)

    pltpu.sync_copy(words_hbm.at[wid], idx_v)

    def fire_gather(j, b):
        pltpu.async_copy(w_hbm.at[idx_v.at[j]], bufs[b], gsems[b])

    def wait_gather(b):
        pltpu.make_async_copy(w_hbm.at[pl.ds(0, CH)], bufs[b],
                              gsems[b]).wait()

    def fire_scatter(j, b):
        pltpu.async_copy(bufs[b], out_hbm.at[pl.ds(row0 + j * CH, CH)],
                         ssems[b])

    def wait_scatter(b):
        pltpu.make_async_copy(bufs[b], out_hbm.at[pl.ds(0, CH)],
                              ssems[b]).wait()

    fire_gather(0, 0)

    def pair(jo, carry):
        for b in range(2):
            j = jo * 2 + b
            nxt = j + 1

            @pl.when(nxt < NCH)
            def _fire_next():
                @pl.when(nxt >= 2)
                def _recycle():
                    wait_scatter(1 - b)
                fire_gather(nxt, 1 - b)

            wait_gather(b)
            fire_scatter(j, b)
        return carry

    lax.fori_loop(0, NCH // 2, pair, 0)
    wait_scatter(0)
    wait_scatter(1)


BB = 5120
NBB = TOKC // BB


def _bias_first_body(raw_ref, negc_ref, out_ref):
    out_ref[...] = raw_ref[...] + negc_ref[...]


def _bias_next_body(big_ref, raw_ref, negc_ref, out_ref):
    del big_ref
    out_ref[...] = raw_ref[...] + negc_ref[...]


def _bias_chunk(k, big, raw, negc):
    out_spec = pl.BlockSpec((BB, N_LABELS), lambda i: (k * NBB + i, 0))
    common = dict(
        grid=(NBB,),
        out_specs=out_spec,
        out_shape=jax.ShapeDtypeStruct((TOK, N_LABELS), jnp.float32),
        compiler_params=pltpu.CompilerParams(
            dimension_semantics=("parallel",)),
    )
    raw_spec = pl.BlockSpec((BB, N_LABELS), lambda i: (i, 0))
    negc_spec = pl.BlockSpec((1, N_LABELS), lambda i: (0, 0))
    if big is None:
        return pl.pallas_call(
            _bias_first_body,
            in_specs=[raw_spec, negc_spec],
            **common,
        )(raw, negc)
    return pl.pallas_call(
        _bias_next_body,
        in_specs=[pl.BlockSpec(memory_space=pl.ANY),
                  raw_spec, negc_spec],
        input_output_aliases={0: 0},
        **common,
    )(big, raw, negc)


def kernel(words, weight):
    negc = _compute_negc(weight)
    words_r = words.reshape(K, NW, NCH, CH)
    raws = [_sc_gather(weight, words_r[k]) for k in range(K)]
    big = _bias_chunk(0, None, raws[0], negc)
    for k in range(1, K):
        big = _bias_chunk(k, big, raws[k], negc)
    return big.reshape(words.shape + (N_LABELS,))

# --- scband reference (transcript-rebuilt; emitter-appended) ---
"""Pipeline reference for scband-feature-scorer-17875653886130 (READ-ONLY COPY).

The authoritative reference and input builder live on the scoring server;
editing this copy changes nothing except your own understanding.
"""

import jax, jax.numpy as jnp
import numpy as np

N_WORDS = 100000
N_LABELS = 128
BATCH = 1024
SEQ_LEN = 200


def setup_inputs(seed: int = 0) -> dict:
    key = jax.random.key(seed)
    k1, k2 = jax.random.split(key)
    words = jax.random.randint(k1, (BATCH, SEQ_LEN), 0, N_WORDS, dtype=jnp.int32)
    # learned parameter: word_feature_weight embedding table [n_words, n_labels]
    weight = jax.random.normal(k2, (N_WORDS, N_LABELS), dtype=jnp.float32)
    return {"words": words, "weight": weight}


def reference(words, weight):
    # use_feature=False branch: scores = embedding weight matrix
    scores = weight
    # log_softmax over dim=0 (vocab axis), then embedding lookup
    logp = jax.nn.log_softmax(scores, axis=0)
    emits = jnp.take(logp, words, axis=0)
    return emits

if __name__ == "__main__":
    import jax
    _d = setup_inputs()
    print(jax.jit(kernel)(*tuple(_d.values())))

</pallas_src>

<mosaic_0001>
#map = affine_map<(d0, d1) -> (0, 0)>
#map1 = affine_map<(d0, d1) -> (0, 0, 0)>
module attributes {stable_mosaic.version = 14 : i64} {
  func.func @_sc_gather(%arg0: i32, %arg1: i32, %arg2: memref<100000x128xf32, #tpu.memory_space<hbm>>, %arg3: memref<32x10x128xi32, #tpu.memory_space<hbm>>, %arg4: memref<40960x128xf32, #tpu.memory_space<hbm>>, %arg5: memref<10x128xi32, #tpu.memory_space<vmem>>, %arg6: memref<128x128xf32, #tpu.memory_space<vmem>>, %arg7: memref<128x128xf32, #tpu.memory_space<vmem>>, %arg8: memref<!tpu.dma_semaphore, #tpu.memory_space<semaphore_mem>>, %arg9: memref<!tpu.dma_semaphore, #tpu.memory_space<semaphore_mem>>, %arg10: memref<!tpu.dma_semaphore, #tpu.memory_space<semaphore_mem>>, %arg11: memref<!tpu.dma_semaphore, #tpu.memory_space<semaphore_mem>>) attributes {dimension_semantics = [#tpu.dimension_semantics<core_parallel>, #tpu.dimension_semantics<subcore_parallel>], iteration_bounds = array<i64: 2, 16>, scalar_prefetch = 0 : i64, scratch_operands = 7 : i64, tpu.core_type = #tpu.core_type<sc_vector_subcore>, window_params = [{transform_indices = #map}, {transform_indices = #map1}, {transform_indices = #map}]} {
    %mul3A = arith.constant 2 : i32
    %mul3A_0 = arith.muli %arg1, %mul3A : i32
    %add3A = arith.addi %mul3A_0, %arg0 : i32
    %mul3A_1 = arith.constant 1280 : i32
    %mul3A_2 = arith.muli %add3A, %mul3A_1 : i32
    "tpu.region"() ({
      %run_scoped3A = tpu.sem_alloc : memref<!tpu.dma_semaphore, #tpu.memory_space<semaphore_mem>>
      %dma_start3A_25 = arith.constant 0 : i32
      %dma_start3A_26 = arith.constant 0 : i32
      %dma_start3A_27 = tpu.memref_slice %arg3[%add3A, %dma_start3A_25, %dma_start3A_26] : memref<32x10x128xi32, #tpu.memory_space<hbm>> -> memref<1x10x128xi32, #tpu.memory_space<hbm>>
      %dma_start3A_28 = tpu.memref_squeeze %dma_start3A_27 : memref<1x10x128xi32, #tpu.memory_space<hbm>> -> memref<10x128xi32, #tpu.memory_space<hbm>>
      %dma_start3A_29 = arith.constant 0 : i32
      %dma_start3A_30 = arith.constant 0 : i32
      %dma_start3A_31 = tpu.memref_slice %arg3[%add3A, %dma_start3A_29, %dma_start3A_30] : memref<32x10x128xi32, #tpu.memory_space<hbm>> -> memref<1x10x128xi32, #tpu.memory_space<hbm>>
      %dma_start3A_32 = tpu.memref_squeeze %dma_start3A_31 : memref<1x10x128xi32, #tpu.memory_space<hbm>> -> memref<10x128xi32, #tpu.memory_space<hbm>>
      tpu.enqueue_dma source(%dma_start3A_32 : memref<10x128xi32, #tpu.memory_space<hbm>>) target(%arg5 : memref<10x128xi32, #tpu.memory_space<vmem>>) target_semaphore(%run_scoped3A : memref<!tpu.dma_semaphore, #tpu.memory_space<semaphore_mem>>)
      %dma_wait3A_33 = arith.constant 0 : i32
      %dma_wait3A_34 = arith.constant 0 : i32
      %dma_wait3A_35 = tpu.memref_slice %arg3[%add3A, %dma_wait3A_33, %dma_wait3A_34] : memref<32x10x128xi32, #tpu.memory_space<hbm>> -> memref<1x10x128xi32, #tpu.memory_space<hbm>>
      %dma_wait3A_36 = tpu.memref_squeeze %dma_wait3A_35 : memref<1x10x128xi32, #tpu.memory_space<hbm>> -> memref<10x128xi32, #tpu.memory_space<hbm>>
      %dma_wait3A_37 = arith.constant 0 : i32
      %dma_wait3A_38 = arith.constant 0 : i32
      %dma_wait3A_39 = tpu.memref_slice %arg3[%add3A, %dma_wait3A_37, %dma_wait3A_38] : memref<32x10x128xi32, #tpu.memory_space<hbm>> -> memref<1x10x128xi32, #tpu.memory_space<hbm>>
      %dma_wait3A_40 = tpu.memref_squeeze %dma_wait3A_39 : memref<1x10x128xi32, #tpu.memory_space<hbm>> -> memref<10x128xi32, #tpu.memory_space<hbm>>
      tpu.wait_dma2 semaphore(%run_scoped3A : memref<!tpu.dma_semaphore, #tpu.memory_space<semaphore_mem>>) src(%dma_wait3A_40 : memref<10x128xi32, #tpu.memory_space<hbm>>) dst(%arg5 : memref<10x128xi32, #tpu.memory_space<vmem>>)
      tpu.yield
    }) : () -> ()
    %dma_start3A = arith.constant 0 : i32
    %dma_start3A_3 = arith.constant 0 : i32
    %dma_start3A_4 = tpu.memref_slice %arg5[%dma_start3A, %dma_start3A_3] : memref<10x128xi32, #tpu.memory_space<vmem>> -> memref<1x128xi32, #tpu.memory_space<vmem>>
    %dma_start3A_5 = tpu.memref_squeeze %dma_start3A_4 : memref<1x128xi32, #tpu.memory_space<vmem>> -> memref<128xi32, #tpu.memory_space<vmem>>
    %dma_start3A_6 = arith.constant 0 : i32
    %dma_start3A_7 = arith.constant 0 : i32
    %dma_start3A_8 = tpu.memref_slice %arg2[%dma_start3A_6, %dma_start3A_7] : memref<100000x128xf32, #tpu.memory_space<hbm>> -> memref<100000x128xf32, #tpu.memory_space<hbm>>
    tpu.enqueue_indirect_dma source(%dma_start3A_8 : memref<100000x128xf32, #tpu.memory_space<hbm>>) target(%arg6 : memref<128x128xf32, #tpu.memory_space<vmem>>) offsets(%dma_start3A_5 : memref<128xi32, #tpu.memory_space<vmem>>) semaphore(%arg8 : memref<!tpu.dma_semaphore, #tpu.memory_space<semaphore_mem>>)
    %scan3A = arith.constant 0 : i32
    %scan3A_9 = arith.constant 0 : i32
    %scan3A_10 = arith.constant 5 : i32
    %scan3A_11 = arith.addi %scan3A_9, %scan3A_10 : i32
    %scan3A_12 = arith.constant 1 : i32
    scf.for %scan3A_25 = %scan3A_9 to %scan3A_11 step %scan3A_12  : i32 {
      %mul3A_26 = arith.constant 2 : i32
      %mul3A_27 = arith.muli %scan3A_25, %mul3A_26 : i32
      %add3A_28 = arith.constant 0 : i32
      %add3A_29 = arith.addi %mul3A_27, %add3A_28 : i32
      %add3A_30 = arith.constant 1 : i32
      %add3A_31 = arith.addi %add3A_29, %add3A_30 : i32
      %lt3A = arith.constant 10 : i32
      %lt3A_32 = arith.cmpi slt, %add3A_31, %lt3A : i32
      %convert_element_type3A = arith.extui %lt3A_32 : i1 to i32
      %cond3A = arith.constant 0 : i32
      %cond3A_33 = arith.cmpi ne, %convert_element_type3A, %cond3A : i32
      scf.if %cond3A_33 {
        %ge3A = arith.constant 2 : i32
        %ge3A_71 = arith.cmpi sge, %add3A_31, %ge3A : i32
        %convert_element_type3A_72 = arith.extui %ge3A_71 : i1 to i32
        %cond3A_73 = arith.constant 0 : i32
        %cond3A_74 = arith.cmpi ne, %convert_element_type3A_72, %cond3A_73 : i32
        scf.if %cond3A_74 {
          %dma_wait3A_81 = arith.constant 0 : i32
          %dma_wait3A_82 = arith.constant 0 : i32
          %dma_wait3A_83 = tpu.memref_slice %arg4[%dma_wait3A_81, %dma_wait3A_82] : memref<40960x128xf32, #tpu.memory_space<hbm>> -> memref<128x128xf32, #tpu.memory_space<hbm>>
          %dma_wait3A_84 = arith.constant 0 : i32
          %dma_wait3A_85 = arith.constant 0 : i32
          %dma_wait3A_86 = tpu.memref_slice %arg4[%dma_wait3A_84, %dma_wait3A_85] : memref<40960x128xf32, #tpu.memory_space<hbm>> -> memref<128x128xf32, #tpu.memory_space<hbm>>
          tpu.wait_dma2 semaphore(%arg11 : memref<!tpu.dma_semaphore, #tpu.memory_space<semaphore_mem>>) src(%arg7 : memref<128x128xf32, #tpu.memory_space<vmem>>) dst(%dma_wait3A_86 : memref<128x128xf32, #tpu.memory_space<hbm>>)
        } else {
        }
        %dma_start3A_75 = arith.constant 0 : i32
        %dma_start3A_76 = tpu.memref_slice %arg5[%add3A_31, %dma_start3A_75] : memref<10x128xi32, #tpu.memory_space<vmem>> -> memref<1x128xi32, #tpu.memory_space<vmem>>
        %dma_start3A_77 = tpu.memref_squeeze %dma_start3A_76 : memref<1x128xi32, #tpu.memory_space<vmem>> -> memref<128xi32, #tpu.memory_space<vmem>>
        %dma_start3A_78 = arith.constant 0 : i32
        %dma_start3A_79 = arith.constant 0 : i32
        %dma_start3A_80 = tpu.memref_slice %arg2[%dma_start3A_78, %dma_start3A_79] : memref<100000x128xf32, #tpu.memory_space<hbm>> -> memref<100000x128xf32, #tpu.memory_space<hbm>>
        tpu.enqueue_indirect_dma source(%dma_start3A_80 : memref<100000x128xf32, #tpu.memory_space<hbm>>) target(%arg7 : memref<128x128xf32, #tpu.memory_space<vmem>>) offsets(%dma_start3A_77 : memref<128xi32, #tpu.memory_space<vmem>>) semaphore(%arg9 : memref<!tpu.dma_semaphore, #tpu.memory_space<semaphore_mem>>)
      } else {
      }
      %dma_wait3A_34 = arith.constant 0 : i32
      %dma_wait3A_35 = arith.constant 0 : i32
      %dma_wait3A_36 = tpu.memref_slice %arg2[%dma_wait3A_34, %dma_wait3A_35] : memref<100000x128xf32, #tpu.memory_space<hbm>> -> memref<128x128xf32, #tpu.memory_space<hbm>>
      %dma_wait3A_37 = arith.constant 0 : i32
      %dma_wait3A_38 = arith.constant 0 : i32
      %dma_wait3A_39 = tpu.memref_slice %arg2[%dma_wait3A_37, %dma_wait3A_38] : memref<100000x128xf32, #tpu.memory_space<hbm>> -> memref<128x128xf32, #tpu.memory_space<hbm>>
      tpu.wait_dma2 semaphore(%arg8 : memref<!tpu.dma_semaphore, #tpu.memory_space<semaphore_mem>>) src(%dma_wait3A_39 : memref<128x128xf32, #tpu.memory_space<hbm>>) dst(%arg6 : memref<128x128xf32, #tpu.memory_space<vmem>>)
      %mul3A_40 = arith.constant 128 : i32
      %mul3A_41 = arith.muli %add3A_29, %mul3A_40 : i32
      %add3A_42 = arith.addi %mul3A_2, %mul3A_41 : i32
      %dma_start3A_43 = arith.constant 0 : i32
      %dma_start3A_44 = tpu.memref_slice %arg4[%add3A_42, %dma_start3A_43] : memref<40960x128xf32, #tpu.memory_space<hbm>> -> memref<128x128xf32, #tpu.memory_space<hbm>>
      %dma_start3A_45 = arith.constant 0 : i32
      %dma_start3A_46 = tpu.memref_slice %arg4[%add3A_42, %dma_start3A_45] : memref<40960x128xf32, #tpu.memory_space<hbm>> -> memref<128x128xf32, #tpu.memory_space<hbm>>
      tpu.enqueue_dma source(%arg6 : memref<128x128xf32, #tpu.memory_space<vmem>>) target(%dma_start3A_46 : memref<128x128xf32, #tpu.memory_space<hbm>>) target_semaphore(%arg10 : memref<!tpu.dma_semaphore, #tpu.memory_space<semaphore_mem>>)
      %mul3A_47 = arith.constant 2 : i32
      %mul3A_48 = arith.muli %scan3A_25, %mul3A_47 : i32
      %add3A_49 = arith.constant 1 : i32
      %add3A_50 = arith.addi %mul3A_48, %add3A_49 : i32
      %add3A_51 = arith.constant 1 : i32
      %add3A_52 = arith.addi %add3A_50, %add3A_51 : i32
      %lt3A_53 = arith.constant 10 : i32
      %lt3A_54 = arith.cmpi slt, %add3A_52, %lt3A_53 : i32
      %convert_element_type3A_55 = arith.extui %lt3A_54 : i1 to i32
      %cond3A_56 = arith.constant 0 : i32
      %cond3A_57 = arith.cmpi ne, %convert_element_type3A_55, %cond3A_56 : i32
      scf.if %cond3A_57 {
        %ge3A = arith.constant 2 : i32
        %ge3A_71 = arith.cmpi sge, %add3A_52, %ge3A : i32
        %convert_element_type3A_72 = arith.extui %ge3A_71 : i1 to i32
        %cond3A_73 = arith.constant 0 : i32
        %cond3A_74 = arith.cmpi ne, %convert_element_type3A_72, %cond3A_73 : i32
        scf.if %cond3A_74 {
          %dma_wait3A_81 = arith.constant 0 : i32
          %dma_wait3A_82 = arith.constant 0 : i32
          %dma_wait3A_83 = tpu.memref_slice %arg4[%dma_wait3A_81, %dma_wait3A_82] : memref<40960x128xf32, #tpu.memory_space<hbm>> -> memref<128x128xf32, #tpu.memory_space<hbm>>
          %dma_wait3A_84 = arith.constant 0 : i32
          %dma_wait3A_85 = arith.constant 0 : i32
          %dma_wait3A_86 = tpu.memref_slice %arg4[%dma_wait3A_84, %dma_wait3A_85] : memref<40960x128xf32, #tpu.memory_space<hbm>> -> memref<128x128xf32, #tpu.memory_space<hbm>>
          tpu.wait_dma2 semaphore(%arg10 : memref<!tpu.dma_semaphore, #tpu.memory_space<semaphore_mem>>) src(%arg6 : memref<128x128xf32, #tpu.memory_space<vmem>>) dst(%dma_wait3A_86 : memref<128x128xf32, #tpu.memory_space<hbm>>)
        } else {
        }
        %dma_start3A_75 = arith.constant 0 : i32
        %dma_start3A_76 = tpu.memref_slice %arg5[%add3A_52, %dma_start3A_75] : memref<10x128xi32, #tpu.memory_space<vmem>> -> memref<1x128xi32, #tpu.memory_space<vmem>>
        %dma_start3A_77 = tpu.memref_squeeze %dma_start3A_76 : memref<1x128xi32, #tpu.memory_space<vmem>> -> memref<128xi32, #tpu.memory_space<vmem>>
        %dma_start3A_78 = arith.constant 0 : i32
        %dma_start3A_79 = arith.constant 0 : i32
        %dma_start3A_80 = tpu.memref_slice %arg2[%dma_start3A_78, %dma_start3A_79] : memref<100000x128xf32, #tpu.memory_space<hbm>> -> memref<100000x128xf32, #tpu.memory_space<hbm>>
        tpu.enqueue_indirect_dma source(%dma_start3A_80 : memref<100000x128xf32, #tpu.memory_space<hbm>>) target(%arg6 : memref<128x128xf32, #tpu.memory_space<vmem>>) offsets(%dma_start3A_77 : memref<128xi32, #tpu.memory_space<vmem>>) semaphore(%arg8 : memref<!tpu.dma_semaphore, #tpu.memory_space<semaphore_mem>>)
      } else {
      }
      %dma_wait3A_58 = arith.constant 0 : i32
      %dma_wait3A_59 = arith.constant 0 : i32
      %dma_wait3A_60 = tpu.memref_slice %arg2[%dma_wait3A_58, %dma_wait3A_59] : memref<100000x128xf32, #tpu.memory_space<hbm>> -> memref<128x128xf32, #tpu.memory_space<hbm>>
      %dma_wait3A_61 = arith.constant 0 : i32
      %dma_wait3A_62 = arith.constant 0 : i32
      %dma_wait3A_63 = tpu.memref_slice %arg2[%dma_wait3A_61, %dma_wait3A_62] : memref<100000x128xf32, #tpu.memory_space<hbm>> -> memref<128x128xf32, #tpu.memory_space<hbm>>
      tpu.wait_dma2 semaphore(%arg9 : memref<!tpu.dma_semaphore, #tpu.memory_space<semaphore_mem>>) src(%dma_wait3A_63 : memref<128x128xf32, #tpu.memory_space<hbm>>) dst(%arg7 : memref<128x128xf32, #tpu.memory_space<vmem>>)
      %mul3A_64 = arith.constant 128 : i32
      %mul3A_65 = arith.muli %add3A_50, %mul3A_64 : i32
      %add3A_66 = arith.addi %mul3A_2, %mul3A_65 : i32
      %dma_start3A_67 = arith.constant 0 : i32
      %dma_start3A_68 = tpu.memref_slice %arg4[%add3A_66, %dma_start3A_67] : memref<40960x128xf32, #tpu.memory_space<hbm>> -> memref<128x128xf32, #tpu.memory_space<hbm>>
      %dma_start3A_69 = arith.constant 0 : i32
      %dma_start3A_70 = tpu.memref_slice %arg4[%add3A_66, %dma_start3A_69] : memref<40960x128xf32, #tpu.memory_space<hbm>> -> memref<128x128xf32, #tpu.memory_space<hbm>>
      tpu.enqueue_dma source(%arg7 : memref<128x128xf32, #tpu.memory_space<vmem>>) target(%dma_start3A_70 : memref<128x128xf32, #tpu.memory_space<hbm>>) target_semaphore(%arg11 : memref<!tpu.dma_semaphore, #tpu.memory_space<semaphore_mem>>)
    }
    %scan3A_13 = arith.constant 5 : i32
    %dma_wait3A = arith.constant 0 : i32
    %dma_wait3A_14 = arith.constant 0 : i32
    %dma_wait3A_15 = tpu.memref_slice %arg4[%dma_wait3A, %dma_wait3A_14] : memref<40960x128xf32, #tpu.memory_space<hbm>> -> memref<128x128xf32, #tpu.memory_space<hbm>>
    %dma_wait3A_16 = arith.constant 0 : i32
    %dma_wait3A_17 = arith.constant 0 : i32
    %dma_wait3A_18 = tpu.memref_slice %arg4[%dma_wait3A_16, %dma_wait3A_17] : memref<40960x128xf32, #tpu.memory_space<hbm>> -> memref<128x128xf32, #tpu.memory_space<hbm>>
    tpu.wait_dma2 semaphore(%arg10 : memref<!tpu.dma_semaphore, #tpu.memory_space<semaphore_mem>>) src(%arg6 : memref<128x128xf32, #tpu.memory_space<vmem>>) dst(%dma_wait3A_18 : memref<128x128xf32, #tpu.memory_space<hbm>>)
    %dma_wait3A_19 = arith.constant 0 : i32
    %dma_wait3A_20 = arith.constant 0 : i32
    %dma_wait3A_21 = tpu.memref_slice %arg4[%dma_wait3A_19, %dma_wait3A_20] : memref<40960x128xf32, #tpu.memory_space<hbm>> -> memref<128x128xf32, #tpu.memory_space<hbm>>
    %dma_wait3A_22 = arith.constant 0 : i32
    %dma_wait3A_23 = arith.constant 0 : i32
    %dma_wait3A_24 = tpu.memref_slice %arg4[%dma_wait3A_22, %dma_wait3A_23] : memref<40960x128xf32, #tpu.memory_space<hbm>> -> memref<128x128xf32, #tpu.memory_space<hbm>>
    tpu.wait_dma2 semaphore(%arg11 : memref<!tpu.dma_semaphore, #tpu.memory_space<semaphore_mem>>) src(%arg7 : memref<128x128xf32, #tpu.memory_space<vmem>>) dst(%dma_wait3A_24 : memref<128x128xf32, #tpu.memory_space<hbm>>)
    return
  }
}

#map = affine_map<(d0, d1) -> (0, 0)>
#map1 = affine_map<(d0, d1) -> (0, 0, 0)>
module attributes {stable_mosaic.version = 14 : i64} {
  func.func @_sc_gather(%arg0: i32, %arg1: i32, %arg2: memref<100000x128xf32, #tpu.memory_space<hbm>>, %arg3: memref<32x10x128xi32, #tpu.memory_space<hbm>>, %arg4: memref<40960x128xf32, #tpu.memory_space<hbm>>, %arg5: memref<10x128xi32, #tpu.memory_space<vmem>>, %arg6: memref<128x128xf32, #tpu.memory_space<vmem>>, %arg7: memref<128x128xf32, #tpu.memory_space<vmem>>, %arg8: memref<!tpu.dma_semaphore, #tpu.memory_space<semaphore_mem>>, %arg9: memref<!tpu.dma_semaphore, #tpu.memory_space<semaphore_mem>>, %arg10: memref<!tpu.dma_semaphore, #tpu.memory_space<semaphore_mem>>, %arg11: memref<!tpu.dma_semaphore, #tpu.memory_space<semaphore_mem>>) attributes {dimension_semantics = [#tpu.dimension_semantics<core_parallel>, #tpu.dimension_semantics<subcore_parallel>], iteration_bounds = array<i64: 2, 16>, scalar_prefetch = 0 : i64, scratch_operands = 7 : i64, tpu.core_type = #tpu.core_type<sc_vector_subcore>, window_params = [{transform_indices = #map}, {transform_indices = #map1}, {transform_indices = #map}]} {
    %mul3A = arith.constant 2 : i32
    %mul3A_0 = arith.muli %arg1, %mul3A : i32
    %add3A = arith.addi %mul3A_0, %arg0 : i32
    %mul3A_1 = arith.constant 1280 : i32
    %mul3A_2 = arith.muli %add3A, %mul3A_1 : i32
    "tpu.region"() ({
      %run_scoped3A = tpu.sem_alloc : memref<!tpu.dma_semaphore, #tpu.memory_space<semaphore_mem>>
      %dma_start3A_25 = arith.constant 0 : i32
      %dma_start3A_26 = arith.constant 0 : i32
      %dma_start3A_27 = tpu.memref_slice %arg3[%add3A, %dma_start3A_25, %dma_start3A_26] : memref<32x10x128xi32, #tpu.memory_space<hbm>> -> memref<1x10x128xi32, #tpu.memory_space<hbm>>
      %dma_start3A_28 = tpu.memref_squeeze %dma_start3A_27 : memref<1x10x128xi32, #tpu.memory_space<hbm>> -> memref<10x128xi32, #tpu.memory_space<hbm>>
      %dma_start3A_29 = arith.constant 0 : i32
      %dma_start3A_30 = arith.constant 0 : i32
      %dma_start3A_31 = tpu.memref_slice %arg3[%add3A, %dma_start3A_29, %dma_start3A_30] : memref<32x10x128xi32, #tpu.memory_space<hbm>> -> memref<1x10x128xi32, #tpu.memory_space<hbm>>
      %dma_start3A_32 = tpu.memref_squeeze %dma_start3A_31 : memref<1x10x128xi32, #tpu.memory_space<hbm>> -> memref<10x128xi32, #tpu.memory_space<hbm>>
      tpu.enqueue_dma source(%dma_start3A_32 : memref<10x128xi32, #tpu.memory_space<hbm>>) target(%arg5 : memref<10x128xi32, #tpu.memory_space<vmem>>) target_semaphore(%run_scoped3A : memref<!tpu.dma_semaphore, #tpu.memory_space<semaphore_mem>>)
      %dma_wait3A_33 = arith.constant 0 : i32
      %dma_wait3A_34 = arith.constant 0 : i32
      %dma_wait3A_35 = tpu.memref_slice %arg3[%add3A, %dma_wait3A_33, %dma_wait3A_34] : memref<32x10x128xi32, #tpu.memory_space<hbm>> -> memref<1x10x128xi32, #tpu.memory_space<hbm>>
      %dma_wait3A_36 = tpu.memref_squeeze %dma_wait3A_35 : memref<1x10x128xi32, #tpu.memory_space<hbm>> -> memref<10x128xi32, #tpu.memory_space<hbm>>
      %dma_wait3A_37 = arith.constant 0 : i32
      %dma_wait3A_38 = arith.constant 0 : i32
      %dma_wait3A_39 = tpu.memref_slice %arg3[%add3A, %dma_wait3A_37, %dma_wait3A_38] : memref<32x10x128xi32, #tpu.memory_space<hbm>> -> memref<1x10x128xi32, #tpu.memory_space<hbm>>
      %dma_wait3A_40 = tpu.memref_squeeze %dma_wait3A_39 : memref<1x10x128xi32, #tpu.memory_space<hbm>> -> memref<10x128xi32, #tpu.memory_space<hbm>>
      tpu.wait_dma2 semaphore(%run_scoped3A : memref<!tpu.dma_semaphore, #tpu.memory_space<semaphore_mem>>) src(%dma_wait3A_40 : memref<10x128xi32, #tpu.memory_space<hbm>>) dst(%arg5 : memref<10x128xi32, #tpu.memory_space<vmem>>)
      tpu.yield
    }) : () -> ()
    %dma_start3A = arith.constant 0 : i32
    %dma_start3A_3 = arith.constant 0 : i32
    %dma_start3A_4 = tpu.memref_slice %arg5[%dma_start3A, %dma_start3A_3] : memref<10x128xi32, #tpu.memory_space<vmem>> -> memref<1x128xi32, #tpu.memory_space<vmem>>
    %dma_start3A_5 = tpu.memref_squeeze %dma_start3A_4 : memref<1x128xi32, #tpu.memory_space<vmem>> -> memref<128xi32, #tpu.memory_space<vmem>>
    %dma_start3A_6 = arith.constant 0 : i32
    %dma_start3A_7 = arith.constant 0 : i32
    %dma_start3A_8 = tpu.memref_slice %arg2[%dma_start3A_6, %dma_start3A_7] : memref<100000x128xf32, #tpu.memory_space<hbm>> -> memref<100000x128xf32, #tpu.memory_space<hbm>>
    tpu.enqueue_indirect_dma source(%dma_start3A_8 : memref<100000x128xf32, #tpu.memory_space<hbm>>) target(%arg6 : memref<128x128xf32, #tpu.memory_space<vmem>>) offsets(%dma_start3A_5 : memref<128xi32, #tpu.memory_space<vmem>>) semaphore(%arg8 : memref<!tpu.dma_semaphore, #tpu.memory_space<semaphore_mem>>)
    %scan3A = arith.constant 0 : i32
    %scan3A_9 = arith.constant 0 : i32
    %scan3A_10 = arith.constant 5 : i32
    %scan3A_11 = arith.addi %scan3A_9, %scan3A_10 : i32
    %scan3A_12 = arith.constant 1 : i32
    scf.for %scan3A_25 = %scan3A_9 to %scan3A_11 step %scan3A_12  : i32 {
      %mul3A_26 = arith.constant 2 : i32
      %mul3A_27 = arith.muli %scan3A_25, %mul3A_26 : i32
      %add3A_28 = arith.constant 0 : i32
      %add3A_29 = arith.addi %mul3A_27, %add3A_28 : i32
      %add3A_30 = arith.constant 1 : i32
      %add3A_31 = arith.addi %add3A_29, %add3A_30 : i32
      %lt3A = arith.constant 10 : i32
      %lt3A_32 = arith.cmpi slt, %add3A_31, %lt3A : i32
      %convert_element_type3A = arith.extui %lt3A_32 : i1 to i32
      %cond3A = arith.constant 0 : i32
      %cond3A_33 = arith.cmpi ne, %convert_element_type3A, %cond3A : i32
      scf.if %cond3A_33 {
        %ge3A = arith.constant 2 : i32
        %ge3A_71 = arith.cmpi sge, %add3A_31, %ge3A : i32
        %convert_element_type3A_72 = arith.extui %ge3A_71 : i1 to i32
        %cond3A_73 = arith.constant 0 : i32
        %cond3A_74 = arith.cmpi ne, %convert_element_type3A_72, %cond3A_73 : i32
        scf.if %cond3A_74 {
          %dma_wait3A_81 = arith.constant 0 : i32
          %dma_wait3A_82 = arith.constant 0 : i32
          %dma_wait3A_83 = tpu.memref_slice %arg4[%dma_wait3A_81, %dma_wait3A_82] : memref<40960x128xf32, #tpu.memory_space<hbm>> -> memref<128x128xf32, #tpu.memory_space<hbm>>
          %dma_wait3A_84 = arith.constant 0 : i32
          %dma_wait3A_85 = arith.constant 0 : i32
          %dma_wait3A_86 = tpu.memref_slice %arg4[%dma_wait3A_84, %dma_wait3A_85] : memref<40960x128xf32, #tpu.memory_space<hbm>> -> memref<128x128xf32, #tpu.memory_space<hbm>>
          tpu.wait_dma2 semaphore(%arg11 : memref<!tpu.dma_semaphore, #tpu.memory_space<semaphore_mem>>) src(%arg7 : memref<128x128xf32, #tpu.memory_space<vmem>>) dst(%dma_wait3A_86 : memref<128x128xf32, #tpu.memory_space<hbm>>)
        } else {
        }
        %dma_start3A_75 = arith.constant 0 : i32
        %dma_start3A_76 = tpu.memref_slice %arg5[%add3A_31, %dma_start3A_75] : memref<10x128xi32, #tpu.memory_space<vmem>> -> memref<1x128xi32, #tpu.memory_space<vmem>>
        %dma_start3A_77 = tpu.memref_squeeze %dma_start3A_76 : memref<1x128xi32, #tpu.memory_space<vmem>> -> memref<128xi32, #tpu.memory_space<vmem>>
        %dma_start3A_78 = arith.constant 0 : i32
        %dma_start3A_79 = arith.constant 0 : i32
        %dma_start3A_80 = tpu.memref_slice %arg2[%dma_start3A_78, %dma_start3A_79] : memref<100000x128xf32, #tpu.memory_space<hbm>> -> memref<100000x128xf32, #tpu.memory_space<hbm>>
        tpu.enqueue_indirect_dma source(%dma_start3A_80 : memref<100000x128xf32, #tpu.memory_space<hbm>>) target(%arg7 : memref<128x128xf32, #tpu.memory_space<vmem>>) offsets(%dma_start3A_77 : memref<128xi32, #tpu.memory_space<vmem>>) semaphore(%arg9 : memref<!tpu.dma_semaphore, #tpu.memory_space<semaphore_mem>>)
      } else {
      }
      %dma_wait3A_34 = arith.constant 0 : i32
      %dma_wait3A_35 = arith.constant 0 : i32
      %dma_wait3A_36 = tpu.memref_slice %arg2[%dma_wait3A_34, %dma_wait3A_35] : memref<100000x128xf32, #tpu.memory_space<hbm>> -> memref<128x128xf32, #tpu.memory_space<hbm>>
      %dma_wait3A_37 = arith.constant 0 : i32
      %dma_wait3A_38 = arith.constant 0 : i32
      %dma_wait3A_39 = tpu.memref_slice %arg2[%dma_wait3A_37, %dma_wait3A_38] : memref<100000x128xf32, #tpu.memory_space<hbm>> -> memref<128x128xf32, #tpu.memory_space<hbm>>
      tpu.wait_dma2 semaphore(%arg8 : memref<!tpu.dma_semaphore, #tpu.memory_space<semaphore_mem>>) src(%dma_wait3A_39 : memref<128x128xf32, #tpu.memory_space<hbm>>) dst(%arg6 : memref<128x128xf32, #tpu.memory_space<vmem>>)
      %mul3A_40 = arith.constant 128 : i32
      %mul3A_41 = arith.muli %add3A_29, %mul3A_40 : i32
      %add3A_42 = arith.addi %mul3A_2, %mul3A_41 : i32
      %dma_start3A_43 = arith.constant 0 : i32
      %dma_start3A_44 = tpu.memref_slice %arg4[%add3A_42, %dma_start3A_43] : memref<40960x128xf32, #tpu.memory_space<hbm>> -> memref<128x128xf32, #tpu.memory_space<hbm>>
      %dma_start3A_45 = arith.constant 0 : i32
      %dma_start3A_46 = tpu.memref_slice %arg4[%add3A_42, %dma_start3A_45] : memref<40960x128xf32, #tpu.memory_space<hbm>> -> memref<128x128xf32, #tpu.memory_space<hbm>>
      tpu.enqueue_dma source(%arg6 : memref<128x128xf32, #tpu.memory_space<vmem>>) target(%dma_start3A_46 : memref<128x128xf32, #tpu.memory_space<hbm>>) target_semaphore(%arg10 : memref<!tpu.dma_semaphore, #tpu.memory_space<semaphore_mem>>)
      %mul3A_47 = arith.constant 2 : i32
      %mul3A_48 = arith.muli %scan3A_25, %mul3A_47 : i32
      %add3A_49 = arith.constant 1 : i32
      %add3A_50 = arith.addi %mul3A_48, %add3A_49 : i32
      %add3A_51 = arith.constant 1 : i32
      %add3A_52 = arith.addi %add3A_50, %add3A_51 : i32
      %lt3A_53 = arith.constant 10 : i32
      %lt3A_54 = arith.cmpi slt, %add3A_52, %lt3A_53 : i32
      %convert_element_type3A_55 = arith.extui %lt3A_54 : i1 to i32
      %cond3A_56 = arith.constant 0 : i32
      %cond3A_57 = arith.cmpi ne, %convert_element_type3A_55, %cond3A_56 : i32
      scf.if %cond3A_57 {
        %ge3A = arith.constant 2 : i32
        %ge3A_71 = arith.cmpi sge, %add3A_52, %ge3A : i32
        %convert_element_type3A_72 = arith.extui %ge3A_71 : i1 to i32
        %cond3A_73 = arith.constant 0 : i32
        %cond3A_74 = arith.cmpi ne, %convert_element_type3A_72, %cond3A_73 : i32
        scf.if %cond3A_74 {
          %dma_wait3A_81 = arith.constant 0 : i32
          %dma_wait3A_82 = arith.constant 0 : i32
          %dma_wait3A_83 = tpu.memref_slice %arg4[%dma_wait3A_81, %dma_wait3A_82] : memref<40960x128xf32, #tpu.memory_space<hbm>> -> memref<128x128xf32, #tpu.memory_space<hbm>>
          %dma_wait3A_84 = arith.constant 0 : i32
          %dma_wait3A_85 = arith.constant 0 : i32
          %dma_wait3A_86 = tpu.memref_slice %arg4[%dma_wait3A_84, %dma_wait3A_85] : memref<40960x128xf32, #tpu.memory_space<hbm>> -> memref<128x128xf32, #tpu.memory_space<hbm>>
          tpu.wait_dma2 semaphore(%arg10 : memref<!tpu.dma_semaphore, #tpu.memory_space<semaphore_mem>>) src(%arg6 : memref<128x128xf32, #tpu.memory_space<vmem>>) dst(%dma_wait3A_86 : memref<128x128xf32, #tpu.memory_space<hbm>>)
        } else {
        }
        %dma_start3A_75 = arith.constant 0 : i32
        %dma_start3A_76 = tpu.memref_slice %arg5[%add3A_52, %dma_start3A_75] : memref<10x128xi32, #tpu.memory_space<vmem>> -> memref<1x128xi32, #tpu.memory_space<vmem>>
        %dma_start3A_77 = tpu.memref_squeeze %dma_start3A_76 : memref<1x128xi32, #tpu.memory_space<vmem>> -> memref<128xi32, #tpu.memory_space<vmem>>
        %dma_start3A_78 = arith.constant 0 : i32
        %dma_start3A_79 = arith.constant 0 : i32
        %dma_start3A_80 = tpu.memref_slice %arg2[%dma_start3A_78, %dma_start3A_79] : memref<100000x128xf32, #tpu.memory_space<hbm>> -> memref<100000x128xf32, #tpu.memory_space<hbm>>
        tpu.enqueue_indirect_dma source(%dma_start3A_80 : memref<100000x128xf32, #tpu.memory_space<hbm>>) target(%arg6 : memref<128x128xf32, #tpu.memory_space<vmem>>) offsets(%dma_start3A_77 : memref<128xi32, #tpu.memory_space<vmem>>) semaphore(%arg8 : memref<!tpu.dma_semaphore, #tpu.memory_space<semaphore_mem>>)
      } else {
      }
      %dma_wait3A_58 = arith.constant 0 : i32
      %dma_wait3A_59 = arith.constant 0 : i32
      %dma_wait3A_60 = tpu.memref_slice %arg2[%dma_wait3A_58, %dma_wait3A_59] : memref<100000x128xf32, #tpu.memory_space<hbm>> -> memref<128x128xf32, #tpu.memory_space<hbm>>
      %dma_wait3A_61 = arith.constant 0 : i32
      %dma_wait3A_62 = arith.constant 0 : i32
      %dma_wait3A_63 = tpu.memref_slice %arg2[%dma_wait3A_61, %dma_wait3A_62] : memref<100000x128xf32, #tpu.memory_space<hbm>> -> memref<128x128xf32, #tpu.memory_space<hbm>>
      tpu.wait_dma2 semaphore(%arg9 : memref<!tpu.dma_semaphore, #tpu.memory_space<semaphore_mem>>) src(%dma_wait3A_63 : memref<128x128xf32, #tpu.memory_space<hbm>>) dst(%arg7 : memref<128x128xf32, #tpu.memory_space<vmem>>)
      %mul3A_64 = arith.constant 128 : i32
      %mul3A_65 = arith.muli %add3A_50, %mul3A_64 : i32
      %add3A_66 = arith.addi %mul3A_2, %mul3A_65 : i32
      %dma_start3A_67 = arith.constant 0 : i32
      %dma_start3A_68 = tpu.memref_slice %arg4[%add3A_66, %dma_start3A_67] : memref<40960x128xf32, #tpu.memory_space<hbm>> -> memref<128x128xf32, #tpu.memory_space<hbm>>
      %dma_start3A_69 = arith.constant 0 : i32
      %dma_start3A_70 = tpu.memref_slice %arg4[%add3A_66, %dma_start3A_69] : memref<40960x128xf32, #tpu.memory_space<hbm>> -> memref<128x128xf32, #tpu.memory_space<hbm>>
      tpu.enqueue_dma source(%arg7 : memref<128x128xf32, #tpu.memory_space<vmem>>) target(%dma_start3A_70 : memref<128x128xf32, #tpu.memory_space<hbm>>) target_semaphore(%arg11 : memref<!tpu.dma_semaphore, #tpu.memory_space<semaphore_mem>>)
    }
    %scan3A_13 = arith.constant 5 : i32
    %dma_wait3A = arith.constant 0 : i32
    %dma_wait3A_14 = arith.constant 0 : i32
    %dma_wait3A_15 = tpu.memref_slice %arg4[%dma_wait3A, %dma_wait3A_14] : memref<40960x128xf32, #tpu.memory_space<hbm>> -> memref<128x128xf32, #tpu.memory_space<hbm>>
    %dma_wait3A_16 = arith.constant 0 : i32
    %dma_wait3A_17 = arith.constant 0 : i32
    %dma_wait3A_18 = tpu.memref_slice %arg4[%dma_wait3A_16, %dma_wait3A_17] : memref<40960x128xf32, #tpu.memory_space<hbm>> -> memref<128x128xf32, #tpu.memory_space<hbm>>
    tpu.wait_dma2 semaphore(%arg10 : memref<!tpu.dma_semaphore, #tpu.memory_space<semaphore_mem>>) src(%arg6 : memref<128x128xf32, #tpu.memory_space<vmem>>) dst(%dma_wait3A_18 : memref<128x128xf32, #tpu.memory_space<hbm>>)
    %dma_wait3A_19 = arith.constant 0 : i32
    %dma_wait3A_20 = arith.constant 0 : i32
    %dma_wait3A_21 = tpu.memref_slice %arg4[%dma_wait3A_19, %dma_wait3A_20] : memref<40960x128xf32, #tpu.memory_space<hbm>> -> memref<128x128xf32, #tpu.memory_space<hbm>>
    %dma_wait3A_22 = arith.constant 0 : i32
    %dma_wait3A_23 = arith.constant 0 : i32
    %dma_wait3A_24 = tpu.memref_slice %arg4[%dma_wait3A_22, %dma_wait3A_23] : memref<40960x128xf32, #tpu.memory_space<hbm>> -> memref<128x128xf32, #tpu.memory_space<hbm>>
    tpu.wait_dma2 semaphore(%arg11 : memref<!tpu.dma_semaphore, #tpu.memory_space<semaphore_mem>>) src(%arg7 : memref<128x128xf32, #tpu.memory_space<vmem>>) dst(%dma_wait3A_24 : memref<128x128xf32, #tpu.memory_space<hbm>>)
    return
  }
}

#map = affine_map<(d0, d1) -> (0, 0)>
#map1 = affine_map<(d0, d1) -> (0, 0, 0)>
module attributes {stable_mosaic.version = 14 : i64} {
  func.func @_sc_gather(%arg0: i32, %arg1: i32, %arg2: memref<100000x128xf32, #tpu.memory_space<hbm>>, %arg3: memref<32x10x128xi32, #tpu.memory_space<hbm>>, %arg4: memref<40960x128xf32, #tpu.memory_space<hbm>>, %arg5: memref<10x128xi32, #tpu.memory_space<vmem>>, %arg6: memref<128x128xf32, #tpu.memory_space<vmem>>, %arg7: memref<128x128xf32, #tpu.memory_space<vmem>>, %arg8: memref<!tpu.dma_semaphore, #tpu.memory_space<semaphore_mem>>, %arg9: memref<!tpu.dma_semaphore, #tpu.memory_space<semaphore_mem>>, %arg10: memref<!tpu.dma_semaphore, #tpu.memory_space<semaphore_mem>>, %arg11: memref<!tpu.dma_semaphore, #tpu.memory_space<semaphore_mem>>) attributes {dimension_semantics = [#tpu.dimension_semantics<core_parallel>, #tpu.dimension_semantics<subcore_parallel>], iteration_bounds = array<i64: 2, 16>, scalar_prefetch = 0 : i64, scratch_operands = 7 : i64, tpu.core_type = #tpu.core_type<sc_vector_subcore>, window_params = [{transform_indices = #map}, {transform_indices = #map1}, {transform_indices = #map}]} {
    %mul3A = arith.constant 2 : i32
    %mul3A_0 = arith.muli %arg1, %mul3A : i32
    %add3A = arith.addi %mul3A_0, %arg0 : i32
    %mul3A_1 = arith.constant 1280 : i32
    %mul3A_2 = arith.muli %add3A, %mul3A_1 : i32
    "tpu.region"() ({
      %run_scoped3A = tpu.sem_alloc : memref<!tpu.dma_semaphore, #tpu.memory_space<semaphore_mem>>
      %dma_start3A_25 = arith.constant 0 : i32
      %dma_start3A_26 = arith.constant 0 : i32
      %dma_start3A_27 = tpu.memref_slice %arg3[%add3A, %dma_start3A_25, %dma_start3A_26] : memref<32x10x128xi32, #tpu.memory_space<hbm>> -> memref<1x10x128xi32, #tpu.memory_space<hbm>>
      %dma_start3A_28 = tpu.memref_squeeze %dma_start3A_27 : memref<1x10x128xi32, #tpu.memory_space<hbm>> -> memref<10x128xi32, #tpu.memory_space<hbm>>
      %dma_start3A_29 = arith.constant 0 : i32
      %dma_start3A_30 = arith.constant 0 : i32
      %dma_start3A_31 = tpu.memref_slice %arg3[%add3A, %dma_start3A_29, %dma_start3A_30] : memref<32x10x128xi32, #tpu.memory_space<hbm>> -> memref<1x10x128xi32, #tpu.memory_space<hbm>>
      %dma_start3A_32 = tpu.memref_squeeze %dma_start3A_31 : memref<1x10x128xi32, #tpu.memory_space<hbm>> -> memref<10x128xi32, #tpu.memory_space<hbm>>
      tpu.enqueue_dma source(%dma_start3A_32 : memref<10x128xi32, #tpu.memory_space<hbm>>) target(%arg5 : memref<10x128xi32, #tpu.memory_space<vmem>>) target_semaphore(%run_scoped3A : memref<!tpu.dma_semaphore, #tpu.memory_space<semaphore_mem>>)
      %dma_wait3A_33 = arith.constant 0 : i32
      %dma_wait3A_34 = arith.constant 0 : i32
      %dma_wait3A_35 = tpu.memref_slice %arg3[%add3A, %dma_wait3A_33, %dma_wait3A_34] : memref<32x10x128xi32, #tpu.memory_space<hbm>> -> memref<1x10x128xi32, #tpu.memory_space<hbm>>
      %dma_wait3A_36 = tpu.memref_squeeze %dma_wait3A_35 : memref<1x10x128xi32, #tpu.memory_space<hbm>> -> memref<10x128xi32, #tpu.memory_space<hbm>>
      %dma_wait3A_37 = arith.constant 0 : i32
      %dma_wait3A_38 = arith.constant 0 : i32
      %dma_wait3A_39 = tpu.memref_slice %arg3[%add3A, %dma_wait3A_37, %dma_wait3A_38] : memref<32x10x128xi32, #tpu.memory_space<hbm>> -> memref<1x10x128xi32, #tpu.memory_space<hbm>>
      %dma_wait3A_40 = tpu.memref_squeeze %dma_wait3A_39 : memref<1x10x128xi32, #tpu.memory_space<hbm>> -> memref<10x128xi32, #tpu.memory_space<hbm>>
      tpu.wait_dma2 semaphore(%run_scoped3A : memref<!tpu.dma_semaphore, #tpu.memory_space<semaphore_mem>>) src(%dma_wait3A_40 : memref<10x128xi32, #tpu.memory_space<hbm>>) dst(%arg5 : memref<10x128xi32, #tpu.memory_space<vmem>>)
      tpu.yield
    }) : () -> ()
    %dma_start3A = arith.constant 0 : i32
    %dma_start3A_3 = arith.constant 0 : i32
    %dma_start3A_4 = tpu.memref_slice %arg5[%dma_start3A, %dma_start3A_3] : memref<10x128xi32, #tpu.memory_space<vmem>> -> memref<1x128xi32, #tpu.memory_space<vmem>>
    %dma_start3A_5 = tpu.memref_squeeze %dma_start3A_4 : memref<1x128xi32, #tpu.memory_space<vmem>> -> memref<128xi32, #tpu.memory_space<vmem>>
    %dma_start3A_6 = arith.constant 0 : i32
    %dma_start3A_7 = arith.constant 0 : i32
    %dma_start3A_8 = tpu.memref_slice %arg2[%dma_start3A_6, %dma_start3A_7] : memref<100000x128xf32, #tpu.memory_space<hbm>> -> memref<100000x128xf32, #tpu.memory_space<hbm>>
    tpu.enqueue_indirect_dma source(%dma_start3A_8 : memref<100000x128xf32, #tpu.memory_space<hbm>>) target(%arg6 : memref<128x128xf32, #tpu.memory_space<vmem>>) offsets(%dma_start3A_5 : memref<128xi32, #tpu.memory_space<vmem>>) semaphore(%arg8 : memref<!tpu.dma_semaphore, #tpu.memory_space<semaphore_mem>>)
    %scan3A = arith.constant 0 : i32
    %scan3A_9 = arith.constant 0 : i32
    %scan3A_10 = arith.constant 5 : i32
    %scan3A_11 = arith.addi %scan3A_9, %scan3A_10 : i32
    %scan3A_12 = arith.constant 1 : i32
    scf.for %scan3A_25 = %scan3A_9 to %scan3A_11 step %scan3A_12  : i32 {
      %mul3A_26 = arith.constant 2 : i32
      %mul3A_27 = arith.muli %scan3A_25, %mul3A_26 : i32
      %add3A_28 = arith.constant 0 : i32
      %add3A_29 = arith.addi %mul3A_27, %add3A_28 : i32
      %add3A_30 = arith.constant 1 : i32
      %add3A_31 = arith.addi %add3A_29, %add3A_30 : i32
      %lt3A = arith.constant 10 : i32
      %lt3A_32 = arith.cmpi slt, %add3A_31, %lt3A : i32
      %convert_element_type3A = arith.extui %lt3A_32 : i1 to i32
      %cond3A = arith.constant 0 : i32
      %cond3A_33 = arith.cmpi ne, %convert_element_type3A, %cond3A : i32
      scf.if %cond3A_33 {
        %ge3A = arith.constant 2 : i32
        %ge3A_71 = arith.cmpi sge, %add3A_31, %ge3A : i32
        %convert_element_type3A_72 = arith.extui %ge3A_71 : i1 to i32
        %cond3A_73 = arith.constant 0 : i32
        %cond3A_74 = arith.cmpi ne, %convert_element_type3A_72, %cond3A_73 : i32
        scf.if %cond3A_74 {
          %dma_wait3A_81 = arith.constant 0 : i32
          %dma_wait3A_82 = arith.constant 0 : i32
          %dma_wait3A_83 = tpu.memref_slice %arg4[%dma_wait3A_81, %dma_wait3A_82] : memref<40960x128xf32, #tpu.memory_space<hbm>> -> memref<128x128xf32, #tpu.memory_space<hbm>>
          %dma_wait3A_84 = arith.constant 0 : i32
          %dma_wait3A_85 = arith.constant 0 : i32
          %dma_wait3A_86 = tpu.memref_slice %arg4[%dma_wait3A_84, %dma_wait3A_85] : memref<40960x128xf32, #tpu.memory_space<hbm>> -> memref<128x128xf32, #tpu.memory_space<hbm>>
          tpu.wait_dma2 semaphore(%arg11 : memref<!tpu.dma_semaphore, #tpu.memory_space<semaphore_mem>>) src(%arg7 : memref<128x128xf32, #tpu.memory_space<vmem>>) dst(%dma_wait3A_86 : memref<128x128xf32, #tpu.memory_space<hbm>>)
        } else {
        }
        %dma_start3A_75 = arith.constant 0 : i32
        %dma_start3A_76 = tpu.memref_slice %arg5[%add3A_31, %dma_start3A_75] : memref<10x128xi32, #tpu.memory_space<vmem>> -> memref<1x128xi32, #tpu.memory_space<vmem>>
        %dma_start3A_77 = tpu.memref_squeeze %dma_start3A_76 : memref<1x128xi32, #tpu.memory_space<vmem>> -> memref<128xi32, #tpu.memory_space<vmem>>
        %dma_start3A_78 = arith.constant 0 : i32
        %dma_start3A_79 = arith.constant 0 : i32
        %dma_start3A_80 = tpu.memref_slice %arg2[%dma_start3A_78, %dma_start3A_79] : memref<100000x128xf32, #tpu.memory_space<hbm>> -> memref<100000x128xf32, #tpu.memory_space<hbm>>
        tpu.enqueue_indirect_dma source(%dma_start3A_80 : memref<100000x128xf32, #tpu.memory_space<hbm>>) target(%arg7 : memref<128x128xf32, #tpu.memory_space<vmem>>) offsets(%dma_start3A_77 : memref<128xi32, #tpu.memory_space<vmem>>) semaphore(%arg9 : memref<!tpu.dma_semaphore, #tpu.memory_space<semaphore_mem>>)
      } else {
      }
      %dma_wait3A_34 = arith.constant 0 : i32
      %dma_wait3A_35 = arith.constant 0 : i32
      %dma_wait3A_36 = tpu.memref_slice %arg2[%dma_wait3A_34, %dma_wait3A_35] : memref<100000x128xf32, #tpu.memory_space<hbm>> -> memref<128x128xf32, #tpu.memory_space<hbm>>
      %dma_wait3A_37 = arith.constant 0 : i32
      %dma_wait3A_38 = arith.constant 0 : i32
      %dma_wait3A_39 = tpu.memref_slice %arg2[%dma_wait3A_37, %dma_wait3A_38] : memref<100000x128xf32, #tpu.memory_space<hbm>> -> memref<128x128xf32, #tpu.memory_space<hbm>>
      tpu.wait_dma2 semaphore(%arg8 : memref<!tpu.dma_semaphore, #tpu.memory_space<semaphore_mem>>) src(%dma_wait3A_39 : memref<128x128xf32, #tpu.memory_space<hbm>>) dst(%arg6 : memref<128x128xf32, #tpu.memory_space<vmem>>)
      %mul3A_40 = arith.constant 128 : i32
      %mul3A_41 = arith.muli %add3A_29, %mul3A_40 : i32
      %add3A_42 = arith.addi %mul3A_2, %mul3A_41 : i32
      %dma_start3A_43 = arith.constant 0 : i32
      %dma_start3A_44 = tpu.memref_slice %arg4[%add3A_42, %dma_start3A_43] : memref<40960x128xf32, #tpu.memory_space<hbm>> -> memref<128x128xf32, #tpu.memory_space<hbm>>
      %dma_start3A_45 = arith.constant 0 : i32
      %dma_start3A_46 = tpu.memref_slice %arg4[%add3A_42, %dma_start3A_45] : memref<40960x128xf32, #tpu.memory_space<hbm>> -> memref<128x128xf32, #tpu.memory_space<hbm>>
      tpu.enqueue_dma source(%arg6 : memref<128x128xf32, #tpu.memory_space<vmem>>) target(%dma_start3A_46 : memref<128x128xf32, #tpu.memory_space<hbm>>) target_semaphore(%arg10 : memref<!tpu.dma_semaphore, #tpu.memory_space<semaphore_mem>>)
      %mul3A_47 = arith.constant 2 : i32
      %mul3A_48 = arith.muli %scan3A_25, %mul3A_47 : i32
      %add3A_49 = arith.constant 1 : i32
      %add3A_50 = arith.addi %mul3A_48, %add3A_49 : i32
      %add3A_51 = arith.constant 1 : i32
      %add3A_52 = arith.addi %add3A_50, %add3A_51 : i32
      %lt3A_53 = arith.constant 10 : i32
      %lt3A_54 = arith.cmpi slt, %add3A_52, %lt3A_53 : i32
      %convert_element_type3A_55 = arith.extui %lt3A_54 : i1 to i32
      %cond3A_56 = arith.constant 0 : i32
      %cond3A_57 = arith.cmpi ne, %convert_element_type3A_55, %cond3A_56 : i32
      scf.if %cond3A_57 {
        %ge3A = arith.constant 2 : i32
        %ge3A_71 = arith.cmpi sge, %add3A_52, %ge3A : i32
        %convert_element_type3A_72 = arith.extui %ge3A_71 : i1 to i32
        %cond3A_73 = arith.constant 0 : i32
        %cond3A_74 = arith.cmpi ne, %convert_element_type3A_72, %cond3A_73 : i32
        scf.if %cond3A_74 {
          %dma_wait3A_81 = arith.constant 0 : i32
          %dma_wait3A_82 = arith.constant 0 : i32
          %dma_wait3A_83 = tpu.memref_slice %arg4[%dma_wait3A_81, %dma_wait3A_82] : memref<40960x128xf32, #tpu.memory_space<hbm>> -> memref<128x128xf32, #tpu.memory_space<hbm>>
          %dma_wait3A_84 = arith.constant 0 : i32
          %dma_wait3A_85 = arith.constant 0 : i32
          %dma_wait3A_86 = tpu.memref_slice %arg4[%dma_wait3A_84, %dma_wait3A_85] : memref<40960x128xf32, #tpu.memory_space<hbm>> -> memref<128x128xf32, #tpu.memory_space<hbm>>
          tpu.wait_dma2 semaphore(%arg10 : memref<!tpu.dma_semaphore, #tpu.memory_space<semaphore_mem>>) src(%arg6 : memref<128x128xf32, #tpu.memory_space<vmem>>) dst(%dma_wait3A_86 : memref<128x128xf32, #tpu.memory_space<hbm>>)
        } else {
        }
        %dma_start3A_75 = arith.constant 0 : i32
        %dma_start3A_76 = tpu.memref_slice %arg5[%add3A_52, %dma_start3A_75] : memref<10x128xi32, #tpu.memory_space<vmem>> -> memref<1x128xi32, #tpu.memory_space<vmem>>
        %dma_start3A_77 = tpu.memref_squeeze %dma_start3A_76 : memref<1x128xi32, #tpu.memory_space<vmem>> -> memref<128xi32, #tpu.memory_space<vmem>>
        %dma_start3A_78 = arith.constant 0 : i32
        %dma_start3A_79 = arith.constant 0 : i32
        %dma_start3A_80 = tpu.memref_slice %arg2[%dma_start3A_78, %dma_start3A_79] : memref<100000x128xf32, #tpu.memory_space<hbm>> -> memref<100000x128xf32, #tpu.memory_space<hbm>>
        tpu.enqueue_indirect_dma source(%dma_start3A_80 : memref<100000x128xf32, #tpu.memory_space<hbm>>) target(%arg6 : memref<128x128xf32, #tpu.memory_space<vmem>>) offsets(%dma_start3A_77 : memref<128xi32, #tpu.memory_space<vmem>>) semaphore(%arg8 : memref<!tpu.dma_semaphore, #tpu.memory_space<semaphore_mem>>)
      } else {
      }
      %dma_wait3A_58 = arith.constant 0 : i32
      %dma_wait3A_59 = arith.constant 0 : i32
      %dma_wait3A_60 = tpu.memref_slice %arg2[%dma_wait3A_58, %dma_wait3A_59] : memref<100000x128xf32, #tpu.memory_space<hbm>> -> memref<128x128xf32, #tpu.memory_space<hbm>>
      %dma_wait3A_61 = arith.constant 0 : i32
      %dma_wait3A_62 = arith.constant 0 : i32
      %dma_wait3A_63 = tpu.memref_slice %arg2[%dma_wait3A_61, %dma_wait3A_62] : memref<100000x128xf32, #tpu.memory_space<hbm>> -> memref<128x128xf32, #tpu.memory_space<hbm>>
      tpu.wait_dma2 semaphore(%arg9 : memref<!tpu.dma_semaphore, #tpu.memory_space<semaphore_mem>>) src(%dma_wait3A_63 : memref<128x128xf32, #tpu.memory_space<hbm>>) dst(%arg7 : memref<128x128xf32, #tpu.memory_space<vmem>>)
      %mul3A_64 = arith.constant 128 : i32
      %mul3A_65 = arith.muli %add3A_50, %mul3A_64 : i32
      %add3A_66 = arith.addi %mul3A_2, %mul3A_65 : i32
      %dma_start3A_67 = arith.constant 0 : i32
      %dma_start3A_68 = tpu.memref_slice %arg4[%add3A_66, %dma_start3A_67] : memref<40960x128xf32, #tpu.memory_space<hbm>> -> memref<128x128xf32, #tpu.memory_space<hbm>>
      %dma_start3A_69 = arith.constant 0 : i32
      %dma_start3A_70 = tpu.memref_slice %arg4[%add3A_66, %dma_start3A_69] : memref<40960x128xf32, #tpu.memory_space<hbm>> -> memref<128x128xf32, #tpu.memory_space<hbm>>
      tpu.enqueue_dma source(%arg7 : memref<128x128xf32, #tpu.memory_space<vmem>>) target(%dma_start3A_70 : memref<128x128xf32, #tpu.memory_space<hbm>>) target_semaphore(%arg11 : memref<!tpu.dma_semaphore, #tpu.memory_space<semaphore_mem>>)
    }
    %scan3A_13 = arith.constant 5 : i32
    %dma_wait3A = arith.constant 0 : i32
    %dma_wait3A_14 = arith.constant 0 : i32
    %dma_wait3A_15 = tpu.memref_slice %arg4[%dma_wait3A, %dma_wait3A_14] : memref<40960x128xf32, #tpu.memory_space<hbm>> -> memref<128x128xf32, #tpu.memory_space<hbm>>
    %dma_wait3A_16 = arith.constant 0 : i32
    %dma_wait3A_17 = arith.constant 0 : i32
    %dma_wait3A_18 = tpu.memref_slice %arg4[%dma_wait3A_16, %dma_wait3A_17] : memref<40960x128xf32, #tpu.memory_space<hbm>> -> memref<128x128xf32, #tpu.memory_space<hbm>>
    tpu.wait_dma2 semaphore(%arg10 : memref<!tpu.dma_semaphore, #tpu.memory_space<semaphore_mem>>) src(%arg6 : memref<128x128xf32, #tpu.memory_space<vmem>>) dst(%dma_wait3A_18 : memref<128x128xf32, #tpu.memory_space<hbm>>)
    %dma_wait3A_19 = arith.constant 0 : i32
    %dma_wait3A_20 = arith.constant 0 : i32
    %dma_wait3A_21 = tpu.memref_slice %arg4[%dma_wait3A_19, %dma_wait3A_20] : memref<40960x128xf32, #tpu.memory_space<hbm>> -> memref<128x128xf32, #tpu.memory_space<hbm>>
    %dma_wait3A_22 = arith.constant 0 : i32
    %dma_wait3A_23 = arith.constant 0 : i32
    %dma_wait3A_24 = tpu.memref_slice %arg4[%dma_wait3A_22, %dma_wait3A_23] : memref<40960x128xf32, #tpu.memory_space<hbm>> -> memref<128x128xf32, #tpu.memory_space<hbm>>
    tpu.wait_dma2 semaphore(%arg11 : memref<!tpu.dma_semaphore, #tpu.memory_space<semaphore_mem>>) src(%arg7 : memref<128x128xf32, #tpu.memory_space<vmem>>) dst(%dma_wait3A_24 : memref<128x128xf32, #tpu.memory_space<hbm>>)
    return
  }
}

#map = affine_map<(d0, d1) -> (0, 0)>
#map1 = affine_map<(d0, d1) -> (0, 0, 0)>
module attributes {stable_mosaic.version = 14 : i64} {
  func.func @_sc_gather(%arg0: i32, %arg1: i32, %arg2: memref<100000x128xf32, #tpu.memory_space<hbm>>, %arg3: memref<32x10x128xi32, #tpu.memory_space<hbm>>, %arg4: memref<40960x128xf32, #tpu.memory_space<hbm>>, %arg5: memref<10x128xi32, #tpu.memory_space<vmem>>, %arg6: memref<128x128xf32, #tpu.memory_space<vmem>>, %arg7: memref<128x128xf32, #tpu.memory_space<vmem>>, %arg8: memref<!tpu.dma_semaphore, #tpu.memory_space<semaphore_mem>>, %arg9: memref<!tpu.dma_semaphore, #tpu.memory_space<semaphore_mem>>, %arg10: memref<!tpu.dma_semaphore, #tpu.memory_space<semaphore_mem>>, %arg11: memref<!tpu.dma_semaphore, #tpu.memory_space<semaphore_mem>>) attributes {dimension_semantics = [#tpu.dimension_semantics<core_parallel>, #tpu.dimension_semantics<subcore_parallel>], iteration_bounds = array<i64: 2, 16>, scalar_prefetch = 0 : i64, scratch_operands = 7 : i64, tpu.core_type = #tpu.core_type<sc_vector_subcore>, window_params = [{transform_indices = #map}, {transform_indices = #map1}, {transform_indices = #map}]} {
    %mul3A = arith.constant 2 : i32
    %mul3A_0 = arith.muli %arg1, %mul3A : i32
    %add3A = arith.addi %mul3A_0, %arg0 : i32
    %mul3A_1 = arith.constant 1280 : i32
    %mul3A_2 = arith.muli %add3A, %mul3A_1 : i32
    "tpu.region"() ({
      %run_scoped3A = tpu.sem_alloc : memref<!tpu.dma_semaphore, #tpu.memory_space<semaphore_mem>>
      %dma_start3A_25 = arith.constant 0 : i32
      %dma_start3A_26 = arith.constant 0 : i32
      %dma_start3A_27 = tpu.memref_slice %arg3[%add3A, %dma_start3A_25, %dma_start3A_26] : memref<32x10x128xi32, #tpu.memory_space<hbm>> -> memref<1x10x128xi32, #tpu.memory_space<hbm>>
      %dma_start3A_28 = tpu.memref_squeeze %dma_start3A_27 : memref<1x10x128xi32, #tpu.memory_space<hbm>> -> memref<10x128xi32, #tpu.memory_space<hbm>>
      %dma_start3A_29 = arith.constant 0 : i32
      %dma_start3A_30 = arith.constant 0 : i32
      %dma_start3A_31 = tpu.memref_slice %arg3[%add3A, %dma_start3A_29, %dma_start3A_30] : memref<32x10x128xi32, #tpu.memory_space<hbm>> -> memref<1x10x128xi32, #tpu.memory_space<hbm>>
      %dma_start3A_32 = tpu.memref_squeeze %dma_start3A_31 : memref<1x10x128xi32, #tpu.memory_space<hbm>> -> memref<10x128xi32, #tpu.memory_space<hbm>>
      tpu.enqueue_dma source(%dma_start3A_32 : memref<10x128xi32, #tpu.memory_space<hbm>>) target(%arg5 : memref<10x128xi32, #tpu.memory_space<vmem>>) target_semaphore(%run_scoped3A : memref<!tpu.dma_semaphore, #tpu.memory_space<semaphore_mem>>)
      %dma_wait3A_33 = arith.constant 0 : i32
      %dma_wait3A_34 = arith.constant 0 : i32
      %dma_wait3A_35 = tpu.memref_slice %arg3[%add3A, %dma_wait3A_33, %dma_wait3A_34] : memref<32x10x128xi32, #tpu.memory_space<hbm>> -> memref<1x10x128xi32, #tpu.memory_space<hbm>>
      %dma_wait3A_36 = tpu.memref_squeeze %dma_wait3A_35 : memref<1x10x128xi32, #tpu.memory_space<hbm>> -> memref<10x128xi32, #tpu.memory_space<hbm>>
      %dma_wait3A_37 = arith.constant 0 : i32
      %dma_wait3A_38 = arith.constant 0 : i32
      %dma_wait3A_39 = tpu.memref_slice %arg3[%add3A, %dma_wait3A_37, %dma_wait3A_38] : memref<32x10x128xi32, #tpu.memory_space<hbm>> -> memref<1x10x128xi32, #tpu.memory_space<hbm>>
      %dma_wait3A_40 = tpu.memref_squeeze %dma_wait3A_39 : memref<1x10x128xi32, #tpu.memory_space<hbm>> -> memref<10x128xi32, #tpu.memory_space<hbm>>
      tpu.wait_dma2 semaphore(%run_scoped3A : memref<!tpu.dma_semaphore, #tpu.memory_space<semaphore_mem>>) src(%dma_wait3A_40 : memref<10x128xi32, #tpu.memory_space<hbm>>) dst(%arg5 : memref<10x128xi32, #tpu.memory_space<vmem>>)
      tpu.yield
    }) : () -> ()
    %dma_start3A = arith.constant 0 : i32
    %dma_start3A_3 = arith.constant 0 : i32
    %dma_start3A_4 = tpu.memref_slice %arg5[%dma_start3A, %dma_start3A_3] : memref<10x128xi32, #tpu.memory_space<vmem>> -> memref<1x128xi32, #tpu.memory_space<vmem>>
    %dma_start3A_5 = tpu.memref_squeeze %dma_start3A_4 : memref<1x128xi32, #tpu.memory_space<vmem>> -> memref<128xi32, #tpu.memory_space<vmem>>
    %dma_start3A_6 = arith.constant 0 : i32
    %dma_start3A_7 = arith.constant 0 : i32
    %dma_start3A_8 = tpu.memref_slice %arg2[%dma_start3A_6, %dma_start3A_7] : memref<100000x128xf32, #tpu.memory_space<hbm>> -> memref<100000x128xf32, #tpu.memory_space<hbm>>
    tpu.enqueue_indirect_dma source(%dma_start3A_8 : memref<100000x128xf32, #tpu.memory_space<hbm>>) target(%arg6 : memref<128x128xf32, #tpu.memory_space<vmem>>) offsets(%dma_start3A_5 : memref<128xi32, #tpu.memory_space<vmem>>) semaphore(%arg8 : memref<!tpu.dma_semaphore, #tpu.memory_space<semaphore_mem>>)
    %scan3A = arith.constant 0 : i32
    %scan3A_9 = arith.constant 0 : i32
    %scan3A_10 = arith.constant 5 : i32
    %scan3A_11 = arith.addi %scan3A_9, %scan3A_10 : i32
    %scan3A_12 = arith.constant 1 : i32
    scf.for %scan3A_25 = %scan3A_9 to %scan3A_11 step %scan3A_12  : i32 {
      %mul3A_26 = arith.constant 2 : i32
      %mul3A_27 = arith.muli %scan3A_25, %mul3A_26 : i32
      %add3A_28 = arith.constant 0 : i32
      %add3A_29 = arith.addi %mul3A_27, %add3A_28 : i32
      %add3A_30 = arith.constant 1 : i32
      %add3A_31 = arith.addi %add3A_29, %add3A_30 : i32
      %lt3A = arith.constant 10 : i32
      %lt3A_32 = arith.cmpi slt, %add3A_31, %lt3A : i32
      %convert_element_type3A = arith.extui %lt3A_32 : i1 to i32
      %cond3A = arith.constant 0 : i32
      %cond3A_33 = arith.cmpi ne, %convert_element_type3A, %cond3A : i32
      scf.if %cond3A_33 {
        %ge3A = arith.constant 2 : i32
        %ge3A_71 = arith.cmpi sge, %add3A_31, %ge3A : i32
        %convert_element_type3A_72 = arith.extui %ge3A_71 : i1 to i32
        %cond3A_73 = arith.constant 0 : i32
        %cond3A_74 = arith.cmpi ne, %convert_element_type3A_72, %cond3A_73 : i32
        scf.if %cond3A_74 {
          %dma_wait3A_81 = arith.constant 0 : i32
          %dma_wait3A_82 = arith.constant 0 : i32
          %dma_wait3A_83 = tpu.memref_slice %arg4[%dma_wait3A_81, %dma_wait3A_82] : memref<40960x128xf32, #tpu.memory_space<hbm>> -> memref<128x128xf32, #tpu.memory_space<hbm>>
          %dma_wait3A_84 = arith.constant 0 : i32
          %dma_wait3A_85 = arith.constant 0 : i32
          %dma_wait3A_86 = tpu.memref_slice %arg4[%dma_wait3A_84, %dma_wait3A_85] : memref<40960x128xf32, #tpu.memory_space<hbm>> -> memref<128x128xf32, #tpu.memory_space<hbm>>
          tpu.wait_dma2 semaphore(%arg11 : memref<!tpu.dma_semaphore, #tpu.memory_space<semaphore_mem>>) src(%arg7 : memref<128x128xf32, #tpu.memory_space<vmem>>) dst(%dma_wait3A_86 : memref<128x128xf32, #tpu.memory_space<hbm>>)
        } else {
        }
        %dma_start3A_75 = arith.constant 0 : i32
        %dma_start3A_76 = tpu.memref_slice %arg5[%add3A_31, %dma_start3A_75] : memref<10x128xi32, #tpu.memory_space<vmem>> -> memref<1x128xi32, #tpu.memory_space<vmem>>
        %dma_start3A_77 = tpu.memref_squeeze %dma_start3A_76 : memref<1x128xi32, #tpu.memory_space<vmem>> -> memref<128xi32, #tpu.memory_space<vmem>>
        %dma_start3A_78 = arith.constant 0 : i32
        %dma_start3A_79 = arith.constant 0 : i32
        %dma_start3A_80 = tpu.memref_slice %arg2[%dma_start3A_78, %dma_start3A_79] : memref<100000x128xf32, #tpu.memory_space<hbm>> -> memref<100000x128xf32, #tpu.memory_space<hbm>>
        tpu.enqueue_indirect_dma source(%dma_start3A_80 : memref<100000x128xf32, #tpu.memory_space<hbm>>) target(%arg7 : memref<128x128xf32, #tpu.memory_space<vmem>>) offsets(%dma_start3A_77 : memref<128xi32, #tpu.memory_space<vmem>>) semaphore(%arg9 : memref<!tpu.dma_semaphore, #tpu.memory_space<semaphore_mem>>)
      } else {
      }
      %dma_wait3A_34 = arith.constant 0 : i32
      %dma_wait3A_35 = arith.constant 0 : i32
      %dma_wait3A_36 = tpu.memref_slice %arg2[%dma_wait3A_34, %dma_wait3A_35] : memref<100000x128xf32, #tpu.memory_space<hbm>> -> memref<128x128xf32, #tpu.memory_space<hbm>>
      %dma_wait3A_37 = arith.constant 0 : i32
      %dma_wait3A_38 = arith.constant 0 : i32
      %dma_wait3A_39 = tpu.memref_slice %arg2[%dma_wait3A_37, %dma_wait3A_38] : memref<100000x128xf32, #tpu.memory_space<hbm>> -> memref<128x128xf32, #tpu.memory_space<hbm>>
      tpu.wait_dma2 semaphore(%arg8 : memref<!tpu.dma_semaphore, #tpu.memory_space<semaphore_mem>>) src(%dma_wait3A_39 : memref<128x128xf32, #tpu.memory_space<hbm>>) dst(%arg6 : memref<128x128xf32, #tpu.memory_space<vmem>>)
      %mul3A_40 = arith.constant 128 : i32
      %mul3A_41 = arith.muli %add3A_29, %mul3A_40 : i32
      %add3A_42 = arith.addi %mul3A_2, %mul3A_41 : i32
      %dma_start3A_43 = arith.constant 0 : i32
      %dma_start3A_44 = tpu.memref_slice %arg4[%add3A_42, %dma_start3A_43] : memref<40960x128xf32, #tpu.memory_space<hbm>> -> memref<128x128xf32, #tpu.memory_space<hbm>>
      %dma_start3A_45 = arith.constant 0 : i32
      %dma_start3A_46 = tpu.memref_slice %arg4[%add3A_42, %dma_start3A_45] : memref<40960x128xf32, #tpu.memory_space<hbm>> -> memref<128x128xf32, #tpu.memory_space<hbm>>
      tpu.enqueue_dma source(%arg6 : memref<128x128xf32, #tpu.memory_space<vmem>>) target(%dma_start3A_46 : memref<128x128xf32, #tpu.memory_space<hbm>>) target_semaphore(%arg10 : memref<!tpu.dma_semaphore, #tpu.memory_space<semaphore_mem>>)
      %mul3A_47 = arith.constant 2 : i32
      %mul3A_48 = arith.muli %scan3A_25, %mul3A_47 : i32
      %add3A_49 = arith.constant 1 : i32
      %add3A_50 = arith.addi %mul3A_48, %add3A_49 : i32
      %add3A_51 = arith.constant 1 : i32
      %add3A_52 = arith.addi %add3A_50, %add3A_51 : i32
      %lt3A_53 = arith.constant 10 : i32
      %lt3A_54 = arith.cmpi slt, %add3A_52, %lt3A_53 : i32
      %convert_element_type3A_55 = arith.extui %lt3A_54 : i1 to i32
      %cond3A_56 = arith.constant 0 : i32
      %cond3A_57 = arith.cmpi ne, %convert_element_type3A_55, %cond3A_56 : i32
      scf.if %cond3A_57 {
        %ge3A = arith.constant 2 : i32
        %ge3A_71 = arith.cmpi sge, %add3A_52, %ge3A : i32
        %convert_element_type3A_72 = arith.extui %ge3A_71 : i1 to i32
        %cond3A_73 = arith.constant 0 : i32
        %cond3A_74 = arith.cmpi ne, %convert_element_type3A_72, %cond3A_73 : i32
        scf.if %cond3A_74 {
          %dma_wait3A_81 = arith.constant 0 : i32
          %dma_wait3A_82 = arith.constant 0 : i32
          %dma_wait3A_83 = tpu.memref_slice %arg4[%dma_wait3A_81, %dma_wait3A_82] : memref<40960x128xf32, #tpu.memory_space<hbm>> -> memref<128x128xf32, #tpu.memory_space<hbm>>
          %dma_wait3A_84 = arith.constant 0 : i32
          %dma_wait3A_85 = arith.constant 0 : i32
          %dma_wait3A_86 = tpu.memref_slice %arg4[%dma_wait3A_84, %dma_wait3A_85] : memref<40960x128xf32, #tpu.memory_space<hbm>> -> memref<128x128xf32, #tpu.memory_space<hbm>>
          tpu.wait_dma2 semaphore(%arg10 : memref<!tpu.dma_semaphore, #tpu.memory_space<semaphore_mem>>) src(%arg6 : memref<128x128xf32, #tpu.memory_space<vmem>>) dst(%dma_wait3A_86 : memref<128x128xf32, #tpu.memory_space<hbm>>)
        } else {
        }
        %dma_start3A_75 = arith.constant 0 : i32
        %dma_start3A_76 = tpu.memref_slice %arg5[%add3A_52, %dma_start3A_75] : memref<10x128xi32, #tpu.memory_space<vmem>> -> memref<1x128xi32, #tpu.memory_space<vmem>>
        %dma_start3A_77 = tpu.memref_squeeze %dma_start3A_76 : memref<1x128xi32, #tpu.memory_space<vmem>> -> memref<128xi32, #tpu.memory_space<vmem>>
        %dma_start3A_78 = arith.constant 0 : i32
        %dma_start3A_79 = arith.constant 0 : i32
        %dma_start3A_80 = tpu.memref_slice %arg2[%dma_start3A_78, %dma_start3A_79] : memref<100000x128xf32, #tpu.memory_space<hbm>> -> memref<100000x128xf32, #tpu.memory_space<hbm>>
        tpu.enqueue_indirect_dma source(%dma_start3A_80 : memref<100000x128xf32, #tpu.memory_space<hbm>>) target(%arg6 : memref<128x128xf32, #tpu.memory_space<vmem>>) offsets(%dma_start3A_77 : memref<128xi32, #tpu.memory_space<vmem>>) semaphore(%arg8 : memref<!tpu.dma_semaphore, #tpu.memory_space<semaphore_mem>>)
      } else {
      }
      %dma_wait3A_58 = arith.constant 0 : i32
      %dma_wait3A_59 = arith.constant 0 : i32
      %dma_wait3A_60 = tpu.memref_slice %arg2[%dma_wait3A_58, %dma_wait3A_59] : memref<100000x128xf32, #tpu.memory_space<hbm>> -> memref<128x128xf32, #tpu.memory_space<hbm>>
      %dma_wait3A_61 = arith.constant 0 : i32
      %dma_wait3A_62 = arith.constant 0 : i32
      %dma_wait3A_63 = tpu.memref_slice %arg2[%dma_wait3A_61, %dma_wait3A_62] : memref<100000x128xf32, #tpu.memory_space<hbm>> -> memref<128x128xf32, #tpu.memory_space<hbm>>
      tpu.wait_dma2 semaphore(%arg9 : memref<!tpu.dma_semaphore, #tpu.memory_space<semaphore_mem>>) src(%dma_wait3A_63 : memref<128x128xf32, #tpu.memory_space<hbm>>) dst(%arg7 : memref<128x128xf32, #tpu.memory_space<vmem>>)
      %mul3A_64 = arith.constant 128 : i32
      %mul3A_65 = arith.muli %add3A_50, %mul3A_64 : i32
      %add3A_66 = arith.addi %mul3A_2, %mul3A_65 : i32
      %dma_start3A_67 = arith.constant 0 : i32
      %dma_start3A_68 = tpu.memref_slice %arg4[%add3A_66, %dma_start3A_67] : memref<40960x128xf32, #tpu.memory_space<hbm>> -> memref<128x128xf32, #tpu.memory_space<hbm>>
      %dma_start3A_69 = arith.constant 0 : i32
      %dma_start3A_70 = tpu.memref_slice %arg4[%add3A_66, %dma_start3A_69] : memref<40960x128xf32, #tpu.memory_space<hbm>> -> memref<128x128xf32, #tpu.memory_space<hbm>>
      tpu.enqueue_dma source(%arg7 : memref<128x128xf32, #tpu.memory_space<vmem>>) target(%dma_start3A_70 : memref<128x128xf32, #tpu.memory_space<hbm>>) target_semaphore(%arg11 : memref<!tpu.dma_semaphore, #tpu.memory_space<semaphore_mem>>)
    }
    %scan3A_13 = arith.constant 5 : i32
    %dma_wait3A = arith.constant 0 : i32
    %dma_wait3A_14 = arith.constant 0 : i32
    %dma_wait3A_15 = tpu.memref_slice %arg4[%dma_wait3A, %dma_wait3A_14] : memref<40960x128xf32, #tpu.memory_space<hbm>> -> memref<128x128xf32, #tpu.memory_space<hbm>>
    %dma_wait3A_16 = arith.constant 0 : i32
    %dma_wait3A_17 = arith.constant 0 : i32
    %dma_wait3A_18 = tpu.memref_slice %arg4[%dma_wait3A_16, %dma_wait3A_17] : memref<40960x128xf32, #tpu.memory_space<hbm>> -> memref<128x128xf32, #tpu.memory_space<hbm>>
    tpu.wait_dma2 semaphore(%arg10 : memref<!tpu.dma_semaphore, #tpu.memory_space<semaphore_mem>>) src(%arg6 : memref<128x128xf32, #tpu.memory_space<vmem>>) dst(%dma_wait3A_18 : memref<128x128xf32, #tpu.memory_space<hbm>>)
    %dma_wait3A_19 = arith.constant 0 : i32
    %dma_wait3A_20 = arith.constant 0 : i32
    %dma_wait3A_21 = tpu.memref_slice %arg4[%dma_wait3A_19, %dma_wait3A_20] : memref<40960x128xf32, #tpu.memory_space<hbm>> -> memref<128x128xf32, #tpu.memory_space<hbm>>
    %dma_wait3A_22 = arith.constant 0 : i32
    %dma_wait3A_23 = arith.constant 0 : i32
    %dma_wait3A_24 = tpu.memref_slice %arg4[%dma_wait3A_22, %dma_wait3A_23] : memref<40960x128xf32, #tpu.memory_space<hbm>> -> memref<128x128xf32, #tpu.memory_space<hbm>>
    tpu.wait_dma2 semaphore(%arg11 : memref<!tpu.dma_semaphore, #tpu.memory_space<semaphore_mem>>) src(%arg7 : memref<128x128xf32, #tpu.memory_space<vmem>>) dst(%dma_wait3A_24 : memref<128x128xf32, #tpu.memory_space<hbm>>)
    return
  }
}

#map = affine_map<(d0, d1) -> (0, 0)>
#map1 = affine_map<(d0, d1) -> (0, 0, 0)>
module attributes {stable_mosaic.version = 14 : i64} {
  func.func @_sc_gather(%arg0: i32, %arg1: i32, %arg2: memref<100000x128xf32, #tpu.memory_space<hbm>>, %arg3: memref<32x10x128xi32, #tpu.memory_space<hbm>>, %arg4: memref<40960x128xf32, #tpu.memory_space<hbm>>, %arg5: memref<10x128xi32, #tpu.memory_space<vmem>>, %arg6: memref<128x128xf32, #tpu.memory_space<vmem>>, %arg7: memref<128x128xf32, #tpu.memory_space<vmem>>, %arg8: memref<!tpu.dma_semaphore, #tpu.memory_space<semaphore_mem>>, %arg9: memref<!tpu.dma_semaphore, #tpu.memory_space<semaphore_mem>>, %arg10: memref<!tpu.dma_semaphore, #tpu.memory_space<semaphore_mem>>, %arg11: memref<!tpu.dma_semaphore, #tpu.memory_space<semaphore_mem>>) attributes {dimension_semantics = [#tpu.dimension_semantics<core_parallel>, #tpu.dimension_semantics<subcore_parallel>], iteration_bounds = array<i64: 2, 16>, scalar_prefetch = 0 : i64, scratch_operands = 7 : i64, tpu.core_type = #tpu.core_type<sc_vector_subcore>, window_params = [{transform_indices = #map}, {transform_indices = #map1}, {transform_indices = #map}]} {
    %mul3A = arith.constant 2 : i32
    %mul3A_0 = arith.muli %arg1, %mul3A : i32
    %add3A = arith.addi %mul3A_0, %arg0 : i32
    %mul3A_1 = arith.constant 1280 : i32
    %mul3A_2 = arith.muli %add3A, %mul3A_1 : i32
    "tpu.region"() ({
      %run_scoped3A = tpu.sem_alloc : memref<!tpu.dma_semaphore, #tpu.memory_space<semaphore_mem>>
      %dma_start3A_25 = arith.constant 0 : i32
      %dma_start3A_26 = arith.constant 0 : i32
      %dma_start3A_27 = tpu.memref_slice %arg3[%add3A, %dma_start3A_25, %dma_start3A_26] : memref<32x10x128xi32, #tpu.memory_space<hbm>> -> memref<1x10x128xi32, #tpu.memory_space<hbm>>
      %dma_start3A_28 = tpu.memref_squeeze %dma_start3A_27 : memref<1x10x128xi32, #tpu.memory_space<hbm>> -> memref<10x128xi32, #tpu.memory_space<hbm>>
      %dma_start3A_29 = arith.constant 0 : i32
      %dma_start3A_30 = arith.constant 0 : i32
      %dma_start3A_31 = tpu.memref_slice %arg3[%add3A, %dma_start3A_29, %dma_start3A_30] : memref<32x10x128xi32, #tpu.memory_space<hbm>> -> memref<1x10x128xi32, #tpu.memory_space<hbm>>
      %dma_start3A_32 = tpu.memref_squeeze %dma_start3A_31 : memref<1x10x128xi32, #tpu.memory_space<hbm>> -> memref<10x128xi32, #tpu.memory_space<hbm>>
      tpu.enqueue_dma source(%dma_start3A_32 : memref<10x128xi32, #tpu.memory_space<hbm>>) target(%arg5 : memref<10x128xi32, #tpu.memory_space<vmem>>) target_semaphore(%run_scoped3A : memref<!tpu.dma_semaphore, #tpu.memory_space<semaphore_mem>>)
      %dma_wait3A_33 = arith.constant 0 : i32
      %dma_wait3A_34 = arith.constant 0 : i32
      %dma_wait3A_35 = tpu.memref_slice %arg3[%add3A, %dma_wait3A_33, %dma_wait3A_34] : memref<32x10x128xi32, #tpu.memory_space<hbm>> -> memref<1x10x128xi32, #tpu.memory_space<hbm>>
      %dma_wait3A_36 = tpu.memref_squeeze %dma_wait3A_35 : memref<1x10x128xi32, #tpu.memory_space<hbm>> -> memref<10x128xi32, #tpu.memory_space<hbm>>
      %dma_wait3A_37 = arith.constant 0 : i32
      %dma_wait3A_38 = arith.constant 0 : i32
      %dma_wait3A_39 = tpu.memref_slice %arg3[%add3A, %dma_wait3A_37, %dma_wait3A_38] : memref<32x10x128xi32, #tpu.memory_space<hbm>> -> memref<1x10x128xi32, #tpu.memory_space<hbm>>
      %dma_wait3A_40 = tpu.memref_squeeze %dma_wait3A_39 : memref<1x10x128xi32, #tpu.memory_space<hbm>> -> memref<10x128xi32, #tpu.memory_space<hbm>>
      tpu.wait_dma2 semaphore(%run_scoped3A : memref<!tpu.dma_semaphore, #tpu.memory_space<semaphore_mem>>) src(%dma_wait3A_40 : memref<10x128xi32, #tpu.memory_space<hbm>>) dst(%arg5 : memref<10x128xi32, #tpu.memory_space<vmem>>)
      tpu.yield
    }) : () -> ()
    %dma_start3A = arith.constant 0 : i32
    %dma_start3A_3 = arith.constant 0 : i32
    %dma_start3A_4 = tpu.memref_slice %arg5[%dma_start3A, %dma_start3A_3] : memref<10x128xi32, #tpu.memory_space<vmem>> -> memref<1x128xi32, #tpu.memory_space<vmem>>
    %dma_start3A_5 = tpu.memref_squeeze %dma_start3A_4 : memref<1x128xi32, #tpu.memory_space<vmem>> -> memref<128xi32, #tpu.memory_space<vmem>>
    %dma_start3A_6 = arith.constant 0 : i32
    %dma_start3A_7 = arith.constant 0 : i32
    %dma_start3A_8 = tpu.memref_slice %arg2[%dma_start3A_6, %dma_start3A_7] : memref<100000x128xf32, #tpu.memory_space<hbm>> -> memref<100000x128xf32, #tpu.memory_space<hbm>>
    tpu.enqueue_indirect_dma source(%dma_start3A_8 : memref<100000x128xf32, #tpu.memory_space<hbm>>) target(%arg6 : memref<128x128xf32, #tpu.memory_space<vmem>>) offsets(%dma_start3A_5 : memref<128xi32, #tpu.memory_space<vmem>>) semaphore(%arg8 : memref<!tpu.dma_semaphore, #tpu.memory_space<semaphore_mem>>)
    %scan3A = arith.constant 0 : i32
    %scan3A_9 = arith.constant 0 : i32
    %scan3A_10 = arith.constant 5 : i32
    %scan3A_11 = arith.addi %scan3A_9, %scan3A_10 : i32
    %scan3A_12 = arith.constant 1 : i32
    scf.for %scan3A_25 = %scan3A_9 to %scan3A_11 step %scan3A_12  : i32 {
      %mul3A_26 = arith.constant 2 : i32
      %mul3A_27 = arith.muli %scan3A_25, %mul3A_26 : i32
      %add3A_28 = arith.constant 0 : i32
      %add3A_29 = arith.addi %mul3A_27, %add3A_28 : i32
      %add3A_30 = arith.constant 1 : i32
      %add3A_31 = arith.addi %add3A_29, %add3A_30 : i32
      %lt3A = arith.constant 10 : i32
      %lt3A_32 = arith.cmpi slt, %add3A_31, %lt3A : i32
      %convert_element_type3A = arith.extui %lt3A_32 : i1 to i32
      %cond3A = arith.constant 0 : i32
      %cond3A_33 = arith.cmpi ne, %convert_element_type3A, %cond3A : i32
      scf.if %cond3A_33 {
        %ge3A = arith.constant 2 : i32
        %ge3A_71 = arith.cmpi sge, %add3A_31, %ge3A : i32
        %convert_element_type3A_72 = arith.extui %ge3A_71 : i1 to i32
        %cond3A_73 = arith.constant 0 : i32
        %cond3A_74 = arith.cmpi ne, %convert_element_type3A_72, %cond3A_73 : i32
        scf.if %cond3A_74 {
          %dma_wait3A_81 = arith.constant 0 : i32
          %dma_wait3A_82 = arith.constant 0 : i32
          %dma_wait3A_83 = tpu.memref_slice %arg4[%dma_wait3A_81, %dma_wait3A_82] : memref<40960x128xf32, #tpu.memory_space<hbm>> -> memref<128x128xf32, #tpu.memory_space<hbm>>
          %dma_wait3A_84 = arith.constant 0 : i32
          %dma_wait3A_85 = arith.constant 0 : i32
          %dma_wait3A_86 = tpu.memref_slice %arg4[%dma_wait3A_84, %dma_wait3A_85] : memref<40960x128xf32, #tpu.memory_space<hbm>> -> memref<128x128xf32, #tpu.memory_space<hbm>>
          tpu.wait_dma2 semaphore(%arg11 : memref<!tpu.dma_semaphore, #tpu.memory_space<semaphore_mem>>) src(%arg7 : memref<128x128xf32, #tpu.memory_space<vmem>>) dst(%dma_wait3A_86 : memref<128x128xf32, #tpu.memory_space<hbm>>)
        } else {
        }
        %dma_start3A_75 = arith.constant 0 : i32
        %dma_start3A_76 = tpu.memref_slice %arg5[%add3A_31, %dma_start3A_75] : memref<10x128xi32, #tpu.memory_space<vmem>> -> memref<1x128xi32, #tpu.memory_space<vmem>>
        %dma_start3A_77 = tpu.memref_squeeze %dma_start3A_76 : memref<1x128xi32, #tpu.memory_space<vmem>> -> memref<128xi32, #tpu.memory_space<vmem>>
        %dma_start3A_78 = arith.constant 0 : i32
        %dma_start3A_79 = arith.constant 0 : i32
        %dma_start3A_80 = tpu.memref_slice %arg2[%dma_start3A_78, %dma_start3A_79] : memref<100000x128xf32, #tpu.memory_space<hbm>> -> memref<100000x128xf32, #tpu.memory_space<hbm>>
        tpu.enqueue_indirect_dma source(%dma_start3A_80 : memref<100000x128xf32, #tpu.memory_space<hbm>>) target(%arg7 : memref<128x128xf32, #tpu.memory_space<vmem>>) offsets(%dma_start3A_77 : memref<128xi32, #tpu.memory_space<vmem>>) semaphore(%arg9 : memref<!tpu.dma_semaphore, #tpu.memory_space<semaphore_mem>>)
      } else {
      }
      %dma_wait3A_34 = arith.constant 0 : i32
      %dma_wait3A_35 = arith.constant 0 : i32
      %dma_wait3A_36 = tpu.memref_slice %arg2[%dma_wait3A_34, %dma_wait3A_35] : memref<100000x128xf32, #tpu.memory_space<hbm>> -> memref<128x128xf32, #tpu.memory_space<hbm>>
      %dma_wait3A_37 = arith.constant 0 : i32
      %dma_wait3A_38 = arith.constant 0 : i32
      %dma_wait3A_39 = tpu.memref_slice %arg2[%dma_wait3A_37, %dma_wait3A_38] : memref<100000x128xf32, #tpu.memory_space<hbm>> -> memref<128x128xf32, #tpu.memory_space<hbm>>
      tpu.wait_dma2 semaphore(%arg8 : memref<!tpu.dma_semaphore, #tpu.memory_space<semaphore_mem>>) src(%dma_wait3A_39 : memref<128x128xf32, #tpu.memory_space<hbm>>) dst(%arg6 : memref<128x128xf32, #tpu.memory_space<vmem>>)
      %mul3A_40 = arith.constant 128 : i32
      %mul3A_41 = arith.muli %add3A_29, %mul3A_40 : i32
      %add3A_42 = arith.addi %mul3A_2, %mul3A_41 : i32
      %dma_start3A_43 = arith.constant 0 : i32
      %dma_start3A_44 = tpu.memref_slice %arg4[%add3A_42, %dma_start3A_43] : memref<40960x128xf32, #tpu.memory_space<hbm>> -> memref<128x128xf32, #tpu.memory_space<hbm>>
      %dma_start3A_45 = arith.constant 0 : i32
      %dma_start3A_46 = tpu.memref_slice %arg4[%add3A_42, %dma_start3A_45] : memref<40960x128xf32, #tpu.memory_space<hbm>> -> memref<128x128xf32, #tpu.memory_space<hbm>>
      tpu.enqueue_dma source(%arg6 : memref<128x128xf32, #tpu.memory_space<vmem>>) target(%dma_start3A_46 : memref<128x128xf32, #tpu.memory_space<hbm>>) target_semaphore(%arg10 : memref<!tpu.dma_semaphore, #tpu.memory_space<semaphore_mem>>)
      %mul3A_47 = arith.constant 2 : i32
      %mul3A_48 = arith.muli %scan3A_25, %mul3A_47 : i32
      %add3A_49 = arith.constant 1 : i32
      %add3A_50 = arith.addi %mul3A_48, %add3A_49 : i32
      %add3A_51 = arith.constant 1 : i32
      %add3A_52 = arith.addi %add3A_50, %add3A_51 : i32
      %lt3A_53 = arith.constant 10 : i32
      %lt3A_54 = arith.cmpi slt, %add3A_52, %lt3A_53 : i32
      %convert_element_type3A_55 = arith.extui %lt3A_54 : i1 to i32
      %cond3A_56 = arith.constant 0 : i32
      %cond3A_57 = arith.cmpi ne, %convert_element_type3A_55, %cond3A_56 : i32
      scf.if %cond3A_57 {
        %ge3A = arith.constant 2 : i32
        %ge3A_71 = arith.cmpi sge, %add3A_52, %ge3A : i32
        %convert_element_type3A_72 = arith.extui %ge3A_71 : i1 to i32
        %cond3A_73 = arith.constant 0 : i32
        %cond3A_74 = arith.cmpi ne, %convert_element_type3A_72, %cond3A_73 : i32
        scf.if %cond3A_74 {
          %dma_wait3A_81 = arith.constant 0 : i32
          %dma_wait3A_82 = arith.constant 0 : i32
          %dma_wait3A_83 = tpu.memref_slice %arg4[%dma_wait3A_81, %dma_wait3A_82] : memref<40960x128xf32, #tpu.memory_space<hbm>> -> memref<128x128xf32, #tpu.memory_space<hbm>>
          %dma_wait3A_84 = arith.constant 0 : i32
          %dma_wait3A_85 = arith.constant 0 : i32
          %dma_wait3A_86 = tpu.memref_slice %arg4[%dma_wait3A_84, %dma_wait3A_85] : memref<40960x128xf32, #tpu.memory_space<hbm>> -> memref<128x128xf32, #tpu.memory_space<hbm>>
          tpu.wait_dma2 semaphore(%arg10 : memref<!tpu.dma_semaphore, #tpu.memory_space<semaphore_mem>>) src(%arg6 : memref<128x128xf32, #tpu.memory_space<vmem>>) dst(%dma_wait3A_86 : memref<128x128xf32, #tpu.memory_space<hbm>>)
        } else {
        }
        %dma_start3A_75 = arith.constant 0 : i32
        %dma_start3A_76 = tpu.memref_slice %arg5[%add3A_52, %dma_start3A_75] : memref<10x128xi32, #tpu.memory_space<vmem>> -> memref<1x128xi32, #tpu.memory_space<vmem>>
        %dma_start3A_77 = tpu.memref_squeeze %dma_start3A_76 : memref<1x128xi32, #tpu.memory_space<vmem>> -> memref<128xi32, #tpu.memory_space<vmem>>
        %dma_start3A_78 = arith.constant 0 : i32
        %dma_start3A_79 = arith.constant 0 : i32
        %dma_start3A_80 = tpu.memref_slice %arg2[%dma_start3A_78, %dma_start3A_79] : memref<100000x128xf32, #tpu.memory_space<hbm>> -> memref<100000x128xf32, #tpu.memory_space<hbm>>
        tpu.enqueue_indirect_dma source(%dma_start3A_80 : memref<100000x128xf32, #tpu.memory_space<hbm>>) target(%arg6 : memref<128x128xf32, #tpu.memory_space<vmem>>) offsets(%dma_start3A_77 : memref<128xi32, #tpu.memory_space<vmem>>) semaphore(%arg8 : memref<!tpu.dma_semaphore, #tpu.memory_space<semaphore_mem>>)
      } else {
      }
      %dma_wait3A_58 = arith.constant 0 : i32
      %dma_wait3A_59 = arith.constant 0 : i32
      %dma_wait3A_60 = tpu.memref_slice %arg2[%dma_wait3A_58, %dma_wait3A_59] : memref<100000x128xf32, #tpu.memory_space<hbm>> -> memref<128x128xf32, #tpu.memory_space<hbm>>
      %dma_wait3A_61 = arith.constant 0 : i32
      %dma_wait3A_62 = arith.constant 0 : i32
      %dma_wait3A_63 = tpu.memref_slice %arg2[%dma_wait3A_61, %dma_wait3A_62] : memref<100000x128xf32, #tpu.memory_space<hbm>> -> memref<128x128xf32, #tpu.memory_space<hbm>>
      tpu.wait_dma2 semaphore(%arg9 : memref<!tpu.dma_semaphore, #tpu.memory_space<semaphore_mem>>) src(%dma_wait3A_63 : memref<128x128xf32, #tpu.memory_space<hbm>>) dst(%arg7 : memref<128x128xf32, #tpu.memory_space<vmem>>)
      %mul3A_64 = arith.constant 128 : i32
      %mul3A_65 = arith.muli %add3A_50, %mul3A_64 : i32
      %add3A_66 = arith.addi %mul3A_2, %mul3A_65 : i32
      %dma_start3A_67 = arith.constant 0 : i32
      %dma_start3A_68 = tpu.memref_slice %arg4[%add3A_66, %dma_start3A_67] : memref<40960x128xf32, #tpu.memory_space<hbm>> -> memref<128x128xf32, #tpu.memory_space<hbm>>
      %dma_start3A_69 = arith.constant 0 : i32
      %dma_start3A_70 = tpu.memref_slice %arg4[%add3A_66, %dma_start3A_69] : memref<40960x128xf32, #tpu.memory_space<hbm>> -> memref<128x128xf32, #tpu.memory_space<hbm>>
      tpu.enqueue_dma source(%arg7 : memref<128x128xf32, #tpu.memory_space<vmem>>) target(%dma_start3A_70 : memref<128x128xf32, #tpu.memory_space<hbm>>) target_semaphore(%arg11 : memref<!tpu.dma_semaphore, #tpu.memory_space<semaphore_mem>>)
    }
    %scan3A_13 = arith.constant 5 : i32
    %dma_wait3A = arith.constant 0 : i32
    %dma_wait3A_14 = arith.constant 0 : i32
    %dma_wait3A_15 = tpu.memref_slice %arg4[%dma_wait3A, %dma_wait3A_14] : memref<40960x128xf32, #tpu.memory_space<hbm>> -> memref<128x128xf32, #tpu.memory_space<hbm>>
    %dma_wait3A_16 = arith.constant 0 : i32
    %dma_wait3A_17 = arith.constant 0 : i32
    %dma_wait3A_18 = tpu.memref_slice %arg4[%dma_wait3A_16, %dma_wait3A_17] : memref<40960x128xf32, #tpu.memory_space<hbm>> -> memref<128x128xf32, #tpu.memory_space<hbm>>
    tpu.wait_dma2 semaphore(%arg10 : memref<!tpu.dma_semaphore, #tpu.memory_space<semaphore_mem>>) src(%arg6 : memref<128x128xf32, #tpu.memory_space<vmem>>) dst(%dma_wait3A_18 : memref<128x128xf32, #tpu.memory_space<hbm>>)
    %dma_wait3A_19 = arith.constant 0 : i32
    %dma_wait3A_20 = arith.constant 0 : i32
    %dma_wait3A_21 = tpu.memref_slice %arg4[%dma_wait3A_19, %dma_wait3A_20] : memref<40960x128xf32, #tpu.memory_space<hbm>> -> memref<128x128xf32, #tpu.memory_space<hbm>>
    %dma_wait3A_22 = arith.constant 0 : i32
    %dma_wait3A_23 = arith.constant 0 : i32
    %dma_wait3A_24 = tpu.memref_slice %arg4[%dma_wait3A_22, %dma_wait3A_23] : memref<40960x128xf32, #tpu.memory_space<hbm>> -> memref<128x128xf32, #tpu.memory_space<hbm>>
    tpu.wait_dma2 semaphore(%arg11 : memref<!tpu.dma_semaphore, #tpu.memory_space<semaphore_mem>>) src(%arg7 : memref<128x128xf32, #tpu.memory_space<vmem>>) dst(%dma_wait3A_24 : memref<128x128xf32, #tpu.memory_space<hbm>>)
    return
  }
}

module attributes {stable_mosaic.version = 14 : i64} {
  func.func @_negc_body(%arg0: i32, %arg1: memref<5000x128xf32, #tpu.memory_space<vmem>>, %arg2: memref<1x128xf32, #tpu.memory_space<vmem>>, %arg3: memref<1x128xf32, #tpu.memory_space<vmem>>) attributes {dimension_semantics = [#tpu.dimension_semantics<arbitrary>], iteration_bounds = array<i64: 20>, scalar_prefetch = 0 : i64, scratch_operands = 1 : i64, tpu.core_type = #tpu.core_type<tc>, window_params = [{transform_indices = @transform_0, window_bounds = array<i64: 5000, 128>}, {pipeline_mode = #tpu.pipeline_mode<synchronous>, transform_indices = @transform_1, window_bounds = array<i64: 1, 128>}]} {
    %eq3A = arith.constant 0 : i32
    %eq3A_0 = arith.cmpi eq, %arg0, %eq3A : i32
    %convert_element_type3A = arith.extui %eq3A_0 : i1 to i32
    %cond3A = arith.constant 0 : i32
    %cond3A_1 = arith.cmpi ne, %convert_element_type3A, %cond3A : i32
    scf.if %cond3A_1 {
      %broadcast_in_dim3A_17 = arith.constant 0.000000e+00 : f32
      %broadcast_in_dim3A_18 = vector.broadcast %broadcast_in_dim3A_17 : f32 to vector<1x128xf32>
      %swap3A_19 = arith.constant 0 : index
      %swap3A_20 = arith.constant 0 : index
      %swap3A_21 = vector.load %arg3[%swap3A_19, %swap3A_20] : memref<1x128xf32, #tpu.memory_space<vmem>>, vector<1x128xf32>
      tpu.vector_store %arg3[%swap3A_19, %swap3A_20], %broadcast_in_dim3A_18 {strides = array<i32>} : memref<1x128xf32, #tpu.memory_space<vmem>>, vector<1x128xf32>,
    } else {
    }
    %get3A = arith.constant 0 : index
    %get3A_2 = arith.constant 0 : index
    %get3A_3 = vector.load %arg3[%get3A, %get3A_2] : memref<1x128xf32, #tpu.memory_space<vmem>>, vector<1x128xf32>
    %get3A_4 = arith.constant 0 : index
    %get3A_5 = arith.constant 0 : index
    %get3A_6 = vector.load %arg1[%get3A_4, %get3A_5] : memref<5000x128xf32, #tpu.memory_space<vmem>>, vector<5000x128xf32>
    %sub3A = arith.constant 1.200000e+01 : f32
    %sub3A_7 = vector.broadcast %sub3A : f32 to vector<5000x128xf32>
    %sub3A_8 = arith.subf %get3A_6, %sub3A_7 : vector<5000x128xf32>
    %exp3A = math.exp %sub3A_8 : vector<5000x128xf32>
    %reduce_sum3A = arith.constant dense<0.000000e+00> : vector<128xf32>
    %reduce_sum3A_9 = vector.multi_reduction <add>, %exp3A, %reduce_sum3A [0] : vector<5000x128xf32> to vector<128xf32>
    %broadcast_in_dim3A = vector.shape_cast %reduce_sum3A_9 : vector<128xf32> to vector<1x128xf32>
    %add3A = arith.addf %get3A_3, %broadcast_in_dim3A : vector<1x128xf32>
    %swap3A = arith.constant 0 : index
    %swap3A_10 = arith.constant 0 : index
    %swap3A_11 = vector.load %arg3[%swap3A, %swap3A_10] : memref<1x128xf32, #tpu.memory_space<vmem>>, vector<1x128xf32>
    tpu.vector_store %arg3[%swap3A, %swap3A_10], %add3A {strides = array<i32>} : memref<1x128xf32, #tpu.memory_space<vmem>>, vector<1x128xf32>,
    %eq3A_12 = arith.constant 19 : i32
    %eq3A_13 = arith.cmpi eq, %arg0, %eq3A_12 : i32
    %convert_element_type3A_14 = arith.extui %eq3A_13 : i1 to i32
    %cond3A_15 = arith.constant 0 : i32
    %cond3A_16 = arith.cmpi ne, %convert_element_type3A_14, %cond3A_15 : i32
    scf.if %cond3A_16 {
      %get3A_17 = arith.constant 0 : index
      %get3A_18 = arith.constant 0 : index
      %get3A_19 = vector.load %arg3[%get3A_17, %get3A_18] : memref<1x128xf32, #tpu.memory_space<vmem>>, vector<1x128xf32>
      %log3A = math.log %get3A_19 : vector<1x128xf32>
      %add3A_20 = arith.constant 1.200000e+01 : f32
      %add3A_21 = vector.broadcast %add3A_20 : f32 to vector<1x128xf32>
      %add3A_22 = arith.addf %add3A_21, %log3A : vector<1x128xf32>
      %neg3A = arith.constant 0.000000e+00 : f32
      %neg3A_23 = vector.broadcast %neg3A : f32 to vector<1x128xf32>
      %neg3A_24 = arith.subf %neg3A_23, %add3A_22 : vector<1x128xf32>
      %swap3A_25 = arith.constant 0 : index
      %swap3A_26 = arith.constant 0 : index
      %swap3A_27 = vector.load %arg2[%swap3A_25, %swap3A_26] : memref<1x128xf32, #tpu.memory_space<vmem>>, vector<1x128xf32>
      tpu.vector_store %arg2[%swap3A_25, %swap3A_26], %neg3A_24 {strides = array<i32>} : memref<1x128xf32, #tpu.memory_space<vmem>>, vector<1x128xf32>,
    } else {
    }
    return
  }
  func.func @transform_0(%arg0: i32) -> (i32, i32) {
    %c0_i32 = arith.constant 0 : i32
    %c0_i32_0 = arith.constant 0 : i32
    return %arg0, %c0_i32 : i32, i32
  }
  func.func @transform_1(%arg0: i32) -> (i32, i32) {
    %c0_i32 = arith.constant 0 : i32
    %c0_i32_0 = arith.constant 0 : i32
    %c0_i32_1 = arith.constant 0 : i32
    return %c0_i32, %c0_i32_0 : i32, i32
  }
}

module attributes {stable_mosaic.version = 14 : i64} {
  func.func @_bias_next_body(%arg0: i32, %arg1: memref<204800x128xf32, #tpu.memory_space<any>>, %arg2: memref<5120x128xf32, #tpu.memory_space<vmem>>, %arg3: memref<1x128xf32, #tpu.memory_space<vmem>>, %arg4: memref<5120x128xf32, #tpu.memory_space<vmem>>) attributes {dimension_semantics = [#tpu.dimension_semantics<parallel>], iteration_bounds = array<i64: 8>, scalar_prefetch = 0 : i64, scratch_operands = 0 : i64, tpu.core_type = #tpu.core_type<tc>, window_params = [{}, {transform_indices = @transform_1, window_bounds = array<i64: 5120, 128>}, {pipeline_mode = #tpu.pipeline_mode<synchronous>, transform_indices = @transform_2, window_bounds = array<i64: 1, 128>}, {transform_indices = @transform_3, window_bounds = array<i64: 5120, 128>}]} {
    %get3A = arith.constant 0 : index
    %get3A_0 = arith.constant 0 : index
    %get3A_1 = vector.load %arg2[%get3A, %get3A_0] : memref<5120x128xf32, #tpu.memory_space<vmem>>, vector<5120x128xf32>
    %get3A_2 = arith.constant 0 : index
    %get3A_3 = arith.constant 0 : index
    %get3A_4 = vector.load %arg3[%get3A_2, %get3A_3] : memref<1x128xf32, #tpu.memory_space<vmem>>, vector<1x128xf32>
    %add3A = vector.broadcast %get3A_4 : vector<1x128xf32> to vector<5120x128xf32>
    %add3A_5 = arith.addf %get3A_1, %add3A : vector<5120x128xf32>
    %swap3A = arith.constant 0 : index
    %swap3A_6 = arith.constant 0 : index
    %swap3A_7 = vector.load %arg4[%swap3A, %swap3A_6] : memref<5120x128xf32, #tpu.memory_space<vmem>>, vector<5120x128xf32>
    tpu.vector_store %arg4[%swap3A, %swap3A_6], %add3A_5 {strides = array<i32>} : memref<5120x128xf32, #tpu.memory_space<vmem>>, vector<5120x128xf32>,
    return
  }
  func.func @transform_1(%arg0: i32) -> (i32, i32) {
    %c0_i32 = arith.constant 0 : i32
    %c0_i32_0 = arith.constant 0 : i32
    return %arg0, %c0_i32 : i32, i32
  }
  func.func @transform_2(%arg0: i32) -> (i32, i32) {
    %c0_i32 = arith.constant 0 : i32
    %c0_i32_0 = arith.constant 0 : i32
    %c0_i32_1 = arith.constant 0 : i32
    return %c0_i32, %c0_i32_0 : i32, i32
  }
  func.func @transform_3(%arg0: i32) -> (i32, i32) {
    %add3A = arith.constant 8 : i32
    %add3A_0 = arith.addi %add3A, %arg0 : i32
    %c0_i32 = arith.constant 0 : i32
    %c0_i32_1 = arith.constant 0 : i32
    return %add3A_0, %c0_i32 : i32, i32
  }
}

module attributes {stable_mosaic.version = 14 : i64} {
  func.func @_bias_first_body(%arg0: i32, %arg1: memref<5120x128xf32, #tpu.memory_space<vmem>>, %arg2: memref<1x128xf32, #tpu.memory_space<vmem>>, %arg3: memref<5120x128xf32, #tpu.memory_space<vmem>>) attributes {dimension_semantics = [#tpu.dimension_semantics<parallel>], iteration_bounds = array<i64: 8>, scalar_prefetch = 0 : i64, scratch_operands = 0 : i64, tpu.core_type = #tpu.core_type<tc>, window_params = [{transform_indices = @transform_0, window_bounds = array<i64: 5120, 128>}, {pipeline_mode = #tpu.pipeline_mode<synchronous>, transform_indices = @transform_1, window_bounds = array<i64: 1, 128>}, {transform_indices = @transform_2, window_bounds = array<i64: 5120, 128>}]} {
    %get3A = arith.constant 0 : index
    %get3A_0 = arith.constant 0 : index
    %get3A_1 = vector.load %arg1[%get3A, %get3A_0] : memref<5120x128xf32, #tpu.memory_space<vmem>>, vector<5120x128xf32>
    %get3A_2 = arith.constant 0 : index
    %get3A_3 = arith.constant 0 : index
    %get3A_4 = vector.load %arg2[%get3A_2, %get3A_3] : memref<1x128xf32, #tpu.memory_space<vmem>>, vector<1x128xf32>
    %add3A = vector.broadcast %get3A_4 : vector<1x128xf32> to vector<5120x128xf32>
    %add3A_5 = arith.addf %get3A_1, %add3A : vector<5120x128xf32>
    %swap3A = arith.constant 0 : index
    %swap3A_6 = arith.constant 0 : index
    %swap3A_7 = vector.load %arg3[%swap3A, %swap3A_6] : memref<5120x128xf32, #tpu.memory_space<vmem>>, vector<5120x128xf32>
    tpu.vector_store %arg3[%swap3A, %swap3A_6], %add3A_5 {strides = array<i32>} : memref<5120x128xf32, #tpu.memory_space<vmem>>, vector<5120x128xf32>,
    return
  }
  func.func @transform_0(%arg0: i32) -> (i32, i32) {
    %c0_i32 = arith.constant 0 : i32
    %c0_i32_0 = arith.constant 0 : i32
    return %arg0, %c0_i32 : i32, i32
  }
  func.func @transform_1(%arg0: i32) -> (i32, i32) {
    %c0_i32 = arith.constant 0 : i32
    %c0_i32_0 = arith.constant 0 : i32
    %c0_i32_1 = arith.constant 0 : i32
    return %c0_i32, %c0_i32_0 : i32, i32
  }
  func.func @transform_2(%arg0: i32) -> (i32, i32) {
    %add3A = arith.constant 0 : i32
    %add3A_0 = arith.addi %add3A, %arg0 : i32
    %c0_i32 = arith.constant 0 : i32
    %c0_i32_1 = arith.constant 0 : i32
    return %add3A_0, %c0_i32 : i32, i32
  }
}

module attributes {stable_mosaic.version = 14 : i64} {
  func.func @_bias_next_body(%arg0: i32, %arg1: memref<204800x128xf32, #tpu.memory_space<any>>, %arg2: memref<5120x128xf32, #tpu.memory_space<vmem>>, %arg3: memref<1x128xf32, #tpu.memory_space<vmem>>, %arg4: memref<5120x128xf32, #tpu.memory_space<vmem>>) attributes {dimension_semantics = [#tpu.dimension_semantics<parallel>], iteration_bounds = array<i64: 8>, scalar_prefetch = 0 : i64, scratch_operands = 0 : i64, tpu.core_type = #tpu.core_type<tc>, window_params = [{}, {transform_indices = @transform_1, window_bounds = array<i64: 5120, 128>}, {pipeline_mode = #tpu.pipeline_mode<synchronous>, transform_indices = @transform_2, window_bounds = array<i64: 1, 128>}, {transform_indices = @transform_3, window_bounds = array<i64: 5120, 128>}]} {
    %get3A = arith.constant 0 : index
    %get3A_0 = arith.constant 0 : index
    %get3A_1 = vector.load %arg2[%get3A, %get3A_0] : memref<5120x128xf32, #tpu.memory_space<vmem>>, vector<5120x128xf32>
    %get3A_2 = arith.constant 0 : index
    %get3A_3 = arith.constant 0 : index
    %get3A_4 = vector.load %arg3[%get3A_2, %get3A_3] : memref<1x128xf32, #tpu.memory_space<vmem>>, vector<1x128xf32>
    %add3A = vector.broadcast %get3A_4 : vector<1x128xf32> to vector<5120x128xf32>
    %add3A_5 = arith.addf %get3A_1, %add3A : vector<5120x128xf32>
    %swap3A = arith.constant 0 : index
    %swap3A_6 = arith.constant 0 : index
    %swap3A_7 = vector.load %arg4[%swap3A, %swap3A_6] : memref<5120x128xf32, #tpu.memory_space<vmem>>, vector<5120x128xf32>
    tpu.vector_store %arg4[%swap3A, %swap3A_6], %add3A_5 {strides = array<i32>} : memref<5120x128xf32, #tpu.memory_space<vmem>>, vector<5120x128xf32>,
    return
  }
  func.func @transform_1(%arg0: i32) -> (i32, i32) {
    %c0_i32 = arith.constant 0 : i32
    %c0_i32_0 = arith.constant 0 : i32
    return %arg0, %c0_i32 : i32, i32
  }
  func.func @transform_2(%arg0: i32) -> (i32, i32) {
    %c0_i32 = arith.constant 0 : i32
    %c0_i32_0 = arith.constant 0 : i32
    %c0_i32_1 = arith.constant 0 : i32
    return %c0_i32, %c0_i32_0 : i32, i32
  }
  func.func @transform_3(%arg0: i32) -> (i32, i32) {
    %add3A = arith.constant 16 : i32
    %add3A_0 = arith.addi %add3A, %arg0 : i32
    %c0_i32 = arith.constant 0 : i32
    %c0_i32_1 = arith.constant 0 : i32
    return %add3A_0, %c0_i32 : i32, i32
  }
}

module attributes {stable_mosaic.version = 14 : i64} {
  func.func @_bias_next_body(%arg0: i32, %arg1: memref<204800x128xf32, #tpu.memory_space<any>>, %arg2: memref<5120x128xf32, #tpu.memory_space<vmem>>, %arg3: memref<1x128xf32, #tpu.memory_space<vmem>>, %arg4: memref<5120x128xf32, #tpu.memory_space<vmem>>) attributes {dimension_semantics = [#tpu.dimension_semantics<parallel>], iteration_bounds = array<i64: 8>, scalar_prefetch = 0 : i64, scratch_operands = 0 : i64, tpu.core_type = #tpu.core_type<tc>, window_params = [{}, {transform_indices = @transform_1, window_bounds = array<i64: 5120, 128>}, {pipeline_mode = #tpu.pipeline_mode<synchronous>, transform_indices = @transform_2, window_bounds = array<i64: 1, 128>}, {transform_indices = @transform_3, window_bounds = array<i64: 5120, 128>}]} {
    %get3A = arith.constant 0 : index
    %get3A_0 = arith.constant 0 : index
    %get3A_1 = vector.load %arg2[%get3A, %get3A_0] : memref<5120x128xf32, #tpu.memory_space<vmem>>, vector<5120x128xf32>
    %get3A_2 = arith.constant 0 : index
    %get3A_3 = arith.constant 0 : index
    %get3A_4 = vector.load %arg3[%get3A_2, %get3A_3] : memref<1x128xf32, #tpu.memory_space<vmem>>, vector<1x128xf32>
    %add3A = vector.broadcast %get3A_4 : vector<1x128xf32> to vector<5120x128xf32>
    %add3A_5 = arith.addf %get3A_1, %add3A : vector<5120x128xf32>
    %swap3A = arith.constant 0 : index
    %swap3A_6 = arith.constant 0 : index
    %swap3A_7 = vector.load %arg4[%swap3A, %swap3A_6] : memref<5120x128xf32, #tpu.memory_space<vmem>>, vector<5120x128xf32>
    tpu.vector_store %arg4[%swap3A, %swap3A_6], %add3A_5 {strides = array<i32>} : memref<5120x128xf32, #tpu.memory_space<vmem>>, vector<5120x128xf32>,
    return
  }
  func.func @transform_1(%arg0: i32) -> (i32, i32) {
    %c0_i32 = arith.constant 0 : i32
    %c0_i32_0 = arith.constant 0 : i32
    return %arg0, %c0_i32 : i32, i32
  }
  func.func @transform_2(%arg0: i32) -> (i32, i32) {
    %c0_i32 = arith.constant 0 : i32
    %c0_i32_0 = arith.constant 0 : i32
    %c0_i32_1 = arith.constant 0 : i32
    return %c0_i32, %c0_i32_0 : i32, i32
  }
  func.func @transform_3(%arg0: i32) -> (i32, i32) {
    %add3A = arith.constant 32 : i32
    %add3A_0 = arith.addi %add3A, %arg0 : i32
    %c0_i32 = arith.constant 0 : i32
    %c0_i32_1 = arith.constant 0 : i32
    return %add3A_0, %c0_i32 : i32, i32
  }
}

module attributes {stable_mosaic.version = 14 : i64} {
  func.func @_bias_next_body(%arg0: i32, %arg1: memref<204800x128xf32, #tpu.memory_space<any>>, %arg2: memref<5120x128xf32, #tpu.memory_space<vmem>>, %arg3: memref<1x128xf32, #tpu.memory_space<vmem>>, %arg4: memref<5120x128xf32, #tpu.memory_space<vmem>>) attributes {dimension_semantics = [#tpu.dimension_semantics<parallel>], iteration_bounds = array<i64: 8>, scalar_prefetch = 0 : i64, scratch_operands = 0 : i64, tpu.core_type = #tpu.core_type<tc>, window_params = [{}, {transform_indices = @transform_1, window_bounds = array<i64: 5120, 128>}, {pipeline_mode = #tpu.pipeline_mode<synchronous>, transform_indices = @transform_2, window_bounds = array<i64: 1, 128>}, {transform_indices = @transform_3, window_bounds = array<i64: 5120, 128>}]} {
    %get3A = arith.constant 0 : index
    %get3A_0 = arith.constant 0 : index
    %get3A_1 = vector.load %arg2[%get3A, %get3A_0] : memref<5120x128xf32, #tpu.memory_space<vmem>>, vector<5120x128xf32>
    %get3A_2 = arith.constant 0 : index
    %get3A_3 = arith.constant 0 : index
    %get3A_4 = vector.load %arg3[%get3A_2, %get3A_3] : memref<1x128xf32, #tpu.memory_space<vmem>>, vector<1x128xf32>
    %add3A = vector.broadcast %get3A_4 : vector<1x128xf32> to vector<5120x128xf32>
    %add3A_5 = arith.addf %get3A_1, %add3A : vector<5120x128xf32>
    %swap3A = arith.constant 0 : index
    %swap3A_6 = arith.constant 0 : index
    %swap3A_7 = vector.load %arg4[%swap3A, %swap3A_6] : memref<5120x128xf32, #tpu.memory_space<vmem>>, vector<5120x128xf32>
    tpu.vector_store %arg4[%swap3A, %swap3A_6], %add3A_5 {strides = array<i32>} : memref<5120x128xf32, #tpu.memory_space<vmem>>, vector<5120x128xf32>,
    return
  }
  func.func @transform_1(%arg0: i32) -> (i32, i32) {
    %c0_i32 = arith.constant 0 : i32
    %c0_i32_0 = arith.constant 0 : i32
    return %arg0, %c0_i32 : i32, i32
  }
  func.func @transform_2(%arg0: i32) -> (i32, i32) {
    %c0_i32 = arith.constant 0 : i32
    %c0_i32_0 = arith.constant 0 : i32
    %c0_i32_1 = arith.constant 0 : i32
    return %c0_i32, %c0_i32_0 : i32, i32
  }
  func.func @transform_3(%arg0: i32) -> (i32, i32) {
    %add3A = arith.constant 24 : i32
    %add3A_0 = arith.addi %add3A, %arg0 : i32
    %c0_i32 = arith.constant 0 : i32
    %c0_i32_1 = arith.constant 0 : i32
    return %add3A_0, %c0_i32 : i32, i32
  }
}

</mosaic_0001>

<sc_bundles>
// kernel: kernel.13.cloned.1.call-start
scs
__scs_entry_jumppad:
0x0: {  	(pc) =	sbr.rel $0x88, $3  }
0x1: {  	(tag) =	ssettag $0x0;
	lr =	simm.s32 $0x1  }
0x2: {  	[smem:$0x3F9F] =	sst lr;
	_ =	strace $0xD0000000  }
0x3: {  	_ = 	snop  }
0x4: {  	_ = 	snop  }
0x5: {  	_ = 	snop  }
0x6: {  	_ = 	snop  }
0x7: {  	_ = 	snop  }
__scs_overlays_trampoline_lowered:
0x8: {  	[smem:$0x3FAE] =	sst s0  }
0x9: {  	[smem:$0x3FAF] =	sst s1  }
0xa: {  	[smem:$0x3FB0] =	sst s2  }
0xb: {  	[smem:$0x3FB1] =	sst s3  }
0xc: {  	[smem:$0x3FB2] =	sst s4  }
0xd: {  	[smem:$0x3FB3] =	sst s5  }
0xe: {  	[smem:$0x3FB4] =	sst s6  }
0xf: {  	[smem:$0x3FB5] =	sst s7  }
0x10: {  	[smem:$0x3FB6] =	sst s8  }
0x11: {  	[smem:$0x3FB7] =	sst s9;
	s0 =	simm.s32 @!p0 $0x0  }
0x12: {  	s1 =	sld [smem:$0x3F9D];
	s0 =	simm.s32 @p0 $0x1  }
0x13: {  	[smem:$0x3FB8] =	sst s0;
	s0 =	simm.s32 @!p1 $0x0  }
0x14: {  	s2 =	sld [smem:$0x3F9C];
	s0 =	simm.s32 @p1 $0x1  }
0x15: {  	[smem:$0x3FB9] =	sst s0;
	s0 =	simm.s32 @!p2 $0x0  }
0x16: {  	s3 =	sld [smem:$0x3FDB];
	s0 =	simm.s32 @p2 $0x1  }
0x17: {  	s4 =	simm.s32 $0x1BF5;
	[smem:$0x3FBB] =	sst s0  }
0x18: {  	s0 =	sld [smem:$0x3F9E];
	_ =	swait.ge [sflag:s4], $0x0  }
0x19: {  	s7 =	sld [smem:$0x3F9F]  }
0x1a: {  	s8 =	sadd.s32 $0xFFFFE003, lr  }
0x1b: {  	s9 =	sadd.s32 $0xFFFFFEF7, lr;
	s5 =	simm.s32 $0xFFFFFFFF;
	p2 =	slt.u32 s8, $0xFFFFF086  }
0x1c: {  	p1 =	slt.u32 s9, $0xF7A;
	s5 =	simm.s32 @!p2 $0x0  }
0x1d: {  	s5 =	simm.s32 @p1 $0x1;
	p0 =	seq.s32 s7, s2  }
0x1e: {  	s7 =	smul.u32 @!p0 $0xF7A, s2;
	p2 =	seq.s32 @!p0 s5, $0x0  }
0x1f: {  	s9 =	smul.u32 $0xF7A, s1;
	s8 =	simm.s32 @!p0 $0x1BF5;
	p2 =	por !p2, p0  }
0x20: {  	[sflag:s8] =	ssyncset.s32 @!p0 $0xFFFFF086;
	s6 =	sadd.s32 @!p0 s3, s7;
	s7 =	simm.s32 @!p0 $0x108  }
0x21: {  	s3 =	sadd.s32 s3, s9;
	s6 =	sadd.s32 @!p0 $0x88, s6;
	s7 =	simm.s32 @p2 $0x1082  }
0x22: {  	[simem:s7], [sflag:s8] =	dma.local @!p0 [hbm:s6], $0xF7A  }
0x23: {  	s9 =	sor.u32 $0xD0000000, s2;
	s6 =	simm.s32 $0x108;
	_ =	swait.ge @!p0 [sflag:s8], $0x0  }
0x24: {  	s3 =	sadd.s32 $0x88, s3;
	s6 =	simm.s32 @!p1 $0x1082;
	[sflag:s4] =	ssyncset.s32 $0xFFFFF086  }
0x25: {  	[simem:s6], [sflag:s4] =	dma.local [hbm:s3], $0xF7A  }
0x26: {  	[smem:$0x3F9F] =	sst s1;
	(tag) =	ssettag s2;
	_ =	strace s9  }
0x27: {  	s1 =	sld [smem:$0x3FAF]  }
0x28: {  	s2 =	sld [smem:$0x3FB0]  }
0x29: {  	s4 =	sld [smem:$0x3FB2]  }
0x2a: {  	p0 =	seq.s32 s5, $0x0;
	s5 =	sld [smem:$0x3FB3]  }
0x2b: {  	s6 =	sld [smem:$0x3FB4]  }
0x2c: {  	s7 =	sld [smem:$0x3FB5]  }
0x2d: {  	s3 =	simm.s32 $0x108;
	s8 =	sld [smem:$0x3FB6]  }
0x2e: {  	s3 =	simm.s32 @!p0 $0x1082;
	s9 =	sld [smem:$0x3FB7]  }
0x2f: {  	lr =	sadd.s32 s0, s3;
	s0 =	sld [smem:$0x3FAE]  }
0x30: {  	s3 =	sld [smem:$0x3FB1]  }
0x31: {  	[smem:$0x3FBA] =	sst s10  }
0x32: {  	s10 =	sld [smem:$0x3FB8];
	_ =	sdelay $0x3  }
0x33: {  	p0 =	seq.s32 s10, $0x1;
	s10 =	sld [smem:$0x3FBA];
	_ =	sdelay $0x3  }
0x34: {  	[smem:$0x3FBA] =	sst s10  }
0x35: {  	s10 =	sld [smem:$0x3FB9];
	_ =	sdelay $0x3  }
0x36: {  	p1 =	seq.s32 s10, $0x1;
	s10 =	sld [smem:$0x3FBA];
	_ =	sdelay $0x3  }
0x37: {  	[smem:$0x3FBA] =	sst s10  }
0x38: {  	s10 =	sld [smem:$0x3FBB]  }
0x39: {  	_ = 	snop;
	(pc) =	sbr.ind lr, $3  }
0x3a: {  	_ = 	snop  }
0x3b: {  	_ = 	snop  }
0x3c: {  	p2 =	seq.s32 s10, $0x1;
	s10 =	sld [smem:$0x3FBA]  }
0x3d: {  	_ =	shalt  }
0x3e: {  	_ =	shalt  }
0x3f: {  	_ =	shalt  }
0x40: {  	_ =	shalt  }
0x41: {  	_ =	shalt  }
0x42: {  	_ =	shalt  }
0x43: {  	_ =	shalt  }
0x44: {  	_ =	shalt  }
0x45: {  	_ =	shalt  }
0x46: {  	_ =	shalt  }
0x47: {  	_ =	shalt  }
0x48: {  	_ =	shalt  }
0x49: {  	_ =	shalt  }
0x4a: {  	_ =	shalt  }
0x4b: {  	_ =	shalt  }
0x4c: {  	_ =	shalt  }
0x4d: {  	_ =	shalt  }
0x4e: {  	_ =	shalt  }
0x4f: {  	_ =	shalt  }
0x50: {  	_ =	shalt  }
0x51: {  	_ =	shalt  }
0x52: {  	_ =	shalt  }
0x53: {  	_ =	shalt  }
0x54: {  	_ =	shalt  }
0x55: {  	_ =	shalt  }
0x56: {  	_ =	shalt  }
0x57: {  	_ =	shalt  }
0x58: {  	_ =	shalt  }
0x59: {  	_ =	shalt  }
0x5a: {  	_ =	shalt  }
0x5b: {  	_ =	shalt  }
0x5c: {  	_ =	shalt  }
0x5d: {  	_ =	shalt  }
0x5e: {  	_ =	shalt  }
0x5f: {  	_ =	shalt  }
0x60: {  	_ =	shalt  }
0x61: {  	_ =	shalt  }
0x62: {  	_ =	shalt  }
0x63: {  	_ =	shalt  }
0x64: {  	_ =	shalt  }
0x65: {  	_ =	shalt  }
0x66: {  	_ =	shalt  }
0x67: {  	_ =	shalt  }
0x68: {  	_ =	shalt  }
0x69: {  	_ =	shalt  }
0x6a: {  	_ =	shalt  }
0x6b: {  	_ =	shalt  }
0x6c: {  	_ =	shalt  }
0x6d: {  	_ =	shalt  }
0x6e: {  	_ =	shalt  }
0x6f: {  	_ =	shalt  }
0x70: {  	_ =	shalt  }
0x71: {  	_ =	shalt  }
0x72: {  	_ =	shalt  }
0x73: {  	_ =	shalt  }
0x74: {  	_ =	shalt  }
0x75: {  	_ =	shalt  }
0x76: {  	_ =	shalt  }
0x77: {  	_ =	shalt  }
0x78: {  	_ =	shalt  }
0x79: {  	_ =	shalt  }
0x7a: {  	_ =	shalt  }
0x7b: {  	_ =	shalt  }
0x7c: {  	_ =	shalt  }
0x7d: {  	_ =	shalt  }
0x7e: {  	_ =	shalt  }
0x7f: {  	_ =	shalt  }
0x80: {  	_ =	shalt  }
0x81: {  	_ =	shalt  }
0x82: {  	_ =	shalt  }
0x83: {  	_ =	shalt  }
0x84: {  	_ =	shalt  }
0x85: {  	_ =	shalt  }
0x86: {  	_ =	shalt  }
0x87: {  	_ =	shalt  }
.Lfunc_end0:
.L_simem_size_0:
called_computation_lowered:
.L_overlay_start_0:
0x88: {  	s2 =	sld [smem:$0x3FD9]  }
0x89: {  	s3 =	sld [smem:$0x3FFE];
	_ =	sdelay $0x1  }
0x8a: {  	s1 =	srdreg.scid  }
0x8b: {  	s0 =	sand.u32 $0x1, s1  }
0x8c: {  	s17 =	sshll.u32 s0, $0xA;
	s2 =	sadd.s32 s3, s2  }
0x8d: {  	s2 =	sadd.s32 s2, s17  }
0x8e: {  	[smem:$0x3FC6] =	sst s2  }
0x8f: {  	_ = 	snop  }
0x90: {  	s2 =	sld [smem:$0x3FC8]  }
0x91: {  	s18 =	sld [smem:$0x3FD0];
	(tm) =	ssettm $0x1  }
0x92: {  	s4 =	sld [smem:$0x3FFB];
	_ =	sdelay $0x3  }
0x93: {  	_ =	strace s4  }
0x94: {  	s4 =	sld [smem:$0x3FFC];
	_ =	sdelay $0x3  }
0x95: {  	_ =	strace s4  }
0x96: {  	s4 =	sld [smem:$0x3FFD];
	_ =	sdelay $0x3  }
0x97: {  	_ =	strace s4  }
0x98: {  	_ =	strace $0x8FFFFFFF  }
0x99: {  	s19 =	sld [smem:$0x3FDB];
	_ =	sdelay $0x1  }
0x9a: {  	s5 =	simm.s32 $_scs_section_size  }
0x9b: {  	s6 =	simm.s32 $_size__tile_overlayer_lowered;
	s7 =	simm.s32 $_tile_overlayer_lowered  }
0x9c: {  	s22 =	simm.s32 $0x1BFF;
	s21 =	sshll.u32 s7, $0x1;
	s4 =	sadd.s32 s5, s19  }
0x9d: {  	s8 =	simm.s32 $0x0;
	s20 =	sshll.u32 s6, $0x1;
	s6 =	sadd.s32 s21, s4  }
0x9e: {  	[timem:s8], [sflag:s22] =	dma.local [hbm:s6], s20  }
0x9f: {  	_ =	swait.ge [sflag:s22], s20  }
0xa0: {  	s5 =	ssub.s32 $0x0, s20;
	[sflag:s22] =	ssyncset.done $0x0  }
0xa1: {  	[sflag:s22] =	ssyncadd.s32 s5;
	_ =	sdelay $0x1  }
0xa2: {  	s23 =	simm.s32 $0x1B8B  }
0xa3: {  	_ =	swait.ge [sflag:s23], $0x1  }
0xa4: {  	[sflag:s23] =	ssyncset.done $0x0  }
0xa5: {  	s25 =	simm.s32 $0x1B8E;
	s24 =	sld [smem:$0x3FFE];
	[sflag:s23] =	ssyncadd.s32 $0xFFFFFFFF  }
0xa6: {  	s26 =	simm.s32 $execute0_lowered;
	[smem:$0x3FD2] =	sst s25  }
0xa7: {  	s6 =	sshll.u32 s26, $0x1;
	_ =	strace $0x80000046;
	[dreg:$0x1] =	wrdreg $0xFFFFFFFF  }
0xa8: {  	s28 =	simm.s32 $_size_execute0_lowered;
	s4 =	sadd.s32 s4, s6;
	[dreg:$0x0] =	wrdreg $0x0  }
0xa9: {  	s6 =	sshll.u32 s28, $0x1;
	[dreg:$0x2] =	wrdreg s4  }
0xaa: {  	[dreg:$0x3] =	wrdreg s6  }
0xab: {  	[dreg:$0x4] =	wrdreg $0xC0  }
0xac: {  	_ =	task [dreg:s8], $0x5FFFF  }
0xad: {  	[dreg:$0x1] =	wrdreg $0xFFFFFFFF  }
0xae: {  	[dreg:$0x0] =	wrdreg $0x60  }
0xaf: {  	[dreg:$0x2] =	wrdreg s2  }
0xb0: {  	[dreg:$0x3] =	wrdreg s24  }
0xb1: {  	[dreg:$0x4] =	wrdreg s18  }
0xb2: {  	[dreg:$0x5] =	wrdreg $0x9  }
0xb3: {  	_ =	task.clear_ibuf [dreg:s8], $0x6FFFF;
	_ =	strace $0x90000046  }
0xb4: {  	s29 =	simm.s32 $0x9;
	_ =	strace $0x80000048  }
0xb5: {  	_ =	swait.ge [sflag:s29], $0x1  }
0xb6: {  	[sflag:s29] =	ssyncadd.s32 $0xFFFFFFFF  }
0xb7: {  	_ =	strace $0x90000048  }
0xb8: {  	_ =	sfence  }
0xb9: {  	s30 =	sld [smem:$0x0];
	_ =	sdelay $0x2  }
0xba: {  	s31 =	sshll.u32 s1, $0xD;
	s1 =	sshrl.u32 s1, $0x2  }
0xbb: {  	s3 =	sand.u32 $0x4000, s31;
	s1 =	sadd.s32 s1, s30  }
0xbc: {  	s0 =	sor.u32 s3, s0;
	s1 =	sshll.u32 s1, $0x11  }
0xbd: {  	s0 =	sor.u32 s1, s0  }
0xbe: {  	s0 =	sadd.s32 $0x8F2B, s0  }
0xbf: {  	[sflag:s0] =	ssyncadd.remote.s32 $0x1  }
0xc0: {  	_ =	sfence.sel $0xFFFF  }
0xc1: {  	[dreg:$0x0] =	wrdreg $0xFFFFFFFF;
	(pc) =	sbr.abs _section_cstart, $3  }
0xc2: {  	[dreg:$0x1] =	wrdreg $0xFFFFFFFF  }
0xc3: {  	_ =	task.clear_ibuf [dreg:s8], $0x2FFFF;
	_ =	strace $0x9FFFFFFF  }
0xc4: {  	(tm) =	ssettm $0x7FFFFFFF  }
0xc5: {  	_ =	shalt  }
tec
execute0_lowered:
.L_overlay_start_1:
0x0: {  	(tag) =	ssettag $0x1  }
0x1: {  	s2 =	srdreg.scid;
	s0 =	stileid.u32  }
0x2: {  	s30 =	sand.u32 $0x1, s2;
	s25 =	sshll.u32 s0, $0x1  }
0x3: {  	s1 =	rddreg [dreg:$0x0];
	s7 =	sor.u32 s30, s25  }
0x4: {  	s4 =	rddreg [dreg:$0x1];
	s5 =	sshll.u32 s7, $0x8  }
0x5: {  	s9 =	rddreg [dreg:$0x2];
	s3 =	simm.s32 $0x0;
	s4 =	sadd.s32 s5, s4  }
0x6: {  	[smem:$0x7FF] =	sst s3;
	s4 =	sadd.s32 $0x2000, s4  }
0x7: {  	_ =	strace $0x80000047;
	[dreg:$0x4] =	wrdreg s4  }
0x8: {  	s4 =	simm.s32 $0x5;
	s26 =	rddreg [dreg:$0x4]  }
0x9: {  	[tilespmem:s3], [sflag:$0x5] =	stream.linear.gather [hbm4b:s26+s3], $0x500, $0x38;
	[tilespmem:$0x8800] =	vst v63  }
0xa: {  	_ =	swait.ge [sflag:s4], $0x500  }
0xb: {  	[sflag:s4] =	ssyncset.done $0x0  }
0xc: {  	s6 =	simm.s32 $0x800;
	s5 =	simm.s32 $0x80;
	[sflag:s4] =	ssyncadd.s32 $0xFFFFFB00  }
0xd: {  	[tilespmem:s6], [sflag:$0x1] =	stream.indirect.gather [hbm4b:s1+s5], $0x80, s3, s5, $0xb8;
	[tilespmem:$0x8800] =	vst v63  }
0xe: {  	s8 =	simm.s32 $0x1;
	s10 =	smul.u32 $0x28000, s7;
	s7 =	simm.s32 $0x4800  }
0xf: {  	[tilespmem:s7], [sflag:$0x2] =	stream.indirect.gather [hbm4b:s1+s5], $0x80, s5, s5, $0xb8;
	[tilespmem:$0x8800] =	vst v63  }
0x10: {  	_ =	swait.ge [sflag:s8], $0x4000  }
0x11: {  	s10 =	sshrl.u32 s10, $0x3;
	[sflag:s8] =	ssyncset.done $0x0  }
0x12: {  	s9 =	sadd.s32 s9, s10;
	s10 =	simm.s32 $0x3;
	[sflag:s8] =	ssyncadd.s32 $0xFFFFC000  }
0x13: {  	[hbm4b:s9+s3] =	stream.linear.scatter [tilespmem:s6], [sflag:$0x3], $0x4000, $0x38;
	[tilespmem:$0x8800] =	vst v63  }
0x14: {  	_ =	swait.ge [sflag:s10], $0x4000  }
0x15: {  	[sflag:s10] =	ssyncset.done $0x0  }
0x16: {  	s11 =	simm.s32 $0x100;
	s12 =	simm.s32 $0x2;
	[sflag:s10] =	ssyncadd.s32 $0xFFFFC000  }
0x17: {  	[tilespmem:s6], [sflag:$0x1] =	stream.indirect.gather [hbm4b:s1+s5], $0x80, s11, s5, $0xb8;
	[tilespmem:$0x8800] =	vst v63  }
0x18: {  	_ =	swait.ge [sflag:s12], $0x4000  }
0x19: {  	[sflag:s12] =	ssyncset.done $0x0  }
0x1a: {  	s13 =	simm.s32 $0x4;
	s14 =	sadd.s32 $0x800, s9;
	[sflag:s12] =	ssyncadd.s32 $0xFFFFC000  }
0x1b: {  	[hbm4b:s14+s3] =	stream.linear.scatter [tilespmem:s7], [sflag:$0x4], $0x4000, $0x38;
	[tilespmem:$0x8800] =	vst v63  }
0x1c: {  	_ =	swait.ge [sflag:s13], $0x4000  }
0x1d: {  	[sflag:s13] =	ssyncset.done $0x0  }
0x1e: {  	s15 =	simm.s32 $0x180;
	[sflag:s13] =	ssyncadd.s32 $0xFFFFC000  }
0x1f: {  	[tilespmem:s7], [sflag:$0x2] =	stream.indirect.gather [hbm4b:s1+s5], $0x80, s15, s5, $0xb8;
	[tilespmem:$0x8800] =	vst v63  }
0x20: {  	_ =	swait.ge [sflag:s8], $0x4000  }
0x21: {  	[sflag:s8] =	ssyncset.done $0x0  }
0x22: {  	s16 =	sadd.s32 $0x1000, s9;
	[sflag:s8] =	ssyncadd.s32 $0xFFFFC000  }
0x23: {  	[hbm4b:s16+s3] =	stream.linear.scatter [tilespmem:s6], [sflag:$0x3], $0x4000, $0x38;
	[tilespmem:$0x8800] =	vst v63  }
0x24: {  	_ =	swait.ge [sflag:s10], $0x4000  }
0x25: {  	[sflag:s10] =	ssyncset.done $0x0  }
0x26: {  	s17 =	simm.s32 $0x200;
	[sflag:s10] =	ssyncadd.s32 $0xFFFFC000  }
0x27: {  	[tilespmem:s6], [sflag:$0x1] =	stream.indirect.gather [hbm4b:s1+s5], $0x80, s17, s5, $0xb8;
	[tilespmem:$0x8800] =	vst v63  }
0x28: {  	_ =	swait.ge [sflag:s12], $0x4000  }
0x29: {  	[sflag:s12] =	ssyncset.done $0x0  }
0x2a: {  	s18 =	sadd.s32 $0x1800, s9;
	[sflag:s12] =	ssyncadd.s32 $0xFFFFC000  }
0x2b: {  	[hbm4b:s18+s3] =	stream.linear.scatter [tilespmem:s7], [sflag:$0x4], $0x4000, $0x38;
	[tilespmem:$0x8800] =	vst v63  }
0x2c: {  	_ =	swait.ge [sflag:s13], $0x4000  }
0x2d: {  	[sflag:s13] =	ssyncset.done $0x0  }
0x2e: {  	s19 =	simm.s32 $0x280;
	[sflag:s13] =	ssyncadd.s32 $0xFFFFC000  }
0x2f: {  	[tilespmem:s7], [sflag:$0x2] =	stream.indirect.gather [hbm4b:s1+s5], $0x80, s19, s5, $0xb8;
	[tilespmem:$0x8800] =	vst v63  }
0x30: {  	_ =	swait.ge [sflag:s8], $0x4000  }
0x31: {  	[sflag:s8] =	ssyncset.done $0x0  }
0x32: {  	s20 =	sadd.s32 $0x2000, s9;
	[sflag:s8] =	ssyncadd.s32 $0xFFFFC000  }
0x33: {  	[hbm4b:s20+s3] =	stream.linear.scatter [tilespmem:s6], [sflag:$0x3], $0x4000, $0x38;
	[tilespmem:$0x8800] =	vst v63  }
0x34: {  	_ =	swait.ge [sflag:s10], $0x4000  }
0x35: {  	[sflag:s10] =	ssyncset.done $0x0  }
0x36: {  	s21 =	simm.s32 $0x300;
	[sflag:s10] =	ssyncadd.s32 $0xFFFFC000  }
0x37: {  	[tilespmem:s6], [sflag:$0x1] =	stream.indirect.gather [hbm4b:s1+s5], $0x80, s21, s5, $0xb8;
	[tilespmem:$0x8800] =	vst v63  }
0x38: {  	_ =	swait.ge [sflag:s12], $0x4000  }
0x39: {  	[sflag:s12] =	ssyncset.done $0x0  }
0x3a: {  	s22 =	sadd.s32 $0x2800, s9;
	[sflag:s12] =	ssyncadd.s32 $0xFFFFC000  }
0x3b: {  	[hbm4b:s22+s3] =	stream.linear.scatter [tilespmem:s7], [sflag:$0x4], $0x4000, $0x38;
	[tilespmem:$0x8800] =	vst v63  }
0x3c: {  	_ =	swait.ge [sflag:s13], $0x4000  }
0x3d: {  	[sflag:s13] =	ssyncset.done $0x0  }
0x3e: {  	s23 =	simm.s32 $0x380;
	[sflag:s13] =	ssyncadd.s32 $0xFFFFC000  }
0x3f: {  	[tilespmem:s7], [sflag:$0x2] =	stream.indirect.gather [hbm4b:s1+s5], $0x80, s23, s5, $0xb8;
	[tilespmem:$0x8800] =	vst v63  }
0x40: {  	_ =	swait.ge [sflag:s8], $0x4000  }
0x41: {  	[sflag:s8] =	ssyncset.done $0x0  }
0x42: {  	s24 =	sadd.s32 $0x3000, s9;
	[sflag:s8] =	ssyncadd.s32 $0xFFFFC000  }
0x43: {  	[hbm4b:s24+s3] =	stream.linear.scatter [tilespmem:s6], [sflag:$0x3], $0x4000, $0x38;
	[tilespmem:$0x8800] =	vst v63  }
0x44: {  	_ =	swait.ge [sflag:s10], $0x4000  }
0x45: {  	[sflag:s10] =	ssyncset.done $0x0  }
0x46: {  	s25 =	simm.s32 $0x400;
	[sflag:s10] =	ssyncadd.s32 $0xFFFFC000  }
0x47: {  	[tilespmem:s6], [sflag:$0x1] =	stream.indirect.gather [hbm4b:s1+s5], $0x80, s25, s5, $0xb8;
	[tilespmem:$0x8800] =	vst v63  }
0x48: {  	_ =	swait.ge [sflag:s12], $0x4000  }
0x49: {  	[sflag:s12] =	ssyncset.done $0x0  }
0x4a: {  	s26 =	sadd.s32 $0x3800, s9;
	[sflag:s12] =	ssyncadd.s32 $0xFFFFC000  }
0x4b: {  	[hbm4b:s26+s3] =	stream.linear.scatter [tilespmem:s7], [sflag:$0x4], $0x4000, $0x38;
	[tilespmem:$0x8800] =	vst v63  }
0x4c: {  	_ =	swait.ge [sflag:s13], $0x4000  }
0x4d: {  	[sflag:s13] =	ssyncset.done $0x0  }
0x4e: {  	s28 =	simm.s32 $0x480;
	[sflag:s13] =	ssyncadd.s32 $0xFFFFC000  }
0x4f: {  	[tilespmem:s7], [sflag:$0x2] =	stream.indirect.gather [hbm4b:s1+s5], $0x80, s28, s5, $0xb8;
	[tilespmem:$0x8800] =	vst v63  }
0x50: {  	_ =	swait.ge [sflag:s8], $0x4000  }
0x51: {  	s31 =	ssub.s32 $0x2, s30;
	[sflag:s8] =	ssyncset.done $0x0  }
0x52: {  	s2 =	sshrl.u32 s31, $0x1;
	s29 =	sadd.s32 $0x4000, s9;
	[sflag:s8] =	ssyncadd.s32 $0xFFFFC000  }
0x53: {  	[hbm4b:s29+s3] =	stream.linear.scatter [tilespmem:s6], [sflag:$0x3], $0x4000, $0x38;
	[tilespmem:$0x8800] =	vst v63  }
0x54: {  	s2 =	ssub.s32 s31, s2;
	_ =	swait.ge [sflag:s12], $0x4000  }
0x55: {  	s2 =	smax.u32 s2, $0x1;
	[sflag:s12] =	ssyncset.done $0x0  }
0x56: {  	p0 =	sne.s32 s2, $0x1;
	s30 =	sadd.s32 $0x4800, s9;
	[sflag:s12] =	ssyncadd.s32 $0xFFFFC000  }
0x57: {  	[hbm4b:s30+s3] =	stream.linear.scatter [tilespmem:s7], [sflag:$0x4], $0x4000, $0x38;
	[tilespmem:$0x8800] =	vst v63  }
.Ltmp0:
0x58: {  	_ =	swait.ge [sflag:s10], $0x4000;
	(pc) =	sbr.rel @!p0 .LBB2_2-.Ltmp0, $4  }
0x59: {  	[sflag:s10] =	ssyncset.done $0x0  }
0x5a: {  	[sflag:s10] =	ssyncadd.s32 $0xFFFFC000  }
0x5b: {  	_ =	swait.ge [sflag:s13], $0x4000  }
0x5c: {  	s31 =	sadd.s32 $0xFFFFFFFF, s2;
	[sflag:s13] =	ssyncset.done $0x0  }
.LBB2_1:
0x5d: {  	s2 =	rddreg [dreg:$0x4];
	[sflag:s13] =	ssyncadd.s32 $0xFFFFC000  }
0x5e: {  	[tilespmem:s3], [sflag:$0x5] =	stream.linear.gather [hbm4b:s2+s3], $0x500, $0x38;
	[tilespmem:$0x8800] =	vst v63  }
0x5f: {  	_ =	swait.ge [sflag:s4], $0x500  }
0x60: {  	[sflag:s4] =	ssyncset.done $0x0  }
0x61: {  	[sflag:s4] =	ssyncadd.s32 $0xFFFFFB00  }
0x62: {  	[tilespmem:s6], [sflag:$0x1] =	stream.indirect.gather [hbm4b:s1+s5], $0x80, s3, s5, $0xb8;
	[tilespmem:$0x8800] =	vst v63  }
0x63: {  	_ = 	snop  }
0x64: {  	[tilespmem:s7], [sflag:$0x2] =	stream.indirect.gather [hbm4b:s1+s5], $0x80, s5, s5, $0xb8;
	[tilespmem:$0x8800] =	vst v63  }
0x65: {  	_ =	swait.ge [sflag:s8], $0x4000  }
0x66: {  	[sflag:s8] =	ssyncset.done $0x0  }
0x67: {  	[sflag:s8] =	ssyncadd.s32 $0xFFFFC000  }
0x68: {  	[hbm4b:s9+s3] =	stream.linear.scatter [tilespmem:s6], [sflag:$0x3], $0x4000, $0x38;
	[tilespmem:$0x8800] =	vst v63  }
0x69: {  	_ =	swait.ge [sflag:s10], $0x4000  }
0x6a: {  	[sflag:s10] =	ssyncset.done $0x0  }
0x6b: {  	[sflag:s10] =	ssyncadd.s32 $0xFFFFC000  }
0x6c: {  	[tilespmem:s6], [sflag:$0x1] =	stream.indirect.gather [hbm4b:s1+s5], $0x80, s11, s5, $0xb8;
	[tilespmem:$0x8800] =	vst v63  }
0x6d: {  	_ =	swait.ge [sflag:s12], $0x4000  }
0x6e: {  	[sflag:s12] =	ssyncset.done $0x0  }
0x6f: {  	[sflag:s12] =	ssyncadd.s32 $0xFFFFC000  }
0x70: {  	[hbm4b:s14+s3] =	stream.linear.scatter [tilespmem:s7], [sflag:$0x4], $0x4000, $0x38;
	[tilespmem:$0x8800] =	vst v63  }
0x71: {  	_ =	swait.ge [sflag:s13], $0x4000  }
0x72: {  	[sflag:s13] =	ssyncset.done $0x0  }
0x73: {  	[sflag:s13] =	ssyncadd.s32 $0xFFFFC000  }
0x74: {  	[tilespmem:s7], [sflag:$0x2] =	stream.indirect.gather [hbm4b:s1+s5], $0x80, s15, s5, $0xb8;
	[tilespmem:$0x8800] =	vst v63  }
0x75: {  	_ =	swait.ge [sflag:s8], $0x4000  }
0x76: {  	[sflag:s8] =	ssyncset.done $0x0  }
0x77: {  	[sflag:s8] =	ssyncadd.s32 $0xFFFFC000  }
0x78: {  	[hbm4b:s16+s3] =	stream.linear.scatter [tilespmem:s6], [sflag:$0x3], $0x4000, $0x38;
	[tilespmem:$0x8800] =	vst v63  }
0x79: {  	_ =	swait.ge [sflag:s10], $0x4000  }
0x7a: {  	[sflag:s10] =	ssyncset.done $0x0  }
0x7b: {  	[sflag:s10] =	ssyncadd.s32 $0xFFFFC000  }
0x7c: {  	[tilespmem:s6], [sflag:$0x1] =	stream.indirect.gather [hbm4b:s1+s5], $0x80, s17, s5, $0xb8;
	[tilespmem:$0x8800] =	vst v63  }
0x7d: {  	_ =	swait.ge [sflag:s12], $0x4000  }
0x7e: {  	[sflag:s12] =	ssyncset.done $0x0  }
0x7f: {  	[sflag:s12] =	ssyncadd.s32 $0xFFFFC000  }
0x80: {  	[hbm4b:s18+s3] =	stream.linear.scatter [tilespmem:s7], [sflag:$0x4], $0x4000, $0x38;
	[tilespmem:$0x8800] =	vst v63  }
0x81: {  	_ =	swait.ge [sflag:s13], $0x4000  }
0x82: {  	[sflag:s13] =	ssyncset.done $0x0  }
0x83: {  	[sflag:s13] =	ssyncadd.s32 $0xFFFFC000  }
0x84: {  	[tilespmem:s7], [sflag:$0x2] =	stream.indirect.gather [hbm4b:s1+s5], $0x80, s19, s5, $0xb8;
	[tilespmem:$0x8800] =	vst v63  }
0x85: {  	_ =	swait.ge [sflag:s8], $0x4000  }
0x86: {  	[sflag:s8] =	ssyncset.done $0x0  }
0x87: {  	[sflag:s8] =	ssyncadd.s32 $0xFFFFC000  }
0x88: {  	[hbm4b:s20+s3] =	stream.linear.scatter [tilespmem:s6], [sflag:$0x3], $0x4000, $0x38;
	[tilespmem:$0x8800] =	vst v63  }
0x89: {  	_ =	swait.ge [sflag:s10], $0x4000  }
0x8a: {  	[sflag:s10] =	ssyncset.done $0x0  }
0x8b: {  	[sflag:s10] =	ssyncadd.s32 $0xFFFFC000  }
0x8c: {  	[tilespmem:s6], [sflag:$0x1] =	stream.indirect.gather [hbm4b:s1+s5], $0x80, s21, s5, $0xb8;
	[tilespmem:$0x8800] =	vst v63  }
0x8d: {  	_ =	swait.ge [sflag:s12], $0x4000  }
0x8e: {  	[sflag:s12] =	ssyncset.done $0x0  }
0x8f: {  	[sflag:s12] =	ssyncadd.s32 $0xFFFFC000  }
0x90: {  	[hbm4b:s22+s3] =	stream.linear.scatter [tilespmem:s7], [sflag:$0x4], $0x4000, $0x38;
	[tilespmem:$0x8800] =	vst v63  }
0x91: {  	_ =	swait.ge [sflag:s13], $0x4000  }
0x92: {  	[sflag:s13] =	ssyncset.done $0x0  }
0x93: {  	[sflag:s13] =	ssyncadd.s32 $0xFFFFC000  }
0x94: {  	[tilespmem:s7], [sflag:$0x2] =	stream.indirect.gather [hbm4b:s1+s5], $0x80, s23, s5, $0xb8;
	[tilespmem:$0x8800] =	vst v63  }
0x95: {  	_ =	swait.ge [sflag:s8], $0x4000  }
0x96: {  	[sflag:s8] =	ssyncset.done $0x0  }
0x97: {  	[sflag:s8] =	ssyncadd.s32 $0xFFFFC000  }
0x98: {  	[hbm4b:s24+s3] =	stream.linear.scatter [tilespmem:s6], [sflag:$0x3], $0x4000, $0x38;
	[tilespmem:$0x8800] =	vst v63  }
0x99: {  	_ =	swait.ge [sflag:s10], $0x4000  }
0x9a: {  	[sflag:s10] =	ssyncset.done $0x0  }
0x9b: {  	[sflag:s10] =	ssyncadd.s32 $0xFFFFC000  }
0x9c: {  	[tilespmem:s6], [sflag:$0x1] =	stream.indirect.gather [hbm4b:s1+s5], $0x80, s25, s5, $0xb8;
	[tilespmem:$0x8800] =	vst v63  }
0x9d: {  	_ =	swait.ge [sflag:s12], $0x4000  }
0x9e: {  	[sflag:s12] =	ssyncset.done $0x0  }
0x9f: {  	[sflag:s12] =	ssyncadd.s32 $0xFFFFC000  }
0xa0: {  	[hbm4b:s26+s3] =	stream.linear.scatter [tilespmem:s7], [sflag:$0x4], $0x4000, $0x38;
	[tilespmem:$0x8800] =	vst v63  }
0xa1: {  	_ =	swait.ge [sflag:s13], $0x4000  }
0xa2: {  	[sflag:s13] =	ssyncset.done $0x0  }
0xa3: {  	[sflag:s13] =	ssyncadd.s32 $0xFFFFC000  }
0xa4: {  	[tilespmem:s7], [sflag:$0x2] =	stream.indirect.gather [hbm4b:s1+s5], $0x80, s28, s5, $0xb8;
	[tilespmem:$0x8800] =	vst v63  }
0xa5: {  	_ =	swait.ge [sflag:s8], $0x4000  }
0xa6: {  	[sflag:s8] =	ssyncset.done $0x0  }
0xa7: {  	[sflag:s8] =	ssyncadd.s32 $0xFFFFC000  }
0xa8: {  	[hbm4b:s29+s3] =	stream.linear.scatter [tilespmem:s6], [sflag:$0x3], $0x4000, $0x38;
	[tilespmem:$0x8800] =	vst v63  }
0xa9: {  	_ =	swait.ge [sflag:s12], $0x4000  }
0xaa: {  	[sflag:s12] =	ssyncset.done $0x0  }
0xab: {  	p0 =	sne.s32 s31, $0x1;
	[sflag:s12] =	ssyncadd.s32 $0xFFFFC000  }
0xac: {  	[hbm4b:s30+s3] =	stream.linear.scatter [tilespmem:s7], [sflag:$0x4], $0x4000, $0x38;
	[tilespmem:$0x8800] =	vst v63  }
.Ltmp1:
0xad: {  	_ =	swait.ge [sflag:s10], $0x4000;
	(pc) =	sbr.rel @p0 .LBB2_1-.Ltmp1, $4  }
0xae: {  	[sflag:s10] =	ssyncset.done $0x0  }
0xaf: {  	[sflag:s10] =	ssyncadd.s32 $0xFFFFC000  }
0xb0: {  	_ =	swait.ge [sflag:s13], $0x4000  }
0xb1: {  	s31 =	sadd.s32 $0xFFFFFFFF, s31;
	[sflag:s13] =	ssyncset.done $0x0  }
.LBB2_2:
0xb2: {  	[sflag:s13] =	ssyncadd.s32 $0xFFFFC000  }
0xb3: {  	_ =	sfence.sel $0x180000  }
0xb4: {  	[bflag:$0x0] =	sbarrier.arrive $0xFFFF  }
0xb5: {  	_ =	strace $0x90000047  }
0xb6: {  	[bflag:$0x2] =	sbarrier.arrive $0xFFFF  }
0xb7: {  	p0 =	sne.s32 s0, $0x0;
	s0 =	rddreg [dreg:$0x3]  }
0xb8: {  	s0 =	sadd.s32 @!p0 $0x100000, s0  }
0xb9: {  	[sflag:s0] =	ssyncadd.tile.s32 @!p0 $0x1;
	_ =	shalt  }
.Lfunc_end2:
_tile_overlayer_lowered:
.L_overlay_start_2:
0xba: {  	(tag) =	ssettag $0x2  }
0xbb: {  	s0 =	rddreg [dreg:$0x0];
	s2 =	stileid.u32  }
0xbc: {  	s1 =	rddreg [dreg:$0x1];
	p0 =	sne.s32 s2, $0x0  }
0xbd: {  	s3 =	rddreg [dreg:$0x2];
	[bflag:$0x3] =	sbarrier.arrive $0xFFFF;
	s2 =	simm.s32 @!p0 $0x1C05  }
0xbe: {  	[timem:s3], [sflag:s2] =	dma.local @!p0 [hbm:s0], s1  }
0xbf: {  	s0 =	simm.s32 @!p0 $0x5  }
0xc0: {  	_ =	swait.ge @!p0 [sflag:s0], s1  }
0xc1: {  	s1 =	ssub.s32 @!p0 $0x0, s1;
	[sflag:s0] =	ssyncset.done @!p0 $0x0  }
0xc2: {  	[sflag:s0] =	ssyncadd.s32 @!p0 s1  }
0xc3: {  	[bflag:$0x3] =	sbarrier.arrive $0xFFFF  }
0xc4: {  	_ =	shalt  }

// kernel: kernel.16.cloned.1.call-start
scs
__scs_entry_jumppad:
0x0: {  	(pc) =	sbr.rel $0x88, $3  }
0x1: {  	(tag) =	ssettag $0x0;
	lr =	simm.s32 $0x1  }
0x2: {  	[smem:$0x3F9F] =	sst lr;
	_ =	strace $0xD0000000  }
0x3: {  	_ = 	snop  }
0x4: {  	_ = 	snop  }
0x5: {  	_ = 	snop  }
0x6: {  	_ = 	snop  }
0x7: {  	_ = 	snop  }
__scs_overlays_trampoline_lowered:
0x8: {  	[smem:$0x3FAE] =	sst s0  }
0x9: {  	[smem:$0x3FAF] =	sst s1  }
0xa: {  	[smem:$0x3FB0] =	sst s2  }
0xb: {  	[smem:$0x3FB1] =	sst s3  }
0xc: {  	[smem:$0x3FB2] =	sst s4  }
0xd: {  	[smem:$0x3FB3] =	sst s5  }
0xe: {  	[smem:$0x3FB4] =	sst s6  }
0xf: {  	[smem:$0x3FB5] =	sst s7  }
0x10: {  	[smem:$0x3FB6] =	sst s8  }
0x11: {  	[smem:$0x3FB7] =	sst s9;
	s0 =	simm.s32 @!p0 $0x0  }
0x12: {  	s1 =	sld [smem:$0x3F9D];
	s0 =	simm.s32 @p0 $0x1  }
0x13: {  	[smem:$0x3FB8] =	sst s0;
	s0 =	simm.s32 @!p1 $0x0  }
0x14: {  	s2 =	sld [smem:$0x3F9C];
	s0 =	simm.s32 @p1 $0x1  }
0x15: {  	[smem:$0x3FB9] =	sst s0;
	s0 =	simm.s32 @!p2 $0x0  }
0x16: {  	s3 =	sld [smem:$0x3FDB];
	s0 =	simm.s32 @p2 $0x1  }
0x17: {  	s4 =	simm.s32 $0x1BF5;
	[smem:$0x3FBB] =	sst s0  }
0x18: {  	s0 =	sld [smem:$0x3F9E];
	_ =	swait.ge [sflag:s4], $0x0  }
0x19: {  	s7 =	sld [smem:$0x3F9F]  }
0x1a: {  	s8 =	sadd.s32 $0xFFFFE003, lr  }
0x1b: {  	s9 =	sadd.s32 $0xFFFFFEF7, lr;
	s5 =	simm.s32 $0xFFFFFFFF;
	p2 =	slt.u32 s8, $0xFFFFF086  }
0x1c: {  	p1 =	slt.u32 s9, $0xF7A;
	s5 =	simm.s32 @!p2 $0x0  }
0x1d: {  	s5 =	simm.s32 @p1 $0x1;
	p0 =	seq.s32 s7, s2  }
0x1e: {  	s7 =	smul.u32 @!p0 $0xF7A, s2;
	p2 =	seq.s32 @!p0 s5, $0x0  }
0x1f: {  	s9 =	smul.u32 $0xF7A, s1;
	s8 =	simm.s32 @!p0 $0x1BF5;
	p2 =	por !p2, p0  }
0x20: {  	[sflag:s8] =	ssyncset.s32 @!p0 $0xFFFFF086;
	s6 =	sadd.s32 @!p0 s3, s7;
	s7 =	simm.s32 @!p0 $0x108  }
0x21: {  	s3 =	sadd.s32 s3, s9;
	s6 =	sadd.s32 @!p0 $0x88, s6;
	s7 =	simm.s32 @p2 $0x1082  }
0x22: {  	[simem:s7], [sflag:s8] =	dma.local @!p0 [hbm:s6], $0xF7A  }
0x23: {  	s9 =	sor.u32 $0xD0000000, s2;
	s6 =	simm.s32 $0x108;
	_ =	swait.ge @!p0 [sflag:s8], $0x0  }
0x24: {  	s3 =	sadd.s32 $0x88, s3;
	s6 =	simm.s32 @!p1 $0x1082;
	[sflag:s4] =	ssyncset.s32 $0xFFFFF086  }
0x25: {  	[simem:s6], [sflag:s4] =	dma.local [hbm:s3], $0xF7A  }
0x26: {  	[smem:$0x3F9F] =	sst s1;
	(tag) =	ssettag s2;
	_ =	strace s9  }
0x27: {  	s1 =	sld [smem:$0x3FAF]  }
0x28: {  	s2 =	sld [smem:$0x3FB0]  }
0x29: {  	s4 =	sld [smem:$0x3FB2]  }
0x2a: {  	p0 =	seq.s32 s5, $0x0;
	s5 =	sld [smem:$0x3FB3]  }
0x2b: {  	s6 =	sld [smem:$0x3FB4]  }
0x2c: {  	s7 =	sld [smem:$0x3FB5]  }
0x2d: {  	s3 =	simm.s32 $0x108;
	s8 =	sld [smem:$0x3FB6]  }
0x2e: {  	s3 =	simm.s32 @!p0 $0x1082;
	s9 =	sld [smem:$0x3FB7]  }
0x2f: {  	lr =	sadd.s32 s0, s3;
	s0 =	sld [smem:$0x3FAE]  }
0x30: {  	s3 =	sld [smem:$0x3FB1]  }
0x31: {  	[smem:$0x3FBA] =	sst s10  }
0x32: {  	s10 =	sld [smem:$0x3FB8];
	_ =	sdelay $0x3  }
0x33: {  	p0 =	seq.s32 s10, $0x1;
	s10 =	sld [smem:$0x3FBA];
	_ =	sdelay $0x3  }
0x34: {  	[smem:$0x3FBA] =	sst s10  }
0x35: {  	s10 =	sld [smem:$0x3FB9];
	_ =	sdelay $0x3  }
0x36: {  	p1 =	seq.s32 s10, $0x1;
	s10 =	sld [smem:$0x3FBA];
	_ =	sdelay $0x3  }
0x37: {  	[smem:$0x3FBA] =	sst s10  }
0x38: {  	s10 =	sld [smem:$0x3FBB]  }
0x39: {  	_ = 	snop;
	(pc) =	sbr.ind lr, $3  }
0x3a: {  	_ = 	snop  }
0x3b: {  	_ = 	snop  }
0x3c: {  	p2 =	seq.s32 s10, $0x1;
	s10 =	sld [smem:$0x3FBA]  }
0x3d: {  	_ =	shalt  }
0x3e: {  	_ =	shalt  }
0x3f: {  	_ =	shalt  }
0x40: {  	_ =	shalt  }
0x41: {  	_ =	shalt  }
0x42: {  	_ =	shalt  }
0x43: {  	_ =	shalt  }
0x44: {  	_ =	shalt  }
0x45: {  	_ =	shalt  }
0x46: {  	_ =	shalt  }
0x47: {  	_ =	shalt  }
0x48: {  	_ =	shalt  }
0x49: {  	_ =	shalt  }
0x4a: {  	_ =	shalt  }
0x4b: {  	_ =	shalt  }
0x4c: {  	_ =	shalt  }
0x4d: {  	_ =	shalt  }
0x4e: {  	_ =	shalt  }
0x4f: {  	_ =	shalt  }
0x50: {  	_ =	shalt  }
0x51: {  	_ =	shalt  }
0x52: {  	_ =	shalt  }
0x53: {  	_ =	shalt  }
0x54: {  	_ =	shalt  }
0x55: {  	_ =	shalt  }
0x56: {  	_ =	shalt  }
0x57: {  	_ =	shalt  }
0x58: {  	_ =	shalt  }
0x59: {  	_ =	shalt  }
0x5a: {  	_ =	shalt  }
0x5b: {  	_ =	shalt  }
0x5c: {  	_ =	shalt  }
0x5d: {  	_ =	shalt  }
0x5e: {  	_ =	shalt  }
0x5f: {  	_ =	shalt  }
0x60: {  	_ =	shalt  }
0x61: {  	_ =	shalt  }
0x62: {  	_ =	shalt  }
0x63: {  	_ =	shalt  }
0x64: {  	_ =	shalt  }
0x65: {  	_ =	shalt  }
0x66: {  	_ =	shalt  }
0x67: {  	_ =	shalt  }
0x68: {  	_ =	shalt  }
0x69: {  	_ =	shalt  }
0x6a: {  	_ =	shalt  }
0x6b: {  	_ =	shalt  }
0x6c: {  	_ =	shalt  }
0x6d: {  	_ =	shalt  }
0x6e: {  	_ =	shalt  }
0x6f: {  	_ =	shalt  }
0x70: {  	_ =	shalt  }
0x71: {  	_ =	shalt  }
0x72: {  	_ =	shalt  }
0x73: {  	_ =	shalt  }
0x74: {  	_ =	shalt  }
0x75: {  	_ =	shalt  }
0x76: {  	_ =	shalt  }
0x77: {  	_ =	shalt  }
0x78: {  	_ =	shalt  }
0x79: {  	_ =	shalt  }
0x7a: {  	_ =	shalt  }
0x7b: {  	_ =	shalt  }
0x7c: {  	_ =	shalt  }
0x7d: {  	_ =	shalt  }
0x7e: {  	_ =	shalt  }
0x7f: {  	_ =	shalt  }
0x80: {  	_ =	shalt  }
0x81: {  	_ =	shalt  }
0x82: {  	_ =	shalt  }
0x83: {  	_ =	shalt  }
0x84: {  	_ =	shalt  }
0x85: {  	_ =	shalt  }
0x86: {  	_ =	shalt  }
0x87: {  	_ =	shalt  }
.Lfunc_end0:
.L_simem_size_0:
called_computation.1_lowered:
.L_overlay_start_0:
0x88: {  	s2 =	sld [smem:$0x3FD9]  }
0x89: {  	s3 =	sld [smem:$0x3FFE];
	_ =	sdelay $0x1  }
0x8a: {  	s1 =	srdreg.scid  }
0x8b: {  	s0 =	sand.u32 $0x1, s1  }
0x8c: {  	s17 =	sshll.u32 s0, $0xA;
	s2 =	sadd.s32 s3, s2  }
0x8d: {  	s2 =	sadd.s32 s2, s17  }
0x8e: {  	[smem:$0x3FC6] =	sst s2  }
0x8f: {  	_ = 	snop  }
0x90: {  	s18 =	sld [smem:$0x3FC8];
	(tm) =	ssettm $0x1  }
0x91: {  	s19 =	sld [smem:$0x3FFB];
	_ =	sdelay $0x3  }
0x92: {  	_ =	strace s19  }
0x93: {  	s2 =	sld [smem:$0x3FFC];
	_ =	sdelay $0x3  }
0x94: {  	_ =	strace s2  }
0x95: {  	s2 =	sld [smem:$0x3FFD];
	_ =	sdelay $0x3  }
0x96: {  	_ =	strace s2  }
0x97: {  	_ =	strace $0x8FFFFFFF  }
0x98: {  	s20 =	sld [smem:$0x3FDB];
	_ =	sdelay $0x1  }
0x99: {  	s4 =	simm.s32 $_scs_section_size  }
0x9a: {  	s5 =	simm.s32 $_size__tile_overlayer_lowered;
	s6 =	simm.s32 $_tile_overlayer_lowered  }
0x9b: {  	s7 =	simm.s32 $0x1BFF;
	s21 =	sshll.u32 s6, $0x1;
	s4 =	sadd.s32 s4, s20  }
0x9c: {  	s22 =	simm.s32 $0x0;
	s5 =	sshll.u32 s5, $0x1;
	s6 =	sadd.s32 s21, s4  }
0x9d: {  	[timem:s22], [sflag:s7] =	dma.local [hbm:s6], s5  }
0x9e: {  	_ =	swait.ge [sflag:s7], s5  }
0x9f: {  	s5 =	ssub.s32 $0x0, s5;
	[sflag:s7] =	ssyncset.done $0x0  }
0xa0: {  	[sflag:s7] =	ssyncadd.s32 s5;
	_ =	sdelay $0x1  }
0xa1: {  	s23 =	simm.s32 $0x1B8B  }
0xa2: {  	_ =	swait.ge [sflag:s23], $0x1  }
0xa3: {  	[sflag:s23] =	ssyncset.done $0x0  }
0xa4: {  	[sflag:s23] =	ssyncadd.s32 $0xFFFFFFFF  }
0xa5: {  	s5 =	sld [smem:$0x0]  }
0xa6: {  	s6 =	sand.u32 $0xFFFFFFFE, s1  }
0xa7: {  	p0 =	sne.s32 s1, s6  }
0xa8: {  	s6 =	sshll.u32 @p0 s6, $0xE  }
0xa9: {  	s6 =	sadd.s32 @p0 $0x11B8D, s6;
	s7 =	sshll.u32 @p0 s5, $0x11  }
0xaa: {  	s6 =	sor.u32 @p0 s7, s6  }
0xab: {  	[sflag:s6] =	ssyncadd.remote.s32 @p0 $0x1;
	_ =	sdelay $0x1  }
0xac: {  	s6 =	simm.s32 @p0 $0x1B8D  }
0xad: {  	_ =	swait.eq @p0 [sflag:s6], $0x1  }
0xae: {  	[sflag:s6] =	ssyncadd.s32 @p0 $0xFFFFFFFF  }
0xaf: {  	s7 =	sshll.u32 @!p0 s1, $0xE  }
0xb0: {  	s7 =	sor.u32 @!p0 $0x4000, s7;
	s6 =	simm.s32 @!p0 $0x1B8D  }
0xb1: {  	s5 =	sshll.u32 @!p0 s5, $0x11;
	s7 =	sadd.s32 @!p0 $0x11B8D, s7;
	_ =	swait.eq @!p0 [sflag:s6], $0x1  }
0xb2: {  	s5 =	sor.u32 @!p0 s5, s7;
	[sflag:s6] =	ssyncadd.s32 @!p0 $0xFFFFFFFF  }
0xb3: {  	s25 =	simm.s32 $0x1B8E;
	s24 =	sld [smem:$0x3FFE];
	[sflag:s5] =	ssyncadd.remote.s32 @!p0 $0x1  }
0xb4: {  	s26 =	simm.s32 $execute0_lowered;
	[smem:$0x3FD2] =	sst s25  }
0xb5: {  	s6 =	sshll.u32 s26, $0x1;
	_ =	strace $0x80000049;
	[dreg:$0x1] =	wrdreg $0xFFFFFFFF  }
0xb6: {  	s28 =	simm.s32 $_size_execute0_lowered;
	s4 =	sadd.s32 s4, s6;
	[dreg:$0x0] =	wrdreg $0x0  }
0xb7: {  	s6 =	sshll.u32 s28, $0x1;
	[dreg:$0x2] =	wrdreg s4  }
0xb8: {  	[dreg:$0x3] =	wrdreg s6  }
0xb9: {  	[dreg:$0x4] =	wrdreg $0xC0  }
0xba: {  	_ =	task [dreg:s22], $0x5FFFF  }
0xbb: {  	[dreg:$0x1] =	wrdreg $0xFFFFFFFF  }
0xbc: {  	[dreg:$0x0] =	wrdreg $0x60  }
0xbd: {  	[dreg:$0x2] =	wrdreg s18  }
0xbe: {  	[dreg:$0x3] =	wrdreg s24  }
0xbf: {  	[dreg:$0x4] =	wrdreg $0xA  }
0xc0: {  	_ =	task.clear_ibuf [dreg:s22], $0x5FFFF;
	_ =	strace $0x90000049  }
0xc1: {  	s29 =	simm.s32 $0xA;
	_ =	strace $0x8000004B  }
0xc2: {  	_ =	swait.ge [sflag:s29], $0x1  }
0xc3: {  	[sflag:s29] =	ssyncadd.s32 $0xFFFFFFFF  }
0xc4: {  	_ =	strace $0x9000004B  }
0xc5: {  	_ =	sfence  }
0xc6: {  	s30 =	sld [smem:$0x0];
	_ =	sdelay $0x2  }
0xc7: {  	s31 =	sshll.u32 s1, $0xD;
	s1 =	sshrl.u32 s1, $0x2  }
0xc8: {  	s4 =	sand.u32 $0x4000, s31;
	s1 =	sadd.s32 s1, s30  }
0xc9: {  	s0 =	sor.u32 s4, s0;
	s1 =	sshll.u32 s1, $0x11  }
0xca: {  	s0 =	sor.u32 s1, s0  }
0xcb: {  	s0 =	sadd.s32 $0x8F2B, s0  }
0xcc: {  	[sflag:s0] =	ssyncadd.remote.s32 $0x1  }
0xcd: {  	_ =	sfence.sel $0xFFFF  }
0xce: {  	[dreg:$0x0] =	wrdreg $0xFFFFFFFF;
	(pc) =	sbr.abs _section_cstart, $3  }
0xcf: {  	[dreg:$0x1] =	wrdreg $0xFFFFFFFF  }
0xd0: {  	_ =	task.clear_ibuf [dreg:s22], $0x2FFFF;
	_ =	strace $0x9FFFFFFF  }
0xd1: {  	(tm) =	ssettm $0x7FFFFFFF  }
tec
execute0_lowered:
.L_overlay_start_1:
0x0: {  	(tag) =	ssettag $0x1  }
0x1: {  	s1 =	srdreg.scid;
	s0 =	stileid.u32  }
0x2: {  	s30 =	sand.u32 $0x1, s1;
	s26 =	sshll.u32 s0, $0x1  }
0x3: {  	s7 =	sor.u32 s30, s26  }
0x4: {  	s9 =	rddreg [dreg:$0x1];
	s4 =	sshll.u32 s7, $0x8  }
0x5: {  	s2 =	rddreg [dreg:$0x0];
	s3 =	simm.s32 $0x0;
	s4 =	sadd.s32 s4, s9  }
0x6: {  	[smem:$0x7FF] =	sst s3;
	s4 =	sadd.s32 $0x4000, s4  }
0x7: {  	_ =	strace $0x8000004A;
	[dreg:$0x3] =	wrdreg s4  }
0x8: {  	s4 =	simm.s32 $0x5;
	s5 =	rddreg [dreg:$0x3]  }
0x9: {  	[tilespmem:s3], [sflag:$0x5] =	stream.linear.gather [hbm4b:s5+s3], $0x500, $0x38;
	[tilespmem:$0x8800] =	vst v63  }
0xa: {  	_ =	swait.ge [sflag:s4], $0x500  }
0xb: {  	[sflag:s4] =	ssyncset.done $0x0  }
0xc: {  	s6 =	simm.s32 $0x800;
	s5 =	simm.s32 $0x80;
	[sflag:s4] =	ssyncadd.s32 $0xFFFFFB00  }
0xd: {  	[tilespmem:s6], [sflag:$0x1] =	stream.indirect.gather [hbm4b:s2+s5], $0x80, s3, s5, $0xb8;
	[tilespmem:$0x8800] =	vst v63  }
0xe: {  	s8 =	simm.s32 $0x1;
	s10 =	smul.u32 $0x28000, s7;
	s7 =	simm.s32 $0x4800  }
0xf: {  	[tilespmem:s7], [sflag:$0x2] =	stream.indirect.gather [hbm4b:s2+s5], $0x80, s5, s5, $0xb8;
	[tilespmem:$0x8800] =	vst v63  }
0x10: {  	s10 =	sshrl.u32 s10, $0x3;
	_ =	swait.ge [sflag:s8], $0x4000  }
0x11: {  	s31 =	sadd.s32 s10, s9;
	[sflag:s8] =	ssyncset.done $0x0  }
0x12: {  	s10 =	simm.s32 $0x3;
	s9 =	sadd.s32 $0xC000, s31;
	[sflag:s8] =	ssyncadd.s32 $0xFFFFC000  }
0x13: {  	[hbm4b:s9+s3] =	stream.linear.scatter [tilespmem:s6], [sflag:$0x3], $0x4000, $0x38;
	[tilespmem:$0x8800] =	vst v63  }
0x14: {  	_ =	swait.ge [sflag:s10], $0x4000  }
0x15: {  	[sflag:s10] =	ssyncset.done $0x0  }
0x16: {  	s11 =	simm.s32 $0x100;
	s12 =	simm.s32 $0x2;
	[sflag:s10] =	ssyncadd.s32 $0xFFFFC000  }
0x17: {  	[tilespmem:s6], [sflag:$0x1] =	stream.indirect.gather [hbm4b:s2+s5], $0x80, s11, s5, $0xb8;
	[tilespmem:$0x8800] =	vst v63  }
0x18: {  	_ =	swait.ge [sflag:s12], $0x4000  }
0x19: {  	[sflag:s12] =	ssyncset.done $0x0  }
0x1a: {  	s13 =	simm.s32 $0x4;
	s14 =	sadd.s32 $0xC800, s31;
	[sflag:s12] =	ssyncadd.s32 $0xFFFFC000  }
0x1b: {  	[hbm4b:s14+s3] =	stream.linear.scatter [tilespmem:s7], [sflag:$0x4], $0x4000, $0x38;
	[tilespmem:$0x8800] =	vst v63  }
0x1c: {  	_ =	swait.ge [sflag:s13], $0x4000  }
0x1d: {  	[sflag:s13] =	ssyncset.done $0x0  }
0x1e: {  	s15 =	simm.s32 $0x180;
	[sflag:s13] =	ssyncadd.s32 $0xFFFFC000  }
0x1f: {  	[tilespmem:s7], [sflag:$0x2] =	stream.indirect.gather [hbm4b:s2+s5], $0x80, s15, s5, $0xb8;
	[tilespmem:$0x8800] =	vst v63  }
0x20: {  	_ =	swait.ge [sflag:s8], $0x4000  }
0x21: {  	[sflag:s8] =	ssyncset.done $0x0  }
0x22: {  	s16 =	sadd.s32 $0xD000, s31;
	[sflag:s8] =	ssyncadd.s32 $0xFFFFC000  }
0x23: {  	[hbm4b:s16+s3] =	stream.linear.scatter [tilespmem:s6], [sflag:$0x3], $0x4000, $0x38;
	[tilespmem:$0x8800] =	vst v63  }
0x24: {  	_ =	swait.ge [sflag:s10], $0x4000  }
0x25: {  	[sflag:s10] =	ssyncset.done $0x0  }
0x26: {  	s17 =	simm.s32 $0x200;
	[sflag:s10] =	ssyncadd.s32 $0xFFFFC000  }
0x27: {  	[tilespmem:s6], [sflag:$0x1] =	stream.indirect.gather [hbm4b:s2+s5], $0x80, s17, s5, $0xb8;
	[tilespmem:$0x8800] =	vst v63  }
0x28: {  	_ =	swait.ge [sflag:s12], $0x4000  }
0x29: {  	[sflag:s12] =	ssyncset.done $0x0  }
0x2a: {  	s18 =	sadd.s32 $0xD800, s31;
	[sflag:s12] =	ssyncadd.s32 $0xFFFFC000  }
0x2b: {  	[hbm4b:s18+s3] =	stream.linear.scatter [tilespmem:s7], [sflag:$0x4], $0x4000, $0x38;
	[tilespmem:$0x8800] =	vst v63  }
0x2c: {  	_ =	swait.ge [sflag:s13], $0x4000  }
0x2d: {  	[sflag:s13] =	ssyncset.done $0x0  }
0x2e: {  	s19 =	simm.s32 $0x280;
	[sflag:s13] =	ssyncadd.s32 $0xFFFFC000  }
0x2f: {  	[tilespmem:s7], [sflag:$0x2] =	stream.indirect.gather [hbm4b:s2+s5], $0x80, s19, s5, $0xb8;
	[tilespmem:$0x8800] =	vst v63  }
0x30: {  	_ =	swait.ge [sflag:s8], $0x4000  }
0x31: {  	[sflag:s8] =	ssyncset.done $0x0  }
0x32: {  	s20 =	sadd.s32 $0xE000, s31;
	[sflag:s8] =	ssyncadd.s32 $0xFFFFC000  }
0x33: {  	[hbm4b:s20+s3] =	stream.linear.scatter [tilespmem:s6], [sflag:$0x3], $0x4000, $0x38;
	[tilespmem:$0x8800] =	vst v63  }
0x34: {  	_ =	swait.ge [sflag:s10], $0x4000  }
0x35: {  	[sflag:s10] =	ssyncset.done $0x0  }
0x36: {  	s21 =	simm.s32 $0x300;
	[sflag:s10] =	ssyncadd.s32 $0xFFFFC000  }
0x37: {  	[tilespmem:s6], [sflag:$0x1] =	stream.indirect.gather [hbm4b:s2+s5], $0x80, s21, s5, $0xb8;
	[tilespmem:$0x8800] =	vst v63  }
0x38: {  	_ =	swait.ge [sflag:s12], $0x4000  }
0x39: {  	[sflag:s12] =	ssyncset.done $0x0  }
0x3a: {  	s22 =	sadd.s32 $0xE800, s31;
	[sflag:s12] =	ssyncadd.s32 $0xFFFFC000  }
0x3b: {  	[hbm4b:s22+s3] =	stream.linear.scatter [tilespmem:s7], [sflag:$0x4], $0x4000, $0x38;
	[tilespmem:$0x8800] =	vst v63  }
0x3c: {  	_ =	swait.ge [sflag:s13], $0x4000  }
0x3d: {  	[sflag:s13] =	ssyncset.done $0x0  }
0x3e: {  	s23 =	simm.s32 $0x380;
	[sflag:s13] =	ssyncadd.s32 $0xFFFFC000  }
0x3f: {  	[tilespmem:s7], [sflag:$0x2] =	stream.indirect.gather [hbm4b:s2+s5], $0x80, s23, s5, $0xb8;
	[tilespmem:$0x8800] =	vst v63  }
0x40: {  	_ =	swait.ge [sflag:s8], $0x4000  }
0x41: {  	[sflag:s8] =	ssyncset.done $0x0  }
0x42: {  	s24 =	sadd.s32 $0xF000, s31;
	[sflag:s8] =	ssyncadd.s32 $0xFFFFC000  }
0x43: {  	[hbm4b:s24+s3] =	stream.linear.scatter [tilespmem:s6], [sflag:$0x3], $0x4000, $0x38;
	[tilespmem:$0x8800] =	vst v63  }
0x44: {  	_ =	swait.ge [sflag:s10], $0x4000  }
0x45: {  	[sflag:s10] =	ssyncset.done $0x0  }
0x46: {  	s25 =	simm.s32 $0x400;
	[sflag:s10] =	ssyncadd.s32 $0xFFFFC000  }
0x47: {  	[tilespmem:s6], [sflag:$0x1] =	stream.indirect.gather [hbm4b:s2+s5], $0x80, s25, s5, $0xb8;
	[tilespmem:$0x8800] =	vst v63  }
0x48: {  	_ =	swait.ge [sflag:s12], $0x4000  }
0x49: {  	[sflag:s12] =	ssyncset.done $0x0  }
0x4a: {  	s26 =	sadd.s32 $0xF800, s31;
	[sflag:s12] =	ssyncadd.s32 $0xFFFFC000  }
0x4b: {  	[hbm4b:s26+s3] =	stream.linear.scatter [tilespmem:s7], [sflag:$0x4], $0x4000, $0x38;
	[tilespmem:$0x8800] =	vst v63  }
0x4c: {  	_ =	swait.ge [sflag:s13], $0x4000  }
0x4d: {  	[sflag:s13] =	ssyncset.done $0x0  }
0x4e: {  	s28 =	simm.s32 $0x480;
	[sflag:s13] =	ssyncadd.s32 $0xFFFFC000  }
0x4f: {  	[tilespmem:s7], [sflag:$0x2] =	stream.indirect.gather [hbm4b:s2+s5], $0x80, s28, s5, $0xb8;
	[tilespmem:$0x8800] =	vst v63  }
0x50: {  	_ =	swait.ge [sflag:s8], $0x4000  }
0x51: {  	s1 =	ssub.s32 $0x2, s30;
	s29 =	sadd.s32 $0x10000, s31;
	[sflag:s8] =	ssyncset.done $0x0  }
0x52: {  	s30 =	sadd.s32 $0x10800, s31;
	s31 =	sshrl.u32 s1, $0x1;
	[sflag:s8] =	ssyncadd.s32 $0xFFFFC000  }
0x53: {  	[hbm4b:s29+s3] =	stream.linear.scatter [tilespmem:s6], [sflag:$0x3], $0x4000, $0x38;
	[tilespmem:$0x8800] =	vst v63  }
0x54: {  	s1 =	ssub.s32 s1, s31;
	_ =	swait.ge [sflag:s12], $0x4000  }
0x55: {  	s1 =	smax.u32 s1, $0x1;
	[sflag:s12] =	ssyncset.done $0x0  }
0x56: {  	p0 =	sne.s32 s1, $0x1;
	[sflag:s12] =	ssyncadd.s32 $0xFFFFC000  }
0x57: {  	[hbm4b:s30+s3] =	stream.linear.scatter [tilespmem:s7], [sflag:$0x4], $0x4000, $0x38;
	[tilespmem:$0x8800] =	vst v63  }
.Ltmp0:
0x58: {  	_ =	swait.ge [sflag:s10], $0x4000;
	(pc) =	sbr.rel @!p0 .LBB2_2-.Ltmp0, $4  }
0x59: {  	[sflag:s10] =	ssyncset.done $0x0  }
0x5a: {  	[sflag:s10] =	ssyncadd.s32 $0xFFFFC000  }
0x5b: {  	_ =	swait.ge [sflag:s13], $0x4000  }
0x5c: {  	s31 =	sadd.s32 $0xFFFFFFFF, s1;
	[sflag:s13] =	ssyncset.done $0x0  }
.LBB2_1:
0x5d: {  	s1 =	rddreg [dreg:$0x3];
	[sflag:s13] =	ssyncadd.s32 $0xFFFFC000  }
0x5e: {  	[tilespmem:s3], [sflag:$0x5] =	stream.linear.gather [hbm4b:s1+s3], $0x500, $0x38;
	[tilespmem:$0x8800] =	vst v63  }
0x5f: {  	_ =	swait.ge [sflag:s4], $0x500  }
0x60: {  	[sflag:s4] =	ssyncset.done $0x0  }
0x61: {  	[sflag:s4] =	ssyncadd.s32 $0xFFFFFB00  }
0x62: {  	[tilespmem:s6], [sflag:$0x1] =	stream.indirect.gather [hbm4b:s2+s5], $0x80, s3, s5, $0xb8;
	[tilespmem:$0x8800] =	vst v63  }
0x63: {  	_ = 	snop  }
0x64: {  	[tilespmem:s7], [sflag:$0x2] =	stream.indirect.gather [hbm4b:s2+s5], $0x80, s5, s5, $0xb8;
	[tilespmem:$0x8800] =	vst v63  }
0x65: {  	_ =	swait.ge [sflag:s8], $0x4000  }
0x66: {  	[sflag:s8] =	ssyncset.done $0x0  }
0x67: {  	[sflag:s8] =	ssyncadd.s32 $0xFFFFC000  }
0x68: {  	[hbm4b:s9+s3] =	stream.linear.scatter [tilespmem:s6], [sflag:$0x3], $0x4000, $0x38;
	[tilespmem:$0x8800] =	vst v63  }
0x69: {  	_ =	swait.ge [sflag:s10], $0x4000  }
0x6a: {  	[sflag:s10] =	ssyncset.done $0x0  }
0x6b: {  	[sflag:s10] =	ssyncadd.s32 $0xFFFFC000  }
0x6c: {  	[tilespmem:s6], [sflag:$0x1] =	stream.indirect.gather [hbm4b:s2+s5], $0x80, s11, s5, $0xb8;
	[tilespmem:$0x8800] =	vst v63  }
0x6d: {  	_ =	swait.ge [sflag:s12], $0x4000  }
0x6e: {  	[sflag:s12] =	ssyncset.done $0x0  }
0x6f: {  	[sflag:s12] =	ssyncadd.s32 $0xFFFFC000  }
0x70: {  	[hbm4b:s14+s3] =	stream.linear.scatter [tilespmem:s7], [sflag:$0x4], $0x4000, $0x38;
	[tilespmem:$0x8800] =	vst v63  }
0x71: {  	_ =	swait.ge [sflag:s13], $0x4000  }
0x72: {  	[sflag:s13] =	ssyncset.done $0x0  }
0x73: {  	[sflag:s13] =	ssyncadd.s32 $0xFFFFC000  }
0x74: {  	[tilespmem:s7], [sflag:$0x2] =	stream.indirect.gather [hbm4b:s2+s5], $0x80, s15, s5, $0xb8;
	[tilespmem:$0x8800] =	vst v63  }
0x75: {  	_ =	swait.ge [sflag:s8], $0x4000  }
0x76: {  	[sflag:s8] =	ssyncset.done $0x0  }
0x77: {  	[sflag:s8] =	ssyncadd.s32 $0xFFFFC000  }
0x78: {  	[hbm4b:s16+s3] =	stream.linear.scatter [tilespmem:s6], [sflag:$0x3], $0x4000, $0x38;
	[tilespmem:$0x8800] =	vst v63  }
0x79: {  	_ =	swait.ge [sflag:s10], $0x4000  }
0x7a: {  	[sflag:s10] =	ssyncset.done $0x0  }
0x7b: {  	[sflag:s10] =	ssyncadd.s32 $0xFFFFC000  }
0x7c: {  	[tilespmem:s6], [sflag:$0x1] =	stream.indirect.gather [hbm4b:s2+s5], $0x80, s17, s5, $0xb8;
	[tilespmem:$0x8800] =	vst v63  }
0x7d: {  	_ =	swait.ge [sflag:s12], $0x4000  }
0x7e: {  	[sflag:s12] =	ssyncset.done $0x0  }
0x7f: {  	[sflag:s12] =	ssyncadd.s32 $0xFFFFC000  }
0x80: {  	[hbm4b:s18+s3] =	stream.linear.scatter [tilespmem:s7], [sflag:$0x4], $0x4000, $0x38;
	[tilespmem:$0x8800] =	vst v63  }
0x81: {  	_ =	swait.ge [sflag:s13], $0x4000  }
0x82: {  	[sflag:s13] =	ssyncset.done $0x0  }
0x83: {  	[sflag:s13] =	ssyncadd.s32 $0xFFFFC000  }
0x84: {  	[tilespmem:s7], [sflag:$0x2] =	stream.indirect.gather [hbm4b:s2+s5], $0x80, s19, s5, $0xb8;
	[tilespmem:$0x8800] =	vst v63  }
0x85: {  	_ =	swait.ge [sflag:s8], $0x4000  }
0x86: {  	[sflag:s8] =	ssyncset.done $0x0  }
0x87: {  	[sflag:s8] =	ssyncadd.s32 $0xFFFFC000  }
0x88: {  	[hbm4b:s20+s3] =	stream.linear.scatter [tilespmem:s6], [sflag:$0x3], $0x4000, $0x38;
	[tilespmem:$0x8800] =	vst v63  }
0x89: {  	_ =	swait.ge [sflag:s10], $0x4000  }
0x8a: {  	[sflag:s10] =	ssyncset.done $0x0  }
0x8b: {  	[sflag:s10] =	ssyncadd.s32 $0xFFFFC000  }
0x8c: {  	[tilespmem:s6], [sflag:$0x1] =	stream.indirect.gather [hbm4b:s2+s5], $0x80, s21, s5, $0xb8;
	[tilespmem:$0x8800] =	vst v63  }
0x8d: {  	_ =	swait.ge [sflag:s12], $0x4000  }
0x8e: {  	[sflag:s12] =	ssyncset.done $0x0  }
0x8f: {  	[sflag:s12] =	ssyncadd.s32 $0xFFFFC000  }
0x90: {  	[hbm4b:s22+s3] =	stream.linear.scatter [tilespmem:s7], [sflag:$0x4], $0x4000, $0x38;
	[tilespmem:$0x8800] =	vst v63  }
0x91: {  	_ =	swait.ge [sflag:s13], $0x4000  }
0x92: {  	[sflag:s13] =	ssyncset.done $0x0  }
0x93: {  	[sflag:s13] =	ssyncadd.s32 $0xFFFFC000  }
0x94: {  	[tilespmem:s7], [sflag:$0x2] =	stream.indirect.gather [hbm4b:s2+s5], $0x80, s23, s5, $0xb8;
	[tilespmem:$0x8800] =	vst v63  }
0x95: {  	_ =	swait.ge [sflag:s8], $0x4000  }
0x96: {  	[sflag:s8] =	ssyncset.done $0x0  }
0x97: {  	[sflag:s8] =	ssyncadd.s32 $0xFFFFC000  }
0x98: {  	[hbm4b:s24+s3] =	stream.linear.scatter [tilespmem:s6], [sflag:$0x3], $0x4000, $0x38;
	[tilespmem:$0x8800] =	vst v63  }
0x99: {  	_ =	swait.ge [sflag:s10], $0x4000  }
0x9a: {  	[sflag:s10] =	ssyncset.done $0x0  }
0x9b: {  	[sflag:s10] =	ssyncadd.s32 $0xFFFFC000  }
0x9c: {  	[tilespmem:s6], [sflag:$0x1] =	stream.indirect.gather [hbm4b:s2+s5], $0x80, s25, s5, $0xb8;
	[tilespmem:$0x8800] =	vst v63  }
0x9d: {  	_ =	swait.ge [sflag:s12], $0x4000  }
0x9e: {  	[sflag:s12] =	ssyncset.done $0x0  }
0x9f: {  	[sflag:s12] =	ssyncadd.s32 $0xFFFFC000  }
0xa0: {  	[hbm4b:s26+s3] =	stream.linear.scatter [tilespmem:s7], [sflag:$0x4], $0x4000, $0x38;
	[tilespmem:$0x8800] =	vst v63  }
0xa1: {  	_ =	swait.ge [sflag:s13], $0x4000  }
0xa2: {  	[sflag:s13] =	ssyncset.done $0x0  }
0xa3: {  	[sflag:s13] =	ssyncadd.s32 $0xFFFFC000  }
0xa4: {  	[tilespmem:s7], [sflag:$0x2] =	stream.indirect.gather [hbm4b:s2+s5], $0x80, s28, s5, $0xb8;
	[tilespmem:$0x8800] =	vst v63  }
0xa5: {  	_ =	swait.ge [sflag:s8], $0x4000  }
0xa6: {  	[sflag:s8] =	ssyncset.done $0x0  }
0xa7: {  	[sflag:s8] =	ssyncadd.s32 $0xFFFFC000  }
0xa8: {  	[hbm4b:s29+s3] =	stream.linear.scatter [tilespmem:s6], [sflag:$0x3], $0x4000, $0x38;
	[tilespmem:$0x8800] =	vst v63  }
0xa9: {  	_ =	swait.ge [sflag:s12], $0x4000  }
0xaa: {  	[sflag:s12] =	ssyncset.done $0x0  }
0xab: {  	p0 =	sne.s32 s31, $0x1;
	[sflag:s12] =	ssyncadd.s32 $0xFFFFC000  }
0xac: {  	[hbm4b:s30+s3] =	stream.linear.scatter [tilespmem:s7], [sflag:$0x4], $0x4000, $0x38;
	[tilespmem:$0x8800] =	vst v63  }
.Ltmp1:
0xad: {  	_ =	swait.ge [sflag:s10], $0x4000;
	(pc) =	sbr.rel @p0 .LBB2_1-.Ltmp1, $4  }
0xae: {  	[sflag:s10] =	ssyncset.done $0x0  }
0xaf: {  	[sflag:s10] =	ssyncadd.s32 $0xFFFFC000  }
0xb0: {  	_ =	swait.ge [sflag:s13], $0x4000  }
0xb1: {  	s31 =	sadd.s32 $0xFFFFFFFF, s31;
	[sflag:s13] =	ssyncset.done $0x0  }
.LBB2_2:
0xb2: {  	[sflag:s13] =	ssyncadd.s32 $0xFFFFC000  }
0xb3: {  	_ =	sfence.sel $0x180000  }
0xb4: {  	[bflag:$0x0] =	sbarrier.arrive $0xFFFF  }
0xb5: {  	_ =	strace $0x9000004A  }
0xb6: {  	[bflag:$0x2] =	sbarrier.arrive $0xFFFF  }
0xb7: {  	p0 =	sne.s32 s0, $0x0;
	s0 =	rddreg [dreg:$0x2]  }
0xb8: {  	s0 =	sadd.s32 @!p0 $0x100000, s0  }
0xb9: {  	[sflag:s0] =	ssyncadd.tile.s32 @!p0 $0x1;
	_ =	shalt  }
.Lfunc_end2:
_tile_overlayer_lowered:
.L_overlay_start_2:
0xba: {  	(tag) =	ssettag $0x2  }
0xbb: {  	s0 =	rddreg [dreg:$0x0];
	s2 =	stileid.u32  }
0xbc: {  	s1 =	rddreg [dreg:$0x1];
	p0 =	sne.s32 s2, $0x0  }
0xbd: {  	s3 =	rddreg [dreg:$0x2];
	[bflag:$0x3] =	sbarrier.arrive $0xFFFF;
	s2 =	simm.s32 @!p0 $0x1C05  }
0xbe: {  	[timem:s3], [sflag:s2] =	dma.local @!p0 [hbm:s0], s1  }
0xbf: {  	s0 =	simm.s32 @!p0 $0x5  }
0xc0: {  	_ =	swait.ge @!p0 [sflag:s0], s1  }
0xc1: {  	s1 =	ssub.s32 @!p0 $0x0, s1;
	[sflag:s0] =	ssyncset.done @!p0 $0x0  }
0xc2: {  	[sflag:s0] =	ssyncadd.s32 @!p0 s1  }
0xc3: {  	[bflag:$0x3] =	sbarrier.arrive $0xFFFF  }
0xc4: {  	_ =	shalt  }

// kernel: kernel.19.cloned.1.call-start
scs
__scs_entry_jumppad:
0x0: {  	(pc) =	sbr.rel $0x88, $3  }
0x1: {  	(tag) =	ssettag $0x0;
	lr =	simm.s32 $0x1  }
0x2: {  	[smem:$0x3F9F] =	sst lr;
	_ =	strace $0xD0000000  }
0x3: {  	_ = 	snop  }
0x4: {  	_ = 	snop  }
0x5: {  	_ = 	snop  }
0x6: {  	_ = 	snop  }
0x7: {  	_ = 	snop  }
__scs_overlays_trampoline_lowered:
0x8: {  	[smem:$0x3FAE] =	sst s0  }
0x9: {  	[smem:$0x3FAF] =	sst s1  }
0xa: {  	[smem:$0x3FB0] =	sst s2  }
0xb: {  	[smem:$0x3FB1] =	sst s3  }
0xc: {  	[smem:$0x3FB2] =	sst s4  }
0xd: {  	[smem:$0x3FB3] =	sst s5  }
0xe: {  	[smem:$0x3FB4] =	sst s6  }
0xf: {  	[smem:$0x3FB5] =	sst s7  }
0x10: {  	[smem:$0x3FB6] =	sst s8  }
0x11: {  	[smem:$0x3FB7] =	sst s9;
	s0 =	simm.s32 @!p0 $0x0  }
0x12: {  	s1 =	sld [smem:$0x3F9D];
	s0 =	simm.s32 @p0 $0x1  }
0x13: {  	[smem:$0x3FB8] =	sst s0;
	s0 =	simm.s32 @!p1 $0x0  }
0x14: {  	s2 =	sld [smem:$0x3F9C];
	s0 =	simm.s32 @p1 $0x1  }
0x15: {  	[smem:$0x3FB9] =	sst s0;
	s0 =	simm.s32 @!p2 $0x0  }
0x16: {  	s3 =	sld [smem:$0x3FDB];
	s0 =	simm.s32 @p2 $0x1  }
0x17: {  	s4 =	simm.s32 $0x1BF5;
	[smem:$0x3FBB] =	sst s0  }
0x18: {  	s0 =	sld [smem:$0x3F9E];
	_ =	swait.ge [sflag:s4], $0x0  }
0x19: {  	s7 =	sld [smem:$0x3F9F]  }
0x1a: {  	s8 =	sadd.s32 $0xFFFFE003, lr  }
0x1b: {  	s9 =	sadd.s32 $0xFFFFFEF7, lr;
	s5 =	simm.s32 $0xFFFFFFFF;
	p2 =	slt.u32 s8, $0xFFFFF086  }
0x1c: {  	p1 =	slt.u32 s9, $0xF7A;
	s5 =	simm.s32 @!p2 $0x0  }
0x1d: {  	s5 =	simm.s32 @p1 $0x1;
	p0 =	seq.s32 s7, s2  }
0x1e: {  	s7 =	smul.u32 @!p0 $0xF7A, s2;
	p2 =	seq.s32 @!p0 s5, $0x0  }
0x1f: {  	s9 =	smul.u32 $0xF7A, s1;
	s8 =	simm.s32 @!p0 $0x1BF5;
	p2 =	por !p2, p0  }
0x20: {  	[sflag:s8] =	ssyncset.s32 @!p0 $0xFFFFF086;
	s6 =	sadd.s32 @!p0 s3, s7;
	s7 =	simm.s32 @!p0 $0x108  }
0x21: {  	s3 =	sadd.s32 s3, s9;
	s6 =	sadd.s32 @!p0 $0x88, s6;
	s7 =	simm.s32 @p2 $0x1082  }
0x22: {  	[simem:s7], [sflag:s8] =	dma.local @!p0 [hbm:s6], $0xF7A  }
0x23: {  	s9 =	sor.u32 $0xD0000000, s2;
	s6 =	simm.s32 $0x108;
	_ =	swait.ge @!p0 [sflag:s8], $0x0  }
0x24: {  	s3 =	sadd.s32 $0x88, s3;
	s6 =	simm.s32 @!p1 $0x1082;
	[sflag:s4] =	ssyncset.s32 $0xFFFFF086  }
0x25: {  	[simem:s6], [sflag:s4] =	dma.local [hbm:s3], $0xF7A  }
0x26: {  	[smem:$0x3F9F] =	sst s1;
	(tag) =	ssettag s2;
	_ =	strace s9  }
0x27: {  	s1 =	sld [smem:$0x3FAF]  }
0x28: {  	s2 =	sld [smem:$0x3FB0]  }
0x29: {  	s4 =	sld [smem:$0x3FB2]  }
0x2a: {  	p0 =	seq.s32 s5, $0x0;
	s5 =	sld [smem:$0x3FB3]  }
0x2b: {  	s6 =	sld [smem:$0x3FB4]  }
0x2c: {  	s7 =	sld [smem:$0x3FB5]  }
0x2d: {  	s3 =	simm.s32 $0x108;
	s8 =	sld [smem:$0x3FB6]  }
0x2e: {  	s3 =	simm.s32 @!p0 $0x1082;
	s9 =	sld [smem:$0x3FB7]  }
0x2f: {  	lr =	sadd.s32 s0, s3;
	s0 =	sld [smem:$0x3FAE]  }
0x30: {  	s3 =	sld [smem:$0x3FB1]  }
0x31: {  	[smem:$0x3FBA] =	sst s10  }
0x32: {  	s10 =	sld [smem:$0x3FB8];
	_ =	sdelay $0x3  }
0x33: {  	p0 =	seq.s32 s10, $0x1;
	s10 =	sld [smem:$0x3FBA];
	_ =	sdelay $0x3  }
0x34: {  	[smem:$0x3FBA] =	sst s10  }
0x35: {  	s10 =	sld [smem:$0x3FB9];
	_ =	sdelay $0x3  }
0x36: {  	p1 =	seq.s32 s10, $0x1;
	s10 =	sld [smem:$0x3FBA];
	_ =	sdelay $0x3  }
0x37: {  	[smem:$0x3FBA] =	sst s10  }
0x38: {  	s10 =	sld [smem:$0x3FBB]  }
0x39: {  	_ = 	snop;
	(pc) =	sbr.ind lr, $3  }
0x3a: {  	_ = 	snop  }
0x3b: {  	_ = 	snop  }
0x3c: {  	p2 =	seq.s32 s10, $0x1;
	s10 =	sld [smem:$0x3FBA]  }
0x3d: {  	_ =	shalt  }
0x3e: {  	_ =	shalt  }
0x3f: {  	_ =	shalt  }
0x40: {  	_ =	shalt  }
0x41: {  	_ =	shalt  }
0x42: {  	_ =	shalt  }
0x43: {  	_ =	shalt  }
0x44: {  	_ =	shalt  }
0x45: {  	_ =	shalt  }
0x46: {  	_ =	shalt  }
0x47: {  	_ =	shalt  }
0x48: {  	_ =	shalt  }
0x49: {  	_ =	shalt  }
0x4a: {  	_ =	shalt  }
0x4b: {  	_ =	shalt  }
0x4c: {  	_ =	shalt  }
0x4d: {  	_ =	shalt  }
0x4e: {  	_ =	shalt  }
0x4f: {  	_ =	shalt  }
0x50: {  	_ =	shalt  }
0x51: {  	_ =	shalt  }
0x52: {  	_ =	shalt  }
0x53: {  	_ =	shalt  }
0x54: {  	_ =	shalt  }
0x55: {  	_ =	shalt  }
0x56: {  	_ =	shalt  }
0x57: {  	_ =	shalt  }
0x58: {  	_ =	shalt  }
0x59: {  	_ =	shalt  }
0x5a: {  	_ =	shalt  }
0x5b: {  	_ =	shalt  }
0x5c: {  	_ =	shalt  }
0x5d: {  	_ =	shalt  }
0x5e: {  	_ =	shalt  }
0x5f: {  	_ =	shalt  }
0x60: {  	_ =	shalt  }
0x61: {  	_ =	shalt  }
0x62: {  	_ =	shalt  }
0x63: {  	_ =	shalt  }
0x64: {  	_ =	shalt  }
0x65: {  	_ =	shalt  }
0x66: {  	_ =	shalt  }
0x67: {  	_ =	shalt  }
0x68: {  	_ =	shalt  }
0x69: {  	_ =	shalt  }
0x6a: {  	_ =	shalt  }
0x6b: {  	_ =	shalt  }
0x6c: {  	_ =	shalt  }
0x6d: {  	_ =	shalt  }
0x6e: {  	_ =	shalt  }
0x6f: {  	_ =	shalt  }
0x70: {  	_ =	shalt  }
0x71: {  	_ =	shalt  }
0x72: {  	_ =	shalt  }
0x73: {  	_ =	shalt  }
0x74: {  	_ =	shalt  }
0x75: {  	_ =	shalt  }
0x76: {  	_ =	shalt  }
0x77: {  	_ =	shalt  }
0x78: {  	_ =	shalt  }
0x79: {  	_ =	shalt  }
0x7a: {  	_ =	shalt  }
0x7b: {  	_ =	shalt  }
0x7c: {  	_ =	shalt  }
0x7d: {  	_ =	shalt  }
0x7e: {  	_ =	shalt  }
0x7f: {  	_ =	shalt  }
0x80: {  	_ =	shalt  }
0x81: {  	_ =	shalt  }
0x82: {  	_ =	shalt  }
0x83: {  	_ =	shalt  }
0x84: {  	_ =	shalt  }
0x85: {  	_ =	shalt  }
0x86: {  	_ =	shalt  }
0x87: {  	_ =	shalt  }
.Lfunc_end0:
.L_simem_size_0:
called_computation.2_lowered:
.L_overlay_start_0:
0x88: {  	s2 =	sld [smem:$0x3FD9]  }
0x89: {  	s3 =	sld [smem:$0x3FFE];
	_ =	sdelay $0x1  }
0x8a: {  	s1 =	srdreg.scid  }
0x8b: {  	s0 =	sand.u32 $0x1, s1  }
0x8c: {  	s17 =	sshll.u32 s0, $0xA;
	s2 =	sadd.s32 s3, s2  }
0x8d: {  	s2 =	sadd.s32 s2, s17  }
0x8e: {  	[smem:$0x3FC6] =	sst s2  }
0x8f: {  	_ = 	snop  }
0x90: {  	s18 =	sld [smem:$0x3FC8];
	(tm) =	ssettm $0x1  }
0x91: {  	s19 =	sld [smem:$0x3FFB];
	_ =	sdelay $0x3  }
0x92: {  	_ =	strace s19  }
0x93: {  	s2 =	sld [smem:$0x3FFC];
	_ =	sdelay $0x3  }
0x94: {  	_ =	strace s2  }
0x95: {  	s2 =	sld [smem:$0x3FFD];
	_ =	sdelay $0x3  }
0x96: {  	_ =	strace s2  }
0x97: {  	_ =	strace $0x8FFFFFFF  }
0x98: {  	s20 =	sld [smem:$0x3FDB];
	_ =	sdelay $0x1  }
0x99: {  	s4 =	simm.s32 $_scs_section_size  }
0x9a: {  	s5 =	simm.s32 $_size__tile_overlayer_lowered;
	s6 =	simm.s32 $_tile_overlayer_lowered  }
0x9b: {  	s7 =	simm.s32 $0x1BFF;
	s21 =	sshll.u32 s6, $0x1;
	s4 =	sadd.s32 s4, s20  }
0x9c: {  	s22 =	simm.s32 $0x0;
	s5 =	sshll.u32 s5, $0x1;
	s6 =	sadd.s32 s21, s4  }
0x9d: {  	[timem:s22], [sflag:s7] =	dma.local [hbm:s6], s5  }
0x9e: {  	_ =	swait.ge [sflag:s7], s5  }
0x9f: {  	s5 =	ssub.s32 $0x0, s5;
	[sflag:s7] =	ssyncset.done $0x0  }
0xa0: {  	[sflag:s7] =	ssyncadd.s32 s5;
	_ =	sdelay $0x1  }
0xa1: {  	s23 =	simm.s32 $0x1B8B  }
0xa2: {  	_ =	swait.ge [sflag:s23], $0x1  }
0xa3: {  	[sflag:s23] =	ssyncset.done $0x0  }
0xa4: {  	[sflag:s23] =	ssyncadd.s32 $0xFFFFFFFF  }
0xa5: {  	s5 =	sld [smem:$0x0]  }
0xa6: {  	s6 =	sand.u32 $0xFFFFFFFE, s1  }
0xa7: {  	p0 =	sne.s32 s1, s6  }
0xa8: {  	s6 =	sshll.u32 @p0 s6, $0xE  }
0xa9: {  	s6 =	sadd.s32 @p0 $0x11B8D, s6;
	s7 =	sshll.u32 @p0 s5, $0x11  }
0xaa: {  	s6 =	sor.u32 @p0 s7, s6  }
0xab: {  	[sflag:s6] =	ssyncadd.remote.s32 @p0 $0x1;
	_ =	sdelay $0x1  }
0xac: {  	s6 =	simm.s32 @p0 $0x1B8D  }
0xad: {  	_ =	swait.eq @p0 [sflag:s6], $0x1  }
0xae: {  	[sflag:s6] =	ssyncadd.s32 @p0 $0xFFFFFFFF  }
0xaf: {  	s7 =	sshll.u32 @!p0 s1, $0xE  }
0xb0: {  	s7 =	sor.u32 @!p0 $0x4000, s7;
	s6 =	simm.s32 @!p0 $0x1B8D  }
0xb1: {  	s5 =	sshll.u32 @!p0 s5, $0x11;
	s7 =	sadd.s32 @!p0 $0x11B8D, s7;
	_ =	swait.eq @!p0 [sflag:s6], $0x1  }
0xb2: {  	s5 =	sor.u32 @!p0 s5, s7;
	[sflag:s6] =	ssyncadd.s32 @!p0 $0xFFFFFFFF  }
0xb3: {  	s25 =	simm.s32 $0x1B8E;
	s24 =	sld [smem:$0x3FFE];
	[sflag:s5] =	ssyncadd.remote.s32 @!p0 $0x1  }
0xb4: {  	s26 =	simm.s32 $execute0_lowered;
	[smem:$0x3FD2] =	sst s25  }
0xb5: {  	s6 =	sshll.u32 s26, $0x1;
	_ =	strace $0x8000004C;
	[dreg:$0x1] =	wrdreg $0xFFFFFFFF  }
0xb6: {  	s28 =	simm.s32 $_size_execute0_lowered;
	s4 =	sadd.s32 s4, s6;
	[dreg:$0x0] =	wrdreg $0x0  }
0xb7: {  	s6 =	sshll.u32 s28, $0x1;
	[dreg:$0x2] =	wrdreg s4  }
0xb8: {  	[dreg:$0x3] =	wrdreg s6  }
0xb9: {  	[dreg:$0x4] =	wrdreg $0xC0  }
0xba: {  	_ =	task [dreg:s22], $0x5FFFF  }
0xbb: {  	[dreg:$0x1] =	wrdreg $0xFFFFFFFF  }
0xbc: {  	[dreg:$0x0] =	wrdreg $0x60  }
0xbd: {  	[dreg:$0x2] =	wrdreg s18  }
0xbe: {  	[dreg:$0x3] =	wrdreg s24  }
0xbf: {  	[dreg:$0x4] =	wrdreg $0xB  }
0xc0: {  	_ =	task.clear_ibuf [dreg:s22], $0x5FFFF;
	_ =	strace $0x9000004C  }
0xc1: {  	s29 =	simm.s32 $0xB;
	_ =	strace $0x8000004E  }
0xc2: {  	_ =	swait.ge [sflag:s29], $0x1  }
0xc3: {  	[sflag:s29] =	ssyncadd.s32 $0xFFFFFFFF  }
0xc4: {  	_ =	strace $0x9000004E  }
0xc5: {  	_ =	sfence  }
0xc6: {  	s30 =	sld [smem:$0x0];
	_ =	sdelay $0x2  }
0xc7: {  	s31 =	sshll.u32 s1, $0xD;
	s1 =	sshrl.u32 s1, $0x2  }
0xc8: {  	s4 =	sand.u32 $0x4000, s31;
	s1 =	sadd.s32 s1, s30  }
0xc9: {  	s0 =	sor.u32 s4, s0;
	s1 =	sshll.u32 s1, $0x11  }
0xca: {  	s0 =	sor.u32 s1, s0  }
0xcb: {  	s0 =	sadd.s32 $0x8F2B, s0  }
0xcc: {  	[sflag:s0] =	ssyncadd.remote.s32 $0x1  }
0xcd: {  	_ =	sfence.sel $0xFFFF  }
0xce: {  	[dreg:$0x0] =	wrdreg $0xFFFFFFFF;
	(pc) =	sbr.abs _section_cstart, $3  }
0xcf: {  	[dreg:$0x1] =	wrdreg $0xFFFFFFFF  }
0xd0: {  	_ =	task.clear_ibuf [dreg:s22], $0x2FFFF;
	_ =	strace $0x9FFFFFFF  }
0xd1: {  	(tm) =	ssettm $0x7FFFFFFF  }
tec
execute0_lowered:
.L_overlay_start_1:
0x0: {  	(tag) =	ssettag $0x1  }
0x1: {  	s1 =	srdreg.scid;
	s0 =	stileid.u32  }
0x2: {  	s30 =	sand.u32 $0x1, s1;
	s26 =	sshll.u32 s0, $0x1  }
0x3: {  	s7 =	sor.u32 s30, s26  }
0x4: {  	s9 =	rddreg [dreg:$0x1];
	s4 =	sshll.u32 s7, $0x8  }
0x5: {  	s2 =	rddreg [dreg:$0x0];
	s3 =	simm.s32 $0x0;
	s4 =	sadd.s32 s4, s9  }
0x6: {  	[smem:$0x7FF] =	sst s3;
	s4 =	sadd.s32 $0x6000, s4  }
0x7: {  	_ =	strace $0x8000004D;
	[dreg:$0x3] =	wrdreg s4  }
0x8: {  	s4 =	simm.s32 $0x5;
	s5 =	rddreg [dreg:$0x3]  }
0x9: {  	[tilespmem:s3], [sflag:$0x5] =	stream.linear.gather [hbm4b:s5+s3], $0x500, $0x38;
	[tilespmem:$0x8800] =	vst v63  }
0xa: {  	_ =	swait.ge [sflag:s4], $0x500  }
0xb: {  	[sflag:s4] =	ssyncset.done $0x0  }
0xc: {  	s6 =	simm.s32 $0x800;
	s5 =	simm.s32 $0x80;
	[sflag:s4] =	ssyncadd.s32 $0xFFFFFB00  }
0xd: {  	[tilespmem:s6], [sflag:$0x1] =	stream.indirect.gather [hbm4b:s2+s5], $0x80, s3, s5, $0xb8;
	[tilespmem:$0x8800] =	vst v63  }
0xe: {  	s8 =	simm.s32 $0x1;
	s10 =	smul.u32 $0x28000, s7;
	s7 =	simm.s32 $0x4800  }
0xf: {  	[tilespmem:s7], [sflag:$0x2] =	stream.indirect.gather [hbm4b:s2+s5], $0x80, s5, s5, $0xb8;
	[tilespmem:$0x8800] =	vst v63  }
0x10: {  	s10 =	sshrl.u32 s10, $0x3;
	_ =	swait.ge [sflag:s8], $0x4000  }
0x11: {  	s31 =	sadd.s32 s10, s9;
	[sflag:s8] =	ssyncset.done $0x0  }
0x12: {  	s10 =	simm.s32 $0x3;
	s9 =	sadd.s32 $0xAC000, s31;
	[sflag:s8] =	ssyncadd.s32 $0xFFFFC000  }
0x13: {  	[hbm4b:s9+s3] =	stream.linear.scatter [tilespmem:s6], [sflag:$0x3], $0x4000, $0x38;
	[tilespmem:$0x8800] =	vst v63  }
0x14: {  	_ =	swait.ge [sflag:s10], $0x4000  }
0x15: {  	[sflag:s10] =	ssyncset.done $0x0  }
0x16: {  	s11 =	simm.s32 $0x100;
	s12 =	simm.s32 $0x2;
	[sflag:s10] =	ssyncadd.s32 $0xFFFFC000  }
0x17: {  	[tilespmem:s6], [sflag:$0x1] =	stream.indirect.gather [hbm4b:s2+s5], $0x80, s11, s5, $0xb8;
	[tilespmem:$0x8800] =	vst v63  }
0x18: {  	_ =	swait.ge [sflag:s12], $0x4000  }
0x19: {  	[sflag:s12] =	ssyncset.done $0x0  }
0x1a: {  	s13 =	simm.s32 $0x4;
	s14 =	sadd.s32 $0xAC800, s31;
	[sflag:s12] =	ssyncadd.s32 $0xFFFFC000  }
0x1b: {  	[hbm4b:s14+s3] =	stream.linear.scatter [tilespmem:s7], [sflag:$0x4], $0x4000, $0x38;
	[tilespmem:$0x8800] =	vst v63  }
0x1c: {  	_ =	swait.ge [sflag:s13], $0x4000  }
0x1d: {  	[sflag:s13] =	ssyncset.done $0x0  }
0x1e: {  	s15 =	simm.s32 $0x180;
	[sflag:s13] =	ssyncadd.s32 $0xFFFFC000  }
0x1f: {  	[tilespmem:s7], [sflag:$0x2] =	stream.indirect.gather [hbm4b:s2+s5], $0x80, s15, s5, $0xb8;
	[tilespmem:$0x8800] =	vst v63  }
0x20: {  	_ =	swait.ge [sflag:s8], $0x4000  }
0x21: {  	[sflag:s8] =	ssyncset.done $0x0  }
0x22: {  	s16 =	sadd.s32 $0xAD000, s31;
	[sflag:s8] =	ssyncadd.s32 $0xFFFFC000  }
0x23: {  	[hbm4b:s16+s3] =	stream.linear.scatter [tilespmem:s6], [sflag:$0x3], $0x4000, $0x38;
	[tilespmem:$0x8800] =	vst v63  }
0x24: {  	_ =	swait.ge [sflag:s10], $0x4000  }
0x25: {  	[sflag:s10] =	ssyncset.done $0x0  }
0x26: {  	s17 =	simm.s32 $0x200;
	[sflag:s10] =	ssyncadd.s32 $0xFFFFC000  }
0x27: {  	[tilespmem:s6], [sflag:$0x1] =	stream.indirect.gather [hbm4b:s2+s5], $0x80, s17, s5, $0xb8;
	[tilespmem:$0x8800] =	vst v63  }
0x28: {  	_ =	swait.ge [sflag:s12], $0x4000  }
0x29: {  	[sflag:s12] =	ssyncset.done $0x0  }
0x2a: {  	s18 =	sadd.s32 $0xAD800, s31;
	[sflag:s12] =	ssyncadd.s32 $0xFFFFC000  }
0x2b: {  	[hbm4b:s18+s3] =	stream.linear.scatter [tilespmem:s7], [sflag:$0x4], $0x4000, $0x38;
	[tilespmem:$0x8800] =	vst v63  }
0x2c: {  	_ =	swait.ge [sflag:s13], $0x4000  }
0x2d: {  	[sflag:s13] =	ssyncset.done $0x0  }
0x2e: {  	s19 =	simm.s32 $0x280;
	[sflag:s13] =	ssyncadd.s32 $0xFFFFC000  }
0x2f: {  	[tilespmem:s7], [sflag:$0x2] =	stream.indirect.gather [hbm4b:s2+s5], $0x80, s19, s5, $0xb8;
	[tilespmem:$0x8800] =	vst v63  }
0x30: {  	_ =	swait.ge [sflag:s8], $0x4000  }
0x31: {  	[sflag:s8] =	ssyncset.done $0x0  }
0x32: {  	s20 =	sadd.s32 $0xAE000, s31;
	[sflag:s8] =	ssyncadd.s32 $0xFFFFC000  }
0x33: {  	[hbm4b:s20+s3] =	stream.linear.scatter [tilespmem:s6], [sflag:$0x3], $0x4000, $0x38;
	[tilespmem:$0x8800] =	vst v63  }
0x34: {  	_ =	swait.ge [sflag:s10], $0x4000  }
0x35: {  	[sflag:s10] =	ssyncset.done $0x0  }
0x36: {  	s21 =	simm.s32 $0x300;
	[sflag:s10] =	ssyncadd.s32 $0xFFFFC000  }
0x37: {  	[tilespmem:s6], [sflag:$0x1] =	stream.indirect.gather [hbm4b:s2+s5], $0x80, s21, s5, $0xb8;
	[tilespmem:$0x8800] =	vst v63  }
0x38: {  	_ =	swait.ge [sflag:s12], $0x4000  }
0x39: {  	[sflag:s12] =	ssyncset.done $0x0  }
0x3a: {  	s22 =	sadd.s32 $0xAE800, s31;
	[sflag:s12] =	ssyncadd.s32 $0xFFFFC000  }
0x3b: {  	[hbm4b:s22+s3] =	stream.linear.scatter [tilespmem:s7], [sflag:$0x4], $0x4000, $0x38;
	[tilespmem:$0x8800] =	vst v63  }
0x3c: {  	_ =	swait.ge [sflag:s13], $0x4000  }
0x3d: {  	[sflag:s13] =	ssyncset.done $0x0  }
0x3e: {  	s23 =	simm.s32 $0x380;
	[sflag:s13] =	ssyncadd.s32 $0xFFFFC000  }
0x3f: {  	[tilespmem:s7], [sflag:$0x2] =	stream.indirect.gather [hbm4b:s2+s5], $0x80, s23, s5, $0xb8;
	[tilespmem:$0x8800] =	vst v63  }
0x40: {  	_ =	swait.ge [sflag:s8], $0x4000  }
0x41: {  	[sflag:s8] =	ssyncset.done $0x0  }
0x42: {  	s24 =	sadd.s32 $0xAF000, s31;
	[sflag:s8] =	ssyncadd.s32 $0xFFFFC000  }
0x43: {  	[hbm4b:s24+s3] =	stream.linear.scatter [tilespmem:s6], [sflag:$0x3], $0x4000, $0x38;
	[tilespmem:$0x8800] =	vst v63  }
0x44: {  	_ =	swait.ge [sflag:s10], $0x4000  }
0x45: {  	[sflag:s10] =	ssyncset.done $0x0  }
0x46: {  	s25 =	simm.s32 $0x400;
	[sflag:s10] =	ssyncadd.s32 $0xFFFFC000  }
0x47: {  	[tilespmem:s6], [sflag:$0x1] =	stream.indirect.gather [hbm4b:s2+s5], $0x80, s25, s5, $0xb8;
	[tilespmem:$0x8800] =	vst v63  }
0x48: {  	_ =	swait.ge [sflag:s12], $0x4000  }
0x49: {  	[sflag:s12] =	ssyncset.done $0x0  }
0x4a: {  	s26 =	sadd.s32 $0xAF800, s31;
	[sflag:s12] =	ssyncadd.s32 $0xFFFFC000  }
0x4b: {  	[hbm4b:s26+s3] =	stream.linear.scatter [tilespmem:s7], [sflag:$0x4], $0x4000, $0x38;
	[tilespmem:$0x8800] =	vst v63  }
0x4c: {  	_ =	swait.ge [sflag:s13], $0x4000  }
0x4d: {  	[sflag:s13] =	ssyncset.done $0x0  }
0x4e: {  	s28 =	simm.s32 $0x480;
	[sflag:s13] =	ssyncadd.s32 $0xFFFFC000  }
0x4f: {  	[tilespmem:s7], [sflag:$0x2] =	stream.indirect.gather [hbm4b:s2+s5], $0x80, s28, s5, $0xb8;
	[tilespmem:$0x8800] =	vst v63  }
0x50: {  	_ =	swait.ge [sflag:s8], $0x4000  }
0x51: {  	s1 =	ssub.s32 $0x2, s30;
	s29 =	sadd.s32 $0xB0000, s31;
	[sflag:s8] =	ssyncset.done $0x0  }
0x52: {  	s30 =	sadd.s32 $0xB0800, s31;
	s31 =	sshrl.u32 s1, $0x1;
	[sflag:s8] =	ssyncadd.s32 $0xFFFFC000  }
0x53: {  	[hbm4b:s29+s3] =	stream.linear.scatter [tilespmem:s6], [sflag:$0x3], $0x4000, $0x38;
	[tilespmem:$0x8800] =	vst v63  }
0x54: {  	s1 =	ssub.s32 s1, s31;
	_ =	swait.ge [sflag:s12], $0x4000  }
0x55: {  	s1 =	smax.u32 s1, $0x1;
	[sflag:s12] =	ssyncset.done $0x0  }
0x56: {  	p0 =	sne.s32 s1, $0x1;
	[sflag:s12] =	ssyncadd.s32 $0xFFFFC000  }
0x57: {  	[hbm4b:s30+s3] =	stream.linear.scatter [tilespmem:s7], [sflag:$0x4], $0x4000, $0x38;
	[tilespmem:$0x8800] =	vst v63  }
.Ltmp0:
0x58: {  	_ =	swait.ge [sflag:s10], $0x4000;
	(pc) =	sbr.rel @!p0 .LBB2_2-.Ltmp0, $4  }
0x59: {  	[sflag:s10] =	ssyncset.done $0x0  }
0x5a: {  	[sflag:s10] =	ssyncadd.s32 $0xFFFFC000  }
0x5b: {  	_ =	swait.ge [sflag:s13], $0x4000  }
0x5c: {  	s31 =	sadd.s32 $0xFFFFFFFF, s1;
	[sflag:s13] =	ssyncset.done $0x0  }
.LBB2_1:
0x5d: {  	s1 =	rddreg [dreg:$0x3];
	[sflag:s13] =	ssyncadd.s32 $0xFFFFC000  }
0x5e: {  	[tilespmem:s3], [sflag:$0x5] =	stream.linear.gather [hbm4b:s1+s3], $0x500, $0x38;
	[tilespmem:$0x8800] =	vst v63  }
0x5f: {  	_ =	swait.ge [sflag:s4], $0x500  }
0x60: {  	[sflag:s4] =	ssyncset.done $0x0  }
0x61: {  	[sflag:s4] =	ssyncadd.s32 $0xFFFFFB00  }
0x62: {  	[tilespmem:s6], [sflag:$0x1] =	stream.indirect.gather [hbm4b:s2+s5], $0x80, s3, s5, $0xb8;
	[tilespmem:$0x8800] =	vst v63  }
0x63: {  	_ = 	snop  }
0x64: {  	[tilespmem:s7], [sflag:$0x2] =	stream.indirect.gather [hbm4b:s2+s5], $0x80, s5, s5, $0xb8;
	[tilespmem:$0x8800] =	vst v63  }
0x65: {  	_ =	swait.ge [sflag:s8], $0x4000  }
0x66: {  	[sflag:s8] =	ssyncset.done $0x0  }
0x67: {  	[sflag:s8] =	ssyncadd.s32 $0xFFFFC000  }
0x68: {  	[hbm4b:s9+s3] =	stream.linear.scatter [tilespmem:s6], [sflag:$0x3], $0x4000, $0x38;
	[tilespmem:$0x8800] =	vst v63  }
0x69: {  	_ =	swait.ge [sflag:s10], $0x4000  }
0x6a: {  	[sflag:s10] =	ssyncset.done $0x0  }
0x6b: {  	[sflag:s10] =	ssyncadd.s32 $0xFFFFC000  }
0x6c: {  	[tilespmem:s6], [sflag:$0x1] =	stream.indirect.gather [hbm4b:s2+s5], $0x80, s11, s5, $0xb8;
	[tilespmem:$0x8800] =	vst v63  }
0x6d: {  	_ =	swait.ge [sflag:s12], $0x4000  }
0x6e: {  	[sflag:s12] =	ssyncset.done $0x0  }
0x6f: {  	[sflag:s12] =	ssyncadd.s32 $0xFFFFC000  }
0x70: {  	[hbm4b:s14+s3] =	stream.linear.scatter [tilespmem:s7], [sflag:$0x4], $0x4000, $0x38;
	[tilespmem:$0x8800] =	vst v63  }
0x71: {  	_ =	swait.ge [sflag:s13], $0x4000  }
0x72: {  	[sflag:s13] =	ssyncset.done $0x0  }
0x73: {  	[sflag:s13] =	ssyncadd.s32 $0xFFFFC000  }
0x74: {  	[tilespmem:s7], [sflag:$0x2] =	stream.indirect.gather [hbm4b:s2+s5], $0x80, s15, s5, $0xb8;
	[tilespmem:$0x8800] =	vst v63  }
0x75: {  	_ =	swait.ge [sflag:s8], $0x4000  }
0x76: {  	[sflag:s8] =	ssyncset.done $0x0  }
0x77: {  	[sflag:s8] =	ssyncadd.s32 $0xFFFFC000  }
0x78: {  	[hbm4b:s16+s3] =	stream.linear.scatter [tilespmem:s6], [sflag:$0x3], $0x4000, $0x38;
	[tilespmem:$0x8800] =	vst v63  }
0x79: {  	_ =	swait.ge [sflag:s10], $0x4000  }
0x7a: {  	[sflag:s10] =	ssyncset.done $0x0  }
0x7b: {  	[sflag:s10] =	ssyncadd.s32 $0xFFFFC000  }
0x7c: {  	[tilespmem:s6], [sflag:$0x1] =	stream.indirect.gather [hbm4b:s2+s5], $0x80, s17, s5, $0xb8;
	[tilespmem:$0x8800] =	vst v63  }
0x7d: {  	_ =	swait.ge [sflag:s12], $0x4000  }
0x7e: {  	[sflag:s12] =	ssyncset.done $0x0  }
0x7f: {  	[sflag:s12] =	ssyncadd.s32 $0xFFFFC000  }
0x80: {  	[hbm4b:s18+s3] =	stream.linear.scatter [tilespmem:s7], [sflag:$0x4], $0x4000, $0x38;
	[tilespmem:$0x8800] =	vst v63  }
0x81: {  	_ =	swait.ge [sflag:s13], $0x4000  }
0x82: {  	[sflag:s13] =	ssyncset.done $0x0  }
0x83: {  	[sflag:s13] =	ssyncadd.s32 $0xFFFFC000  }
0x84: {  	[tilespmem:s7], [sflag:$0x2] =	stream.indirect.gather [hbm4b:s2+s5], $0x80, s19, s5, $0xb8;
	[tilespmem:$0x8800] =	vst v63  }
0x85: {  	_ =	swait.ge [sflag:s8], $0x4000  }
0x86: {  	[sflag:s8] =	ssyncset.done $0x0  }
0x87: {  	[sflag:s8] =	ssyncadd.s32 $0xFFFFC000  }
0x88: {  	[hbm4b:s20+s3] =	stream.linear.scatter [tilespmem:s6], [sflag:$0x3], $0x4000, $0x38;
	[tilespmem:$0x8800] =	vst v63  }
0x89: {  	_ =	swait.ge [sflag:s10], $0x4000  }
0x8a: {  	[sflag:s10] =	ssyncset.done $0x0  }
0x8b: {  	[sflag:s10] =	ssyncadd.s32 $0xFFFFC000  }
0x8c: {  	[tilespmem:s6], [sflag:$0x1] =	stream.indirect.gather [hbm4b:s2+s5], $0x80, s21, s5, $0xb8;
	[tilespmem:$0x8800] =	vst v63  }
0x8d: {  	_ =	swait.ge [sflag:s12], $0x4000  }
0x8e: {  	[sflag:s12] =	ssyncset.done $0x0  }
0x8f: {  	[sflag:s12] =	ssyncadd.s32 $0xFFFFC000  }
0x90: {  	[hbm4b:s22+s3] =	stream.linear.scatter [tilespmem:s7], [sflag:$0x4], $0x4000, $0x38;
	[tilespmem:$0x8800] =	vst v63  }
0x91: {  	_ =	swait.ge [sflag:s13], $0x4000  }
0x92: {  	[sflag:s13] =	ssyncset.done $0x0  }
0x93: {  	[sflag:s13] =	ssyncadd.s32 $0xFFFFC000  }
0x94: {  	[tilespmem:s7], [sflag:$0x2] =	stream.indirect.gather [hbm4b:s2+s5], $0x80, s23, s5, $0xb8;
	[tilespmem:$0x8800] =	vst v63  }
0x95: {  	_ =	swait.ge [sflag:s8], $0x4000  }
0x96: {  	[sflag:s8] =	ssyncset.done $0x0  }
0x97: {  	[sflag:s8] =	ssyncadd.s32 $0xFFFFC000  }
0x98: {  	[hbm4b:s24+s3] =	stream.linear.scatter [tilespmem:s6], [sflag:$0x3], $0x4000, $0x38;
	[tilespmem:$0x8800] =	vst v63  }
0x99: {  	_ =	swait.ge [sflag:s10], $0x4000  }
0x9a: {  	[sflag:s10] =	ssyncset.done $0x0  }
0x9b: {  	[sflag:s10] =	ssyncadd.s32 $0xFFFFC000  }
0x9c: {  	[tilespmem:s6], [sflag:$0x1] =	stream.indirect.gather [hbm4b:s2+s5], $0x80, s25, s5, $0xb8;
	[tilespmem:$0x8800] =	vst v63  }
0x9d: {  	_ =	swait.ge [sflag:s12], $0x4000  }
0x9e: {  	[sflag:s12] =	ssyncset.done $0x0  }
0x9f: {  	[sflag:s12] =	ssyncadd.s32 $0xFFFFC000  }
0xa0: {  	[hbm4b:s26+s3] =	stream.linear.scatter [tilespmem:s7], [sflag:$0x4], $0x4000, $0x38;
	[tilespmem:$0x8800] =	vst v63  }
0xa1: {  	_ =	swait.ge [sflag:s13], $0x4000  }
0xa2: {  	[sflag:s13] =	ssyncset.done $0x0  }
0xa3: {  	[sflag:s13] =	ssyncadd.s32 $0xFFFFC000  }
0xa4: {  	[tilespmem:s7], [sflag:$0x2] =	stream.indirect.gather [hbm4b:s2+s5], $0x80, s28, s5, $0xb8;
	[tilespmem:$0x8800] =	vst v63  }
0xa5: {  	_ =	swait.ge [sflag:s8], $0x4000  }
0xa6: {  	[sflag:s8] =	ssyncset.done $0x0  }
0xa7: {  	[sflag:s8] =	ssyncadd.s32 $0xFFFFC000  }
0xa8: {  	[hbm4b:s29+s3] =	stream.linear.scatter [tilespmem:s6], [sflag:$0x3], $0x4000, $0x38;
	[tilespmem:$0x8800] =	vst v63  }
0xa9: {  	_ =	swait.ge [sflag:s12], $0x4000  }
0xaa: {  	[sflag:s12] =	ssyncset.done $0x0  }
0xab: {  	p0 =	sne.s32 s31, $0x1;
	[sflag:s12] =	ssyncadd.s32 $0xFFFFC000  }
0xac: {  	[hbm4b:s30+s3] =	stream.linear.scatter [tilespmem:s7], [sflag:$0x4], $0x4000, $0x38;
	[tilespmem:$0x8800] =	vst v63  }
.Ltmp1:
0xad: {  	_ =	swait.ge [sflag:s10], $0x4000;
	(pc) =	sbr.rel @p0 .LBB2_1-.Ltmp1, $4  }
0xae: {  	[sflag:s10] =	ssyncset.done $0x0  }
0xaf: {  	[sflag:s10] =	ssyncadd.s32 $0xFFFFC000  }
0xb0: {  	_ =	swait.ge [sflag:s13], $0x4000  }
0xb1: {  	s31 =	sadd.s32 $0xFFFFFFFF, s31;
	[sflag:s13] =	ssyncset.done $0x0  }
.LBB2_2:
0xb2: {  	[sflag:s13] =	ssyncadd.s32 $0xFFFFC000  }
0xb3: {  	_ =	sfence.sel $0x180000  }
0xb4: {  	[bflag:$0x0] =	sbarrier.arrive $0xFFFF  }
0xb5: {  	_ =	strace $0x9000004D  }
0xb6: {  	[bflag:$0x2] =	sbarrier.arrive $0xFFFF  }
0xb7: {  	p0 =	sne.s32 s0, $0x0;
	s0 =	rddreg [dreg:$0x2]  }
0xb8: {  	s0 =	sadd.s32 @!p0 $0x100000, s0  }
0xb9: {  	[sflag:s0] =	ssyncadd.tile.s32 @!p0 $0x1;
	_ =	shalt  }
.Lfunc_end2:
_tile_overlayer_lowered:
.L_overlay_start_2:
0xba: {  	(tag) =	ssettag $0x2  }
0xbb: {  	s0 =	rddreg [dreg:$0x0];
	s2 =	stileid.u32  }
0xbc: {  	s1 =	rddreg [dreg:$0x1];
	p0 =	sne.s32 s2, $0x0  }
0xbd: {  	s3 =	rddreg [dreg:$0x2];
	[bflag:$0x3] =	sbarrier.arrive $0xFFFF;
	s2 =	simm.s32 @!p0 $0x1C05  }
0xbe: {  	[timem:s3], [sflag:s2] =	dma.local @!p0 [hbm:s0], s1  }
0xbf: {  	s0 =	simm.s32 @!p0 $0x5  }
0xc0: {  	_ =	swait.ge @!p0 [sflag:s0], s1  }
0xc1: {  	s1 =	ssub.s32 @!p0 $0x0, s1;
	[sflag:s0] =	ssyncset.done @!p0 $0x0  }
0xc2: {  	[sflag:s0] =	ssyncadd.s32 @!p0 s1  }
0xc3: {  	[bflag:$0x3] =	sbarrier.arrive $0xFFFF  }
0xc4: {  	_ =	shalt  }

// kernel: kernel.22.cloned.1.call-start
scs
__scs_entry_jumppad:
0x0: {  	(pc) =	sbr.rel $0x88, $3  }
0x1: {  	(tag) =	ssettag $0x0;
	lr =	simm.s32 $0x1  }
0x2: {  	[smem:$0x3F9F] =	sst lr;
	_ =	strace $0xD0000000  }
0x3: {  	_ = 	snop  }
0x4: {  	_ = 	snop  }
0x5: {  	_ = 	snop  }
0x6: {  	_ = 	snop  }
0x7: {  	_ = 	snop  }
__scs_overlays_trampoline_lowered:
0x8: {  	[smem:$0x3FAE] =	sst s0  }
0x9: {  	[smem:$0x3FAF] =	sst s1  }
0xa: {  	[smem:$0x3FB0] =	sst s2  }
0xb: {  	[smem:$0x3FB1] =	sst s3  }
0xc: {  	[smem:$0x3FB2] =	sst s4  }
0xd: {  	[smem:$0x3FB3] =	sst s5  }
0xe: {  	[smem:$0x3FB4] =	sst s6  }
0xf: {  	[smem:$0x3FB5] =	sst s7  }
0x10: {  	[smem:$0x3FB6] =	sst s8  }
0x11: {  	[smem:$0x3FB7] =	sst s9;
	s0 =	simm.s32 @!p0 $0x0  }
0x12: {  	s1 =	sld [smem:$0x3F9D];
	s0 =	simm.s32 @p0 $0x1  }
0x13: {  	[smem:$0x3FB8] =	sst s0;
	s0 =	simm.s32 @!p1 $0x0  }
0x14: {  	s2 =	sld [smem:$0x3F9C];
	s0 =	simm.s32 @p1 $0x1  }
0x15: {  	[smem:$0x3FB9] =	sst s0;
	s0 =	simm.s32 @!p2 $0x0  }
0x16: {  	s3 =	sld [smem:$0x3FDB];
	s0 =	simm.s32 @p2 $0x1  }
0x17: {  	s4 =	simm.s32 $0x1BF5;
	[smem:$0x3FBB] =	sst s0  }
0x18: {  	s0 =	sld [smem:$0x3F9E];
	_ =	swait.ge [sflag:s4], $0x0  }
0x19: {  	s7 =	sld [smem:$0x3F9F]  }
0x1a: {  	s8 =	sadd.s32 $0xFFFFE003, lr  }
0x1b: {  	s9 =	sadd.s32 $0xFFFFFEF7, lr;
	s5 =	simm.s32 $0xFFFFFFFF;
	p2 =	slt.u32 s8, $0xFFFFF086  }
0x1c: {  	p1 =	slt.u32 s9, $0xF7A;
	s5 =	simm.s32 @!p2 $0x0  }
0x1d: {  	s5 =	simm.s32 @p1 $0x1;
	p0 =	seq.s32 s7, s2  }
0x1e: {  	s7 =	smul.u32 @!p0 $0xF7A, s2;
	p2 =	seq.s32 @!p0 s5, $0x0  }
0x1f: {  	s9 =	smul.u32 $0xF7A, s1;
	s8 =	simm.s32 @!p0 $0x1BF5;
	p2 =	por !p2, p0  }
0x20: {  	[sflag:s8] =	ssyncset.s32 @!p0 $0xFFFFF086;
	s6 =	sadd.s32 @!p0 s3, s7;
	s7 =	simm.s32 @!p0 $0x108  }
0x21: {  	s3 =	sadd.s32 s3, s9;
	s6 =	sadd.s32 @!p0 $0x88, s6;
	s7 =	simm.s32 @p2 $0x1082  }
0x22: {  	[simem:s7], [sflag:s8] =	dma.local @!p0 [hbm:s6], $0xF7A  }
0x23: {  	s9 =	sor.u32 $0xD0000000, s2;
	s6 =	simm.s32 $0x108;
	_ =	swait.ge @!p0 [sflag:s8], $0x0  }
0x24: {  	s3 =	sadd.s32 $0x88, s3;
	s6 =	simm.s32 @!p1 $0x1082;
	[sflag:s4] =	ssyncset.s32 $0xFFFFF086  }
0x25: {  	[simem:s6], [sflag:s4] =	dma.local [hbm:s3], $0xF7A  }
0x26: {  	[smem:$0x3F9F] =	sst s1;
	(tag) =	ssettag s2;
	_ =	strace s9  }
0x27: {  	s1 =	sld [smem:$0x3FAF]  }
0x28: {  	s2 =	sld [smem:$0x3FB0]  }
0x29: {  	s4 =	sld [smem:$0x3FB2]  }
0x2a: {  	p0 =	seq.s32 s5, $0x0;
	s5 =	sld [smem:$0x3FB3]  }
0x2b: {  	s6 =	sld [smem:$0x3FB4]  }
0x2c: {  	s7 =	sld [smem:$0x3FB5]  }
0x2d: {  	s3 =	simm.s32 $0x108;
	s8 =	sld [smem:$0x3FB6]  }
0x2e: {  	s3 =	simm.s32 @!p0 $0x1082;
	s9 =	sld [smem:$0x3FB7]  }
0x2f: {  	lr =	sadd.s32 s0, s3;
	s0 =	sld [smem:$0x3FAE]  }
0x30: {  	s3 =	sld [smem:$0x3FB1]  }
0x31: {  	[smem:$0x3FBA] =	sst s10  }
0x32: {  	s10 =	sld [smem:$0x3FB8];
	_ =	sdelay $0x3  }
0x33: {  	p0 =	seq.s32 s10, $0x1;
	s10 =	sld [smem:$0x3FBA];
	_ =	sdelay $0x3  }
0x34: {  	[smem:$0x3FBA] =	sst s10  }
0x35: {  	s10 =	sld [smem:$0x3FB9];
	_ =	sdelay $0x3  }
0x36: {  	p1 =	seq.s32 s10, $0x1;
	s10 =	sld [smem:$0x3FBA];
	_ =	sdelay $0x3  }
0x37: {  	[smem:$0x3FBA] =	sst s10  }
0x38: {  	s10 =	sld [smem:$0x3FBB]  }
0x39: {  	_ = 	snop;
	(pc) =	sbr.ind lr, $3  }
0x3a: {  	_ = 	snop  }
0x3b: {  	_ = 	snop  }
0x3c: {  	p2 =	seq.s32 s10, $0x1;
	s10 =	sld [smem:$0x3FBA]  }
0x3d: {  	_ =	shalt  }
0x3e: {  	_ =	shalt  }
0x3f: {  	_ =	shalt  }
0x40: {  	_ =	shalt  }
0x41: {  	_ =	shalt  }
0x42: {  	_ =	shalt  }
0x43: {  	_ =	shalt  }
0x44: {  	_ =	shalt  }
0x45: {  	_ =	shalt  }
0x46: {  	_ =	shalt  }
0x47: {  	_ =	shalt  }
0x48: {  	_ =	shalt  }
0x49: {  	_ =	shalt  }
0x4a: {  	_ =	shalt  }
0x4b: {  	_ =	shalt  }
0x4c: {  	_ =	shalt  }
0x4d: {  	_ =	shalt  }
0x4e: {  	_ =	shalt  }
0x4f: {  	_ =	shalt  }
0x50: {  	_ =	shalt  }
0x51: {  	_ =	shalt  }
0x52: {  	_ =	shalt  }
0x53: {  	_ =	shalt  }
0x54: {  	_ =	shalt  }
0x55: {  	_ =	shalt  }
0x56: {  	_ =	shalt  }
0x57: {  	_ =	shalt  }
0x58: {  	_ =	shalt  }
0x59: {  	_ =	shalt  }
0x5a: {  	_ =	shalt  }
0x5b: {  	_ =	shalt  }
0x5c: {  	_ =	shalt  }
0x5d: {  	_ =	shalt  }
0x5e: {  	_ =	shalt  }
0x5f: {  	_ =	shalt  }
0x60: {  	_ =	shalt  }
0x61: {  	_ =	shalt  }
0x62: {  	_ =	shalt  }
0x63: {  	_ =	shalt  }
0x64: {  	_ =	shalt  }
0x65: {  	_ =	shalt  }
0x66: {  	_ =	shalt  }
0x67: {  	_ =	shalt  }
0x68: {  	_ =	shalt  }
0x69: {  	_ =	shalt  }
0x6a: {  	_ =	shalt  }
0x6b: {  	_ =	shalt  }
0x6c: {  	_ =	shalt  }
0x6d: {  	_ =	shalt  }
0x6e: {  	_ =	shalt  }
0x6f: {  	_ =	shalt  }
0x70: {  	_ =	shalt  }
0x71: {  	_ =	shalt  }
0x72: {  	_ =	shalt  }
0x73: {  	_ =	shalt  }
0x74: {  	_ =	shalt  }
0x75: {  	_ =	shalt  }
0x76: {  	_ =	shalt  }
0x77: {  	_ =	shalt  }
0x78: {  	_ =	shalt  }
0x79: {  	_ =	shalt  }
0x7a: {  	_ =	shalt  }
0x7b: {  	_ =	shalt  }
0x7c: {  	_ =	shalt  }
0x7d: {  	_ =	shalt  }
0x7e: {  	_ =	shalt  }
0x7f: {  	_ =	shalt  }
0x80: {  	_ =	shalt  }
0x81: {  	_ =	shalt  }
0x82: {  	_ =	shalt  }
0x83: {  	_ =	shalt  }
0x84: {  	_ =	shalt  }
0x85: {  	_ =	shalt  }
0x86: {  	_ =	shalt  }
0x87: {  	_ =	shalt  }
.Lfunc_end0:
.L_simem_size_0:
called_computation.3_lowered:
.L_overlay_start_0:
0x88: {  	s2 =	sld [smem:$0x3FD9]  }
0x89: {  	s3 =	sld [smem:$0x3FFE];
	_ =	sdelay $0x1  }
0x8a: {  	s1 =	srdreg.scid  }
0x8b: {  	s0 =	sand.u32 $0x1, s1  }
0x8c: {  	s17 =	sshll.u32 s0, $0xA;
	s2 =	sadd.s32 s3, s2  }
0x8d: {  	s2 =	sadd.s32 s2, s17  }
0x8e: {  	[smem:$0x3FC6] =	sst s2  }
0x8f: {  	_ = 	snop  }
0x90: {  	s18 =	sld [smem:$0x3FC8];
	(tm) =	ssettm $0x1  }
0x91: {  	s19 =	sld [smem:$0x3FFB];
	_ =	sdelay $0x3  }
0x92: {  	_ =	strace s19  }
0x93: {  	s2 =	sld [smem:$0x3FFC];
	_ =	sdelay $0x3  }
0x94: {  	_ =	strace s2  }
0x95: {  	s2 =	sld [smem:$0x3FFD];
	_ =	sdelay $0x3  }
0x96: {  	_ =	strace s2  }
0x97: {  	_ =	strace $0x8FFFFFFF  }
0x98: {  	s20 =	sld [smem:$0x3FDB];
	_ =	sdelay $0x1  }
0x99: {  	s4 =	simm.s32 $_scs_section_size  }
0x9a: {  	s5 =	simm.s32 $_size__tile_overlayer_lowered;
	s6 =	simm.s32 $_tile_overlayer_lowered  }
0x9b: {  	s7 =	simm.s32 $0x1BFF;
	s21 =	sshll.u32 s6, $0x1;
	s4 =	sadd.s32 s4, s20  }
0x9c: {  	s22 =	simm.s32 $0x0;
	s5 =	sshll.u32 s5, $0x1;
	s6 =	sadd.s32 s21, s4  }
0x9d: {  	[timem:s22], [sflag:s7] =	dma.local [hbm:s6], s5  }
0x9e: {  	_ =	swait.ge [sflag:s7], s5  }
0x9f: {  	s5 =	ssub.s32 $0x0, s5;
	[sflag:s7] =	ssyncset.done $0x0  }
0xa0: {  	[sflag:s7] =	ssyncadd.s32 s5;
	_ =	sdelay $0x1  }
0xa1: {  	s23 =	simm.s32 $0x1B8B  }
0xa2: {  	_ =	swait.ge [sflag:s23], $0x1  }
0xa3: {  	[sflag:s23] =	ssyncset.done $0x0  }
0xa4: {  	[sflag:s23] =	ssyncadd.s32 $0xFFFFFFFF  }
0xa5: {  	s5 =	sld [smem:$0x0]  }
0xa6: {  	s6 =	sand.u32 $0xFFFFFFFE, s1  }
0xa7: {  	p0 =	sne.s32 s1, s6  }
0xa8: {  	s6 =	sshll.u32 @p0 s6, $0xE  }
0xa9: {  	s6 =	sadd.s32 @p0 $0x11B8D, s6;
	s7 =	sshll.u32 @p0 s5, $0x11  }
0xaa: {  	s6 =	sor.u32 @p0 s7, s6  }
0xab: {  	[sflag:s6] =	ssyncadd.remote.s32 @p0 $0x1;
	_ =	sdelay $0x1  }
0xac: {  	s6 =	simm.s32 @p0 $0x1B8D  }
0xad: {  	_ =	swait.eq @p0 [sflag:s6], $0x1  }
0xae: {  	[sflag:s6] =	ssyncadd.s32 @p0 $0xFFFFFFFF  }
0xaf: {  	s7 =	sshll.u32 @!p0 s1, $0xE  }
0xb0: {  	s7 =	sor.u32 @!p0 $0x4000, s7;
	s6 =	simm.s32 @!p0 $0x1B8D  }
0xb1: {  	s5 =	sshll.u32 @!p0 s5, $0x11;
	s7 =	sadd.s32 @!p0 $0x11B8D, s7;
	_ =	swait.eq @!p0 [sflag:s6], $0x1  }
0xb2: {  	s5 =	sor.u32 @!p0 s5, s7;
	[sflag:s6] =	ssyncadd.s32 @!p0 $0xFFFFFFFF  }
0xb3: {  	s25 =	simm.s32 $0x1B8E;
	s24 =	sld [smem:$0x3FFE];
	[sflag:s5] =	ssyncadd.remote.s32 @!p0 $0x1  }
0xb4: {  	s26 =	simm.s32 $execute0_lowered;
	[smem:$0x3FD2] =	sst s25  }
0xb5: {  	s6 =	sshll.u32 s26, $0x1;
	_ =	strace $0x8000004F;
	[dreg:$0x1] =	wrdreg $0xFFFFFFFF  }
0xb6: {  	s28 =	simm.s32 $_size_execute0_lowered;
	s4 =	sadd.s32 s4, s6;
	[dreg:$0x0] =	wrdreg $0x0  }
0xb7: {  	s6 =	sshll.u32 s28, $0x1;
	[dreg:$0x2] =	wrdreg s4  }
0xb8: {  	[dreg:$0x3] =	wrdreg s6  }
0xb9: {  	[dreg:$0x4] =	wrdreg $0xC0  }
0xba: {  	_ =	task [dreg:s22], $0x5FFFF  }
0xbb: {  	[dreg:$0x1] =	wrdreg $0xFFFFFFFF  }
0xbc: {  	[dreg:$0x0] =	wrdreg $0x60  }
0xbd: {  	[dreg:$0x2] =	wrdreg s18  }
0xbe: {  	[dreg:$0x3] =	wrdreg s24  }
0xbf: {  	[dreg:$0x4] =	wrdreg $0xC  }
0xc0: {  	_ =	task.clear_ibuf [dreg:s22], $0x5FFFF;
	_ =	strace $0x9000004F  }
0xc1: {  	s29 =	simm.s32 $0xC;
	_ =	strace $0x80000051  }
0xc2: {  	_ =	swait.ge [sflag:s29], $0x1  }
0xc3: {  	[sflag:s29] =	ssyncadd.s32 $0xFFFFFFFF  }
0xc4: {  	_ =	strace $0x90000051  }
0xc5: {  	_ =	sfence  }
0xc6: {  	s30 =	sld [smem:$0x0];
	_ =	sdelay $0x2  }
0xc7: {  	s31 =	sshll.u32 s1, $0xD;
	s1 =	sshrl.u32 s1, $0x2  }
0xc8: {  	s4 =	sand.u32 $0x4000, s31;
	s1 =	sadd.s32 s1, s30  }
0xc9: {  	s0 =	sor.u32 s4, s0;
	s1 =	sshll.u32 s1, $0x11  }
0xca: {  	s0 =	sor.u32 s1, s0  }
0xcb: {  	s0 =	sadd.s32 $0x8F2B, s0  }
0xcc: {  	[sflag:s0] =	ssyncadd.remote.s32 $0x1  }
0xcd: {  	_ =	sfence.sel $0xFFFF  }
0xce: {  	[dreg:$0x0] =	wrdreg $0xFFFFFFFF;
	(pc) =	sbr.abs _section_cstart, $3  }
0xcf: {  	[dreg:$0x1] =	wrdreg $0xFFFFFFFF  }
0xd0: {  	_ =	task.clear_ibuf [dreg:s22], $0x2FFFF;
	_ =	strace $0x9FFFFFFF  }
0xd1: {  	(tm) =	ssettm $0x7FFFFFFF  }
tec
execute0_lowered:
.L_overlay_start_1:
0x0: {  	(tag) =	ssettag $0x1  }
0x1: {  	s1 =	srdreg.scid;
	s0 =	stileid.u32  }
0x2: {  	s30 =	sand.u32 $0x1, s1;
	s26 =	sshll.u32 s0, $0x1  }
0x3: {  	s7 =	sor.u32 s30, s26  }
0x4: {  	s9 =	rddreg [dreg:$0x1];
	s4 =	sshll.u32 s7, $0x8  }
0x5: {  	s2 =	rddreg [dreg:$0x0];
	s3 =	simm.s32 $0x0;
	s4 =	sadd.s32 s4, s9  }
0x6: {  	[smem:$0x7FF] =	sst s3;
	s4 =	sadd.s32 $0x8000, s4  }
0x7: {  	_ =	strace $0x80000050;
	[dreg:$0x3] =	wrdreg s4  }
0x8: {  	s4 =	simm.s32 $0x5;
	s5 =	rddreg [dreg:$0x3]  }
0x9: {  	[tilespmem:s3], [sflag:$0x5] =	stream.linear.gather [hbm4b:s5+s3], $0x500, $0x38;
	[tilespmem:$0x8800] =	vst v63  }
0xa: {  	_ =	swait.ge [sflag:s4], $0x500  }
0xb: {  	[sflag:s4] =	ssyncset.done $0x0  }
0xc: {  	s6 =	simm.s32 $0x800;
	s5 =	simm.s32 $0x80;
	[sflag:s4] =	ssyncadd.s32 $0xFFFFFB00  }
0xd: {  	[tilespmem:s6], [sflag:$0x1] =	stream.indirect.gather [hbm4b:s2+s5], $0x80, s3, s5, $0xb8;
	[tilespmem:$0x8800] =	vst v63  }
0xe: {  	s8 =	simm.s32 $0x1;
	s10 =	smul.u32 $0x28000, s7;
	s7 =	simm.s32 $0x4800  }
0xf: {  	[tilespmem:s7], [sflag:$0x2] =	stream.indirect.gather [hbm4b:s2+s5], $0x80, s5, s5, $0xb8;
	[tilespmem:$0x8800] =	vst v63  }
0x10: {  	s10 =	sshrl.u32 s10, $0x3;
	_ =	swait.ge [sflag:s8], $0x4000  }
0x11: {  	s31 =	sadd.s32 s10, s9;
	[sflag:s8] =	ssyncset.done $0x0  }
0x12: {  	s10 =	simm.s32 $0x3;
	s9 =	sadd.s32 $0x14C000, s31;
	[sflag:s8] =	ssyncadd.s32 $0xFFFFC000  }
0x13: {  	[hbm4b:s9+s3] =	stream.linear.scatter [tilespmem:s6], [sflag:$0x3], $0x4000, $0x38;
	[tilespmem:$0x8800] =	vst v63  }
0x14: {  	_ =	swait.ge [sflag:s10], $0x4000  }
0x15: {  	[sflag:s10] =	ssyncset.done $0x0  }
0x16: {  	s11 =	simm.s32 $0x100;
	s12 =	simm.s32 $0x2;
	[sflag:s10] =	ssyncadd.s32 $0xFFFFC000  }
0x17: {  	[tilespmem:s6], [sflag:$0x1] =	stream.indirect.gather [hbm4b:s2+s5], $0x80, s11, s5, $0xb8;
	[tilespmem:$0x8800] =	vst v63  }
0x18: {  	_ =	swait.ge [sflag:s12], $0x4000  }
0x19: {  	[sflag:s12] =	ssyncset.done $0x0  }
0x1a: {  	s13 =	simm.s32 $0x4;
	s14 =	sadd.s32 $0x14C800, s31;
	[sflag:s12] =	ssyncadd.s32 $0xFFFFC000  }
0x1b: {  	[hbm4b:s14+s3] =	stream.linear.scatter [tilespmem:s7], [sflag:$0x4], $0x4000, $0x38;
	[tilespmem:$0x8800] =	vst v63  }
0x1c: {  	_ =	swait.ge [sflag:s13], $0x4000  }
0x1d: {  	[sflag:s13] =	ssyncset.done $0x0  }
0x1e: {  	s15 =	simm.s32 $0x180;
	[sflag:s13] =	ssyncadd.s32 $0xFFFFC000  }
0x1f: {  	[tilespmem:s7], [sflag:$0x2] =	stream.indirect.gather [hbm4b:s2+s5], $0x80, s15, s5, $0xb8;
	[tilespmem:$0x8800] =	vst v63  }
0x20: {  	_ =	swait.ge [sflag:s8], $0x4000  }
0x21: {  	[sflag:s8] =	ssyncset.done $0x0  }
0x22: {  	s16 =	sadd.s32 $0x14D000, s31;
	[sflag:s8] =	ssyncadd.s32 $0xFFFFC000  }
0x23: {  	[hbm4b:s16+s3] =	stream.linear.scatter [tilespmem:s6], [sflag:$0x3], $0x4000, $0x38;
	[tilespmem:$0x8800] =	vst v63  }
0x24: {  	_ =	swait.ge [sflag:s10], $0x4000  }
0x25: {  	[sflag:s10] =	ssyncset.done $0x0  }
0x26: {  	s17 =	simm.s32 $0x200;
	[sflag:s10] =	ssyncadd.s32 $0xFFFFC000  }
0x27: {  	[tilespmem:s6], [sflag:$0x1] =	stream.indirect.gather [hbm4b:s2+s5], $0x80, s17, s5, $0xb8;
	[tilespmem:$0x8800] =	vst v63  }
0x28: {  	_ =	swait.ge [sflag:s12], $0x4000  }
0x29: {  	[sflag:s12] =	ssyncset.done $0x0  }
0x2a: {  	s18 =	sadd.s32 $0x14D800, s31;
	[sflag:s12] =	ssyncadd.s32 $0xFFFFC000  }
0x2b: {  	[hbm4b:s18+s3] =	stream.linear.scatter [tilespmem:s7], [sflag:$0x4], $0x4000, $0x38;
	[tilespmem:$0x8800] =	vst v63  }
0x2c: {  	_ =	swait.ge [sflag:s13], $0x4000  }
0x2d: {  	[sflag:s13] =	ssyncset.done $0x0  }
0x2e: {  	s19 =	simm.s32 $0x280;
	[sflag:s13] =	ssyncadd.s32 $0xFFFFC000  }
0x2f: {  	[tilespmem:s7], [sflag:$0x2] =	stream.indirect.gather [hbm4b:s2+s5], $0x80, s19, s5, $0xb8;
	[tilespmem:$0x8800] =	vst v63  }
0x30: {  	_ =	swait.ge [sflag:s8], $0x4000  }
0x31: {  	[sflag:s8] =	ssyncset.done $0x0  }
0x32: {  	s20 =	sadd.s32 $0x14E000, s31;
	[sflag:s8] =	ssyncadd.s32 $0xFFFFC000  }
0x33: {  	[hbm4b:s20+s3] =	stream.linear.scatter [tilespmem:s6], [sflag:$0x3], $0x4000, $0x38;
	[tilespmem:$0x8800] =	vst v63  }
0x34: {  	_ =	swait.ge [sflag:s10], $0x4000  }
0x35: {  	[sflag:s10] =	ssyncset.done $0x0  }
0x36: {  	s21 =	simm.s32 $0x300;
	[sflag:s10] =	ssyncadd.s32 $0xFFFFC000  }
0x37: {  	[tilespmem:s6], [sflag:$0x1] =	stream.indirect.gather [hbm4b:s2+s5], $0x80, s21, s5, $0xb8;
	[tilespmem:$0x8800] =	vst v63  }
0x38: {  	_ =	swait.ge [sflag:s12], $0x4000  }
0x39: {  	[sflag:s12] =	ssyncset.done $0x0  }
0x3a: {  	s22 =	sadd.s32 $0x14E800, s31;
	[sflag:s12] =	ssyncadd.s32 $0xFFFFC000  }
0x3b: {  	[hbm4b:s22+s3] =	stream.linear.scatter [tilespmem:s7], [sflag:$0x4], $0x4000, $0x38;
	[tilespmem:$0x8800] =	vst v63  }
0x3c: {  	_ =	swait.ge [sflag:s13], $0x4000  }
0x3d: {  	[sflag:s13] =	ssyncset.done $0x0  }
0x3e: {  	s23 =	simm.s32 $0x380;
	[sflag:s13] =	ssyncadd.s32 $0xFFFFC000  }
0x3f: {  	[tilespmem:s7], [sflag:$0x2] =	stream.indirect.gather [hbm4b:s2+s5], $0x80, s23, s5, $0xb8;
	[tilespmem:$0x8800] =	vst v63  }
0x40: {  	_ =	swait.ge [sflag:s8], $0x4000  }
0x41: {  	[sflag:s8] =	ssyncset.done $0x0  }
0x42: {  	s24 =	sadd.s32 $0x14F000, s31;
	[sflag:s8] =	ssyncadd.s32 $0xFFFFC000  }
0x43: {  	[hbm4b:s24+s3] =	stream.linear.scatter [tilespmem:s6], [sflag:$0x3], $0x4000, $0x38;
	[tilespmem:$0x8800] =	vst v63  }
0x44: {  	_ =	swait.ge [sflag:s10], $0x4000  }
0x45: {  	[sflag:s10] =	ssyncset.done $0x0  }
0x46: {  	s25 =	simm.s32 $0x400;
	[sflag:s10] =	ssyncadd.s32 $0xFFFFC000  }
0x47: {  	[tilespmem:s6], [sflag:$0x1] =	stream.indirect.gather [hbm4b:s2+s5], $0x80, s25, s5, $0xb8;
	[tilespmem:$0x8800] =	vst v63  }
0x48: {  	_ =	swait.ge [sflag:s12], $0x4000  }
0x49: {  	[sflag:s12] =	ssyncset.done $0x0  }
0x4a: {  	s26 =	sadd.s32 $0x14F800, s31;
	[sflag:s12] =	ssyncadd.s32 $0xFFFFC000  }
0x4b: {  	[hbm4b:s26+s3] =	stream.linear.scatter [tilespmem:s7], [sflag:$0x4], $0x4000, $0x38;
	[tilespmem:$0x8800] =	vst v63  }
0x4c: {  	_ =	swait.ge [sflag:s13], $0x4000  }
0x4d: {  	[sflag:s13] =	ssyncset.done $0x0  }
0x4e: {  	s28 =	simm.s32 $0x480;
	[sflag:s13] =	ssyncadd.s32 $0xFFFFC000  }
0x4f: {  	[tilespmem:s7], [sflag:$0x2] =	stream.indirect.gather [hbm4b:s2+s5], $0x80, s28, s5, $0xb8;
	[tilespmem:$0x8800] =	vst v63  }
0x50: {  	_ =	swait.ge [sflag:s8], $0x4000  }
0x51: {  	s1 =	ssub.s32 $0x2, s30;
	s29 =	sadd.s32 $0x150000, s31;
	[sflag:s8] =	ssyncset.done $0x0  }
0x52: {  	s30 =	sadd.s32 $0x150800, s31;
	s31 =	sshrl.u32 s1, $0x1;
	[sflag:s8] =	ssyncadd.s32 $0xFFFFC000  }
0x53: {  	[hbm4b:s29+s3] =	stream.linear.scatter [tilespmem:s6], [sflag:$0x3], $0x4000, $0x38;
	[tilespmem:$0x8800] =	vst v63  }
0x54: {  	s1 =	ssub.s32 s1, s31;
	_ =	swait.ge [sflag:s12], $0x4000  }
0x55: {  	s1 =	smax.u32 s1, $0x1;
	[sflag:s12] =	ssyncset.done $0x0  }
0x56: {  	p0 =	sne.s32 s1, $0x1;
	[sflag:s12] =	ssyncadd.s32 $0xFFFFC000  }
0x57: {  	[hbm4b:s30+s3] =	stream.linear.scatter [tilespmem:s7], [sflag:$0x4], $0x4000, $0x38;
	[tilespmem:$0x8800] =	vst v63  }
.Ltmp0:
0x58: {  	_ =	swait.ge [sflag:s10], $0x4000;
	(pc) =	sbr.rel @!p0 .LBB2_2-.Ltmp0, $4  }
0x59: {  	[sflag:s10] =	ssyncset.done $0x0  }
0x5a: {  	[sflag:s10] =	ssyncadd.s32 $0xFFFFC000  }
0x5b: {  	_ =	swait.ge [sflag:s13], $0x4000  }
0x5c: {  	s31 =	sadd.s32 $0xFFFFFFFF, s1;
	[sflag:s13] =	ssyncset.done $0x0  }
.LBB2_1:
0x5d: {  	s1 =	rddreg [dreg:$0x3];
	[sflag:s13] =	ssyncadd.s32 $0xFFFFC000  }
0x5e: {  	[tilespmem:s3], [sflag:$0x5] =	stream.linear.gather [hbm4b:s1+s3], $0x500, $0x38;
	[tilespmem:$0x8800] =	vst v63  }
0x5f: {  	_ =	swait.ge [sflag:s4], $0x500  }
0x60: {  	[sflag:s4] =	ssyncset.done $0x0  }
0x61: {  	[sflag:s4] =	ssyncadd.s32 $0xFFFFFB00  }
0x62: {  	[tilespmem:s6], [sflag:$0x1] =	stream.indirect.gather [hbm4b:s2+s5], $0x80, s3, s5, $0xb8;
	[tilespmem:$0x8800] =	vst v63  }
0x63: {  	_ = 	snop  }
0x64: {  	[tilespmem:s7], [sflag:$0x2] =	stream.indirect.gather [hbm4b:s2+s5], $0x80, s5, s5, $0xb8;
	[tilespmem:$0x8800] =	vst v63  }
0x65: {  	_ =	swait.ge [sflag:s8], $0x4000  }
0x66: {  	[sflag:s8] =	ssyncset.done $0x0  }
0x67: {  	[sflag:s8] =	ssyncadd.s32 $0xFFFFC000  }
0x68: {  	[hbm4b:s9+s3] =	stream.linear.scatter [tilespmem:s6], [sflag:$0x3], $0x4000, $0x38;
	[tilespmem:$0x8800] =	vst v63  }
0x69: {  	_ =	swait.ge [sflag:s10], $0x4000  }
0x6a: {  	[sflag:s10] =	ssyncset.done $0x0  }
0x6b: {  	[sflag:s10] =	ssyncadd.s32 $0xFFFFC000  }
0x6c: {  	[tilespmem:s6], [sflag:$0x1] =	stream.indirect.gather [hbm4b:s2+s5], $0x80, s11, s5, $0xb8;
	[tilespmem:$0x8800] =	vst v63  }
0x6d: {  	_ =	swait.ge [sflag:s12], $0x4000  }
0x6e: {  	[sflag:s12] =	ssyncset.done $0x0  }
0x6f: {  	[sflag:s12] =	ssyncadd.s32 $0xFFFFC000  }
0x70: {  	[hbm4b:s14+s3] =	stream.linear.scatter [tilespmem:s7], [sflag:$0x4], $0x4000, $0x38;
	[tilespmem:$0x8800] =	vst v63  }
0x71: {  	_ =	swait.ge [sflag:s13], $0x4000  }
0x72: {  	[sflag:s13] =	ssyncset.done $0x0  }
0x73: {  	[sflag:s13] =	ssyncadd.s32 $0xFFFFC000  }
0x74: {  	[tilespmem:s7], [sflag:$0x2] =	stream.indirect.gather [hbm4b:s2+s5], $0x80, s15, s5, $0xb8;
	[tilespmem:$0x8800] =	vst v63  }
0x75: {  	_ =	swait.ge [sflag:s8], $0x4000  }
0x76: {  	[sflag:s8] =	ssyncset.done $0x0  }
0x77: {  	[sflag:s8] =	ssyncadd.s32 $0xFFFFC000  }
0x78: {  	[hbm4b:s16+s3] =	stream.linear.scatter [tilespmem:s6], [sflag:$0x3], $0x4000, $0x38;
	[tilespmem:$0x8800] =	vst v63  }
0x79: {  	_ =	swait.ge [sflag:s10], $0x4000  }
0x7a: {  	[sflag:s10] =	ssyncset.done $0x0  }
0x7b: {  	[sflag:s10] =	ssyncadd.s32 $0xFFFFC000  }
0x7c: {  	[tilespmem:s6], [sflag:$0x1] =	stream.indirect.gather [hbm4b:s2+s5], $0x80, s17, s5, $0xb8;
	[tilespmem:$0x8800] =	vst v63  }
0x7d: {  	_ =	swait.ge [sflag:s12], $0x4000  }
0x7e: {  	[sflag:s12] =	ssyncset.done $0x0  }
0x7f: {  	[sflag:s12] =	ssyncadd.s32 $0xFFFFC000  }
0x80: {  	[hbm4b:s18+s3] =	stream.linear.scatter [tilespmem:s7], [sflag:$0x4], $0x4000, $0x38;
	[tilespmem:$0x8800] =	vst v63  }
0x81: {  	_ =	swait.ge [sflag:s13], $0x4000  }
0x82: {  	[sflag:s13] =	ssyncset.done $0x0  }
0x83: {  	[sflag:s13] =	ssyncadd.s32 $0xFFFFC000  }
0x84: {  	[tilespmem:s7], [sflag:$0x2] =	stream.indirect.gather [hbm4b:s2+s5], $0x80, s19, s5, $0xb8;
	[tilespmem:$0x8800] =	vst v63  }
0x85: {  	_ =	swait.ge [sflag:s8], $0x4000  }
0x86: {  	[sflag:s8] =	ssyncset.done $0x0  }
0x87: {  	[sflag:s8] =	ssyncadd.s32 $0xFFFFC000  }
0x88: {  	[hbm4b:s20+s3] =	stream.linear.scatter [tilespmem:s6], [sflag:$0x3], $0x4000, $0x38;
	[tilespmem:$0x8800] =	vst v63  }
0x89: {  	_ =	swait.ge [sflag:s10], $0x4000  }
0x8a: {  	[sflag:s10] =	ssyncset.done $0x0  }
0x8b: {  	[sflag:s10] =	ssyncadd.s32 $0xFFFFC000  }
0x8c: {  	[tilespmem:s6], [sflag:$0x1] =	stream.indirect.gather [hbm4b:s2+s5], $0x80, s21, s5, $0xb8;
	[tilespmem:$0x8800] =	vst v63  }
0x8d: {  	_ =	swait.ge [sflag:s12], $0x4000  }
0x8e: {  	[sflag:s12] =	ssyncset.done $0x0  }
0x8f: {  	[sflag:s12] =	ssyncadd.s32 $0xFFFFC000  }
0x90: {  	[hbm4b:s22+s3] =	stream.linear.scatter [tilespmem:s7], [sflag:$0x4], $0x4000, $0x38;
	[tilespmem:$0x8800] =	vst v63  }
0x91: {  	_ =	swait.ge [sflag:s13], $0x4000  }
0x92: {  	[sflag:s13] =	ssyncset.done $0x0  }
0x93: {  	[sflag:s13] =	ssyncadd.s32 $0xFFFFC000  }
0x94: {  	[tilespmem:s7], [sflag:$0x2] =	stream.indirect.gather [hbm4b:s2+s5], $0x80, s23, s5, $0xb8;
	[tilespmem:$0x8800] =	vst v63  }
0x95: {  	_ =	swait.ge [sflag:s8], $0x4000  }
0x96: {  	[sflag:s8] =	ssyncset.done $0x0  }
0x97: {  	[sflag:s8] =	ssyncadd.s32 $0xFFFFC000  }
0x98: {  	[hbm4b:s24+s3] =	stream.linear.scatter [tilespmem:s6], [sflag:$0x3], $0x4000, $0x38;
	[tilespmem:$0x8800] =	vst v63  }
0x99: {  	_ =	swait.ge [sflag:s10], $0x4000  }
0x9a: {  	[sflag:s10] =	ssyncset.done $0x0  }
0x9b: {  	[sflag:s10] =	ssyncadd.s32 $0xFFFFC000  }
0x9c: {  	[tilespmem:s6], [sflag:$0x1] =	stream.indirect.gather [hbm4b:s2+s5], $0x80, s25, s5, $0xb8;
	[tilespmem:$0x8800] =	vst v63  }
0x9d: {  	_ =	swait.ge [sflag:s12], $0x4000  }
0x9e: {  	[sflag:s12] =	ssyncset.done $0x0  }
0x9f: {  	[sflag:s12] =	ssyncadd.s32 $0xFFFFC000  }
0xa0: {  	[hbm4b:s26+s3] =	stream.linear.scatter [tilespmem:s7], [sflag:$0x4], $0x4000, $0x38;
	[tilespmem:$0x8800] =	vst v63  }
0xa1: {  	_ =	swait.ge [sflag:s13], $0x4000  }
0xa2: {  	[sflag:s13] =	ssyncset.done $0x0  }
0xa3: {  	[sflag:s13] =	ssyncadd.s32 $0xFFFFC000  }
0xa4: {  	[tilespmem:s7], [sflag:$0x2] =	stream.indirect.gather [hbm4b:s2+s5], $0x80, s28, s5, $0xb8;
	[tilespmem:$0x8800] =	vst v63  }
0xa5: {  	_ =	swait.ge [sflag:s8], $0x4000  }
0xa6: {  	[sflag:s8] =	ssyncset.done $0x0  }
0xa7: {  	[sflag:s8] =	ssyncadd.s32 $0xFFFFC000  }
0xa8: {  	[hbm4b:s29+s3] =	stream.linear.scatter [tilespmem:s6], [sflag:$0x3], $0x4000, $0x38;
	[tilespmem:$0x8800] =	vst v63  }
0xa9: {  	_ =	swait.ge [sflag:s12], $0x4000  }
0xaa: {  	[sflag:s12] =	ssyncset.done $0x0  }
0xab: {  	p0 =	sne.s32 s31, $0x1;
	[sflag:s12] =	ssyncadd.s32 $0xFFFFC000  }
0xac: {  	[hbm4b:s30+s3] =	stream.linear.scatter [tilespmem:s7], [sflag:$0x4], $0x4000, $0x38;
	[tilespmem:$0x8800] =	vst v63  }
.Ltmp1:
0xad: {  	_ =	swait.ge [sflag:s10], $0x4000;
	(pc) =	sbr.rel @p0 .LBB2_1-.Ltmp1, $4  }
0xae: {  	[sflag:s10] =	ssyncset.done $0x0  }
0xaf: {  	[sflag:s10] =	ssyncadd.s32 $0xFFFFC000  }
0xb0: {  	_ =	swait.ge [sflag:s13], $0x4000  }
0xb1: {  	s31 =	sadd.s32 $0xFFFFFFFF, s31;
	[sflag:s13] =	ssyncset.done $0x0  }
.LBB2_2:
0xb2: {  	[sflag:s13] =	ssyncadd.s32 $0xFFFFC000  }
0xb3: {  	_ =	sfence.sel $0x180000  }
0xb4: {  	[bflag:$0x0] =	sbarrier.arrive $0xFFFF  }
0xb5: {  	_ =	strace $0x90000050  }
0xb6: {  	[bflag:$0x2] =	sbarrier.arrive $0xFFFF  }
0xb7: {  	p0 =	sne.s32 s0, $0x0;
	s0 =	rddreg [dreg:$0x2]  }
0xb8: {  	s0 =	sadd.s32 @!p0 $0x100000, s0  }
0xb9: {  	[sflag:s0] =	ssyncadd.tile.s32 @!p0 $0x1;
	_ =	shalt  }
.Lfunc_end2:
_tile_overlayer_lowered:
.L_overlay_start_2:
0xba: {  	(tag) =	ssettag $0x2  }
0xbb: {  	s0 =	rddreg [dreg:$0x0];
	s2 =	stileid.u32  }
0xbc: {  	s1 =	rddreg [dreg:$0x1];
	p0 =	sne.s32 s2, $0x0  }
0xbd: {  	s3 =	rddreg [dreg:$0x2];
	[bflag:$0x3] =	sbarrier.arrive $0xFFFF;
	s2 =	simm.s32 @!p0 $0x1C05  }
0xbe: {  	[timem:s3], [sflag:s2] =	dma.local @!p0 [hbm:s0], s1  }
0xbf: {  	s0 =	simm.s32 @!p0 $0x5  }
0xc0: {  	_ =	swait.ge @!p0 [sflag:s0], s1  }
0xc1: {  	s1 =	ssub.s32 @!p0 $0x0, s1;
	[sflag:s0] =	ssyncset.done @!p0 $0x0  }
0xc2: {  	[sflag:s0] =	ssyncadd.s32 @!p0 s1  }
0xc3: {  	[bflag:$0x3] =	sbarrier.arrive $0xFFFF  }
0xc4: {  	_ =	shalt  }

// kernel: kernel.25.cloned.1.call-start
scs
__scs_entry_jumppad:
0x0: {  	(pc) =	sbr.rel $0x88, $3  }
0x1: {  	(tag) =	ssettag $0x0;
	lr =	simm.s32 $0x1  }
0x2: {  	[smem:$0x3F9F] =	sst lr;
	_ =	strace $0xD0000000  }
0x3: {  	_ = 	snop  }
0x4: {  	_ = 	snop  }
0x5: {  	_ = 	snop  }
0x6: {  	_ = 	snop  }
0x7: {  	_ = 	snop  }
__scs_overlays_trampoline_lowered:
0x8: {  	[smem:$0x3FAE] =	sst s0  }
0x9: {  	[smem:$0x3FAF] =	sst s1  }
0xa: {  	[smem:$0x3FB0] =	sst s2  }
0xb: {  	[smem:$0x3FB1] =	sst s3  }
0xc: {  	[smem:$0x3FB2] =	sst s4  }
0xd: {  	[smem:$0x3FB3] =	sst s5  }
0xe: {  	[smem:$0x3FB4] =	sst s6  }
0xf: {  	[smem:$0x3FB5] =	sst s7  }
0x10: {  	[smem:$0x3FB6] =	sst s8  }
0x11: {  	[smem:$0x3FB7] =	sst s9;
	s0 =	simm.s32 @!p0 $0x0  }
0x12: {  	s1 =	sld [smem:$0x3F9D];
	s0 =	simm.s32 @p0 $0x1  }
0x13: {  	[smem:$0x3FB8] =	sst s0;
	s0 =	simm.s32 @!p1 $0x0  }
0x14: {  	s2 =	sld [smem:$0x3F9C];
	s0 =	simm.s32 @p1 $0x1  }
0x15: {  	[smem:$0x3FB9] =	sst s0;
	s0 =	simm.s32 @!p2 $0x0  }
0x16: {  	s3 =	sld [smem:$0x3FDB];
	s0 =	simm.s32 @p2 $0x1  }
0x17: {  	s4 =	simm.s32 $0x1BF5;
	[smem:$0x3FBB] =	sst s0  }
0x18: {  	s0 =	sld [smem:$0x3F9E];
	_ =	swait.ge [sflag:s4], $0x0  }
0x19: {  	s7 =	sld [smem:$0x3F9F]  }
0x1a: {  	s8 =	sadd.s32 $0xFFFFE003, lr  }
0x1b: {  	s9 =	sadd.s32 $0xFFFFFEF7, lr;
	s5 =	simm.s32 $0xFFFFFFFF;
	p2 =	slt.u32 s8, $0xFFFFF086  }
0x1c: {  	p1 =	slt.u32 s9, $0xF7A;
	s5 =	simm.s32 @!p2 $0x0  }
0x1d: {  	s5 =	simm.s32 @p1 $0x1;
	p0 =	seq.s32 s7, s2  }
0x1e: {  	s7 =	smul.u32 @!p0 $0xF7A, s2;
	p2 =	seq.s32 @!p0 s5, $0x0  }
0x1f: {  	s9 =	smul.u32 $0xF7A, s1;
	s8 =	simm.s32 @!p0 $0x1BF5;
	p2 =	por !p2, p0  }
0x20: {  	[sflag:s8] =	ssyncset.s32 @!p0 $0xFFFFF086;
	s6 =	sadd.s32 @!p0 s3, s7;
	s7 =	simm.s32 @!p0 $0x108  }
0x21: {  	s3 =	sadd.s32 s3, s9;
	s6 =	sadd.s32 @!p0 $0x88, s6;
	s7 =	simm.s32 @p2 $0x1082  }
0x22: {  	[simem:s7], [sflag:s8] =	dma.local @!p0 [hbm:s6], $0xF7A  }
0x23: {  	s9 =	sor.u32 $0xD0000000, s2;
	s6 =	simm.s32 $0x108;
	_ =	swait.ge @!p0 [sflag:s8], $0x0  }
0x24: {  	s3 =	sadd.s32 $0x88, s3;
	s6 =	simm.s32 @!p1 $0x1082;
	[sflag:s4] =	ssyncset.s32 $0xFFFFF086  }
0x25: {  	[simem:s6], [sflag:s4] =	dma.local [hbm:s3], $0xF7A  }
0x26: {  	[smem:$0x3F9F] =	sst s1;
	(tag) =	ssettag s2;
	_ =	strace s9  }
0x27: {  	s1 =	sld [smem:$0x3FAF]  }
0x28: {  	s2 =	sld [smem:$0x3FB0]  }
0x29: {  	s4 =	sld [smem:$0x3FB2]  }
0x2a: {  	p0 =	seq.s32 s5, $0x0;
	s5 =	sld [smem:$0x3FB3]  }
0x2b: {  	s6 =	sld [smem:$0x3FB4]  }
0x2c: {  	s7 =	sld [smem:$0x3FB5]  }
0x2d: {  	s3 =	simm.s32 $0x108;
	s8 =	sld [smem:$0x3FB6]  }
0x2e: {  	s3 =	simm.s32 @!p0 $0x1082;
	s9 =	sld [smem:$0x3FB7]  }
0x2f: {  	lr =	sadd.s32 s0, s3;
	s0 =	sld [smem:$0x3FAE]  }
0x30: {  	s3 =	sld [smem:$0x3FB1]  }
0x31: {  	[smem:$0x3FBA] =	sst s10  }
0x32: {  	s10 =	sld [smem:$0x3FB8];
	_ =	sdelay $0x3  }
0x33: {  	p0 =	seq.s32 s10, $0x1;
	s10 =	sld [smem:$0x3FBA];
	_ =	sdelay $0x3  }
0x34: {  	[smem:$0x3FBA] =	sst s10  }
0x35: {  	s10 =	sld [smem:$0x3FB9];
	_ =	sdelay $0x3  }
0x36: {  	p1 =	seq.s32 s10, $0x1;
	s10 =	sld [smem:$0x3FBA];
	_ =	sdelay $0x3  }
0x37: {  	[smem:$0x3FBA] =	sst s10  }
0x38: {  	s10 =	sld [smem:$0x3FBB]  }
0x39: {  	_ = 	snop;
	(pc) =	sbr.ind lr, $3  }
0x3a: {  	_ = 	snop  }
0x3b: {  	_ = 	snop  }
0x3c: {  	p2 =	seq.s32 s10, $0x1;
	s10 =	sld [smem:$0x3FBA]  }
0x3d: {  	_ =	shalt  }
0x3e: {  	_ =	shalt  }
0x3f: {  	_ =	shalt  }
0x40: {  	_ =	shalt  }
0x41: {  	_ =	shalt  }
0x42: {  	_ =	shalt  }
0x43: {  	_ =	shalt  }
0x44: {  	_ =	shalt  }
0x45: {  	_ =	shalt  }
0x46: {  	_ =	shalt  }
0x47: {  	_ =	shalt  }
0x48: {  	_ =	shalt  }
0x49: {  	_ =	shalt  }
0x4a: {  	_ =	shalt  }
0x4b: {  	_ =	shalt  }
0x4c: {  	_ =	shalt  }
0x4d: {  	_ =	shalt  }
0x4e: {  	_ =	shalt  }
0x4f: {  	_ =	shalt  }
0x50: {  	_ =	shalt  }
0x51: {  	_ =	shalt  }
0x52: {  	_ =	shalt  }
0x53: {  	_ =	shalt  }
0x54: {  	_ =	shalt  }
0x55: {  	_ =	shalt  }
0x56: {  	_ =	shalt  }
0x57: {  	_ =	shalt  }
0x58: {  	_ =	shalt  }
0x59: {  	_ =	shalt  }
0x5a: {  	_ =	shalt  }
0x5b: {  	_ =	shalt  }
0x5c: {  	_ =	shalt  }
0x5d: {  	_ =	shalt  }
0x5e: {  	_ =	shalt  }
0x5f: {  	_ =	shalt  }
0x60: {  	_ =	shalt  }
0x61: {  	_ =	shalt  }
0x62: {  	_ =	shalt  }
0x63: {  	_ =	shalt  }
0x64: {  	_ =	shalt  }
0x65: {  	_ =	shalt  }
0x66: {  	_ =	shalt  }
0x67: {  	_ =	shalt  }
0x68: {  	_ =	shalt  }
0x69: {  	_ =	shalt  }
0x6a: {  	_ =	shalt  }
0x6b: {  	_ =	shalt  }
0x6c: {  	_ =	shalt  }
0x6d: {  	_ =	shalt  }
0x6e: {  	_ =	shalt  }
0x6f: {  	_ =	shalt  }
0x70: {  	_ =	shalt  }
0x71: {  	_ =	shalt  }
0x72: {  	_ =	shalt  }
0x73: {  	_ =	shalt  }
0x74: {  	_ =	shalt  }
0x75: {  	_ =	shalt  }
0x76: {  	_ =	shalt  }
0x77: {  	_ =	shalt  }
0x78: {  	_ =	shalt  }
0x79: {  	_ =	shalt  }
0x7a: {  	_ =	shalt  }
0x7b: {  	_ =	shalt  }
0x7c: {  	_ =	shalt  }
0x7d: {  	_ =	shalt  }
0x7e: {  	_ =	shalt  }
0x7f: {  	_ =	shalt  }
0x80: {  	_ =	shalt  }
0x81: {  	_ =	shalt  }
0x82: {  	_ =	shalt  }
0x83: {  	_ =	shalt  }
0x84: {  	_ =	shalt  }
0x85: {  	_ =	shalt  }
0x86: {  	_ =	shalt  }
0x87: {  	_ =	shalt  }
.Lfunc_end0:
.L_simem_size_0:
called_computation.4_lowered:
.L_overlay_start_0:
0x88: {  	s2 =	sld [smem:$0x3FD9]  }
0x89: {  	s3 =	sld [smem:$0x3FFE];
	_ =	sdelay $0x1  }
0x8a: {  	s1 =	srdreg.scid  }
0x8b: {  	s0 =	sand.u32 $0x1, s1  }
0x8c: {  	s17 =	sshll.u32 s0, $0xA;
	s2 =	sadd.s32 s3, s2  }
0x8d: {  	s2 =	sadd.s32 s2, s17  }
0x8e: {  	[smem:$0x3FC6] =	sst s2  }
0x8f: {  	_ = 	snop  }
0x90: {  	s18 =	sld [smem:$0x3FC8];
	(tm) =	ssettm $0x1  }
0x91: {  	s19 =	sld [smem:$0x3FFB];
	_ =	sdelay $0x3  }
0x92: {  	_ =	strace s19  }
0x93: {  	s2 =	sld [smem:$0x3FFC];
	_ =	sdelay $0x3  }
0x94: {  	_ =	strace s2  }
0x95: {  	s2 =	sld [smem:$0x3FFD];
	_ =	sdelay $0x3  }
0x96: {  	_ =	strace s2  }
0x97: {  	_ =	strace $0x8FFFFFFF  }
0x98: {  	s20 =	sld [smem:$0x3FDB];
	_ =	sdelay $0x1  }
0x99: {  	s4 =	simm.s32 $_scs_section_size  }
0x9a: {  	s5 =	simm.s32 $_size__tile_overlayer_lowered;
	s6 =	simm.s32 $_tile_overlayer_lowered  }
0x9b: {  	s7 =	simm.s32 $0x1BFF;
	s21 =	sshll.u32 s6, $0x1;
	s4 =	sadd.s32 s4, s20  }
0x9c: {  	s22 =	simm.s32 $0x0;
	s5 =	sshll.u32 s5, $0x1;
	s6 =	sadd.s32 s21, s4  }
0x9d: {  	[timem:s22], [sflag:s7] =	dma.local [hbm:s6], s5  }
0x9e: {  	_ =	swait.ge [sflag:s7], s5  }
0x9f: {  	s5 =	ssub.s32 $0x0, s5;
	[sflag:s7] =	ssyncset.done $0x0  }
0xa0: {  	[sflag:s7] =	ssyncadd.s32 s5;
	_ =	sdelay $0x1  }
0xa1: {  	s23 =	simm.s32 $0x1B8B  }
0xa2: {  	_ =	swait.ge [sflag:s23], $0x1  }
0xa3: {  	[sflag:s23] =	ssyncset.done $0x0  }
0xa4: {  	[sflag:s23] =	ssyncadd.s32 $0xFFFFFFFF  }
0xa5: {  	s5 =	sld [smem:$0x0]  }
0xa6: {  	s6 =	sand.u32 $0xFFFFFFFE, s1  }
0xa7: {  	p0 =	sne.s32 s1, s6  }
0xa8: {  	s6 =	sshll.u32 @p0 s6, $0xE  }
0xa9: {  	s6 =	sadd.s32 @p0 $0x11B8D, s6;
	s7 =	sshll.u32 @p0 s5, $0x11  }
0xaa: {  	s6 =	sor.u32 @p0 s7, s6  }
0xab: {  	[sflag:s6] =	ssyncadd.remote.s32 @p0 $0x1;
	_ =	sdelay $0x1  }
0xac: {  	s6 =	simm.s32 @p0 $0x1B8D  }
0xad: {  	_ =	swait.eq @p0 [sflag:s6], $0x1  }
0xae: {  	[sflag:s6] =	ssyncadd.s32 @p0 $0xFFFFFFFF  }
0xaf: {  	s7 =	sshll.u32 @!p0 s1, $0xE  }
0xb0: {  	s7 =	sor.u32 @!p0 $0x4000, s7;
	s6 =	simm.s32 @!p0 $0x1B8D  }
0xb1: {  	s5 =	sshll.u32 @!p0 s5, $0x11;
	s7 =	sadd.s32 @!p0 $0x11B8D, s7;
	_ =	swait.eq @!p0 [sflag:s6], $0x1  }
0xb2: {  	s5 =	sor.u32 @!p0 s5, s7;
	[sflag:s6] =	ssyncadd.s32 @!p0 $0xFFFFFFFF  }
0xb3: {  	s25 =	simm.s32 $0x1B8E;
	s24 =	sld [smem:$0x3FFE];
	[sflag:s5] =	ssyncadd.remote.s32 @!p0 $0x1  }
0xb4: {  	s26 =	simm.s32 $execute0_lowered;
	[smem:$0x3FD2] =	sst s25  }
0xb5: {  	s6 =	sshll.u32 s26, $0x1;
	_ =	strace $0x80000052;
	[dreg:$0x1] =	wrdreg $0xFFFFFFFF  }
0xb6: {  	s28 =	simm.s32 $_size_execute0_lowered;
	s4 =	sadd.s32 s4, s6;
	[dreg:$0x0] =	wrdreg $0x0  }
0xb7: {  	s6 =	sshll.u32 s28, $0x1;
	[dreg:$0x2] =	wrdreg s4  }
0xb8: {  	[dreg:$0x3] =	wrdreg s6  }
0xb9: {  	[dreg:$0x4] =	wrdreg $0xC0  }
0xba: {  	_ =	task [dreg:s22], $0x5FFFF  }
0xbb: {  	[dreg:$0x1] =	wrdreg $0xFFFFFFFF  }
0xbc: {  	[dreg:$0x0] =	wrdreg $0x60  }
0xbd: {  	[dreg:$0x2] =	wrdreg s18  }
0xbe: {  	[dreg:$0x3] =	wrdreg s24  }
0xbf: {  	[dreg:$0x4] =	wrdreg $0xD  }
0xc0: {  	_ =	task.clear_ibuf [dreg:s22], $0x5FFFF;
	_ =	strace $0x90000052  }
0xc1: {  	s29 =	simm.s32 $0xD;
	_ =	strace $0x80000054  }
0xc2: {  	_ =	swait.ge [sflag:s29], $0x1  }
0xc3: {  	[sflag:s29] =	ssyncadd.s32 $0xFFFFFFFF  }
0xc4: {  	_ =	strace $0x90000054  }
0xc5: {  	_ =	sfence  }
0xc6: {  	s30 =	sld [smem:$0x0];
	_ =	sdelay $0x2  }
0xc7: {  	s31 =	sshll.u32 s1, $0xD;
	s1 =	sshrl.u32 s1, $0x2  }
0xc8: {  	s4 =	sand.u32 $0x4000, s31;
	s1 =	sadd.s32 s1, s30  }
0xc9: {  	s0 =	sor.u32 s4, s0;
	s1 =	sshll.u32 s1, $0x11  }
0xca: {  	s0 =	sor.u32 s1, s0  }
0xcb: {  	s0 =	sadd.s32 $0x8F2B, s0  }
0xcc: {  	[sflag:s0] =	ssyncadd.remote.s32 $0x1  }
0xcd: {  	_ =	sfence.sel $0xFFFF  }
0xce: {  	[dreg:$0x0] =	wrdreg $0xFFFFFFFF;
	(pc) =	sbr.abs _section_cstart, $3  }
0xcf: {  	[dreg:$0x1] =	wrdreg $0xFFFFFFFF  }
0xd0: {  	_ =	task.clear_ibuf [dreg:s22], $0x2FFFF;
	_ =	strace $0x9FFFFFFF  }
0xd1: {  	(tm) =	ssettm $0x7FFFFFFF  }
tec
execute0_lowered:
.L_overlay_start_1:
0x0: {  	(tag) =	ssettag $0x1  }
0x1: {  	s1 =	srdreg.scid;
	s0 =	stileid.u32  }
0x2: {  	s30 =	sand.u32 $0x1, s1;
	s26 =	sshll.u32 s0, $0x1  }
0x3: {  	s7 =	sor.u32 s30, s26  }
0x4: {  	s9 =	rddreg [dreg:$0x1];
	s4 =	sshll.u32 s7, $0x8  }
0x5: {  	s2 =	rddreg [dreg:$0x0];
	s3 =	simm.s32 $0x0;
	s4 =	sadd.s32 s4, s9  }
0x6: {  	[smem:$0x7FF] =	sst s3;
	s4 =	sadd.s32 $0xA000, s4  }
0x7: {  	_ =	strace $0x80000053;
	[dreg:$0x3] =	wrdreg s4  }
0x8: {  	s4 =	simm.s32 $0x5;
	s5 =	rddreg [dreg:$0x3]  }
0x9: {  	[tilespmem:s3], [sflag:$0x5] =	stream.linear.gather [hbm4b:s5+s3], $0x500, $0x38;
	[tilespmem:$0x8800] =	vst v63  }
0xa: {  	_ =	swait.ge [sflag:s4], $0x500  }
0xb: {  	[sflag:s4] =	ssyncset.done $0x0  }
0xc: {  	s6 =	simm.s32 $0x800;
	s5 =	simm.s32 $0x80;
	[sflag:s4] =	ssyncadd.s32 $0xFFFFFB00  }
0xd: {  	[tilespmem:s6], [sflag:$0x1] =	stream.indirect.gather [hbm4b:s2+s5], $0x80, s3, s5, $0xb8;
	[tilespmem:$0x8800] =	vst v63  }
0xe: {  	s8 =	simm.s32 $0x1;
	s10 =	smul.u32 $0x28000, s7;
	s7 =	simm.s32 $0x4800  }
0xf: {  	[tilespmem:s7], [sflag:$0x2] =	stream.indirect.gather [hbm4b:s2+s5], $0x80, s5, s5, $0xb8;
	[tilespmem:$0x8800] =	vst v63  }
0x10: {  	s10 =	sshrl.u32 s10, $0x3;
	_ =	swait.ge [sflag:s8], $0x4000  }
0x11: {  	s31 =	sadd.s32 s10, s9;
	[sflag:s8] =	ssyncset.done $0x0  }
0x12: {  	s10 =	simm.s32 $0x3;
	s9 =	sadd.s32 $0x1EC000, s31;
	[sflag:s8] =	ssyncadd.s32 $0xFFFFC000  }
0x13: {  	[hbm4b:s9+s3] =	stream.linear.scatter [tilespmem:s6], [sflag:$0x3], $0x4000, $0x38;
	[tilespmem:$0x8800] =	vst v63  }
0x14: {  	_ =	swait.ge [sflag:s10], $0x4000  }
0x15: {  	[sflag:s10] =	ssyncset.done $0x0  }
0x16: {  	s11 =	simm.s32 $0x100;
	s12 =	simm.s32 $0x2;
	[sflag:s10] =	ssyncadd.s32 $0xFFFFC000  }
0x17: {  	[tilespmem:s6], [sflag:$0x1] =	stream.indirect.gather [hbm4b:s2+s5], $0x80, s11, s5, $0xb8;
	[tilespmem:$0x8800] =	vst v63  }
0x18: {  	_ =	swait.ge [sflag:s12], $0x4000  }
0x19: {  	[sflag:s12] =	ssyncset.done $0x0  }
0x1a: {  	s13 =	simm.s32 $0x4;
	s14 =	sadd.s32 $0x1EC800, s31;
	[sflag:s12] =	ssyncadd.s32 $0xFFFFC000  }
0x1b: {  	[hbm4b:s14+s3] =	stream.linear.scatter [tilespmem:s7], [sflag:$0x4], $0x4000, $0x38;
	[tilespmem:$0x8800] =	vst v63  }
0x1c: {  	_ =	swait.ge [sflag:s13], $0x4000  }
0x1d: {  	[sflag:s13] =	ssyncset.done $0x0  }
0x1e: {  	s15 =	simm.s32 $0x180;
	[sflag:s13] =	ssyncadd.s32 $0xFFFFC000  }
0x1f: {  	[tilespmem:s7], [sflag:$0x2] =	stream.indirect.gather [hbm4b:s2+s5], $0x80, s15, s5, $0xb8;
	[tilespmem:$0x8800] =	vst v63  }
0x20: {  	_ =	swait.ge [sflag:s8], $0x4000  }
0x21: {  	[sflag:s8] =	ssyncset.done $0x0  }
0x22: {  	s16 =	sadd.s32 $0x1ED000, s31;
	[sflag:s8] =	ssyncadd.s32 $0xFFFFC000  }
0x23: {  	[hbm4b:s16+s3] =	stream.linear.scatter [tilespmem:s6], [sflag:$0x3], $0x4000, $0x38;
	[tilespmem:$0x8800] =	vst v63  }
0x24: {  	_ =	swait.ge [sflag:s10], $0x4000  }
0x25: {  	[sflag:s10] =	ssyncset.done $0x0  }
0x26: {  	s17 =	simm.s32 $0x200;
	[sflag:s10] =	ssyncadd.s32 $0xFFFFC000  }
0x27: {  	[tilespmem:s6], [sflag:$0x1] =	stream.indirect.gather [hbm4b:s2+s5], $0x80, s17, s5, $0xb8;
	[tilespmem:$0x8800] =	vst v63  }
0x28: {  	_ =	swait.ge [sflag:s12], $0x4000  }
0x29: {  	[sflag:s12] =	ssyncset.done $0x0  }
0x2a: {  	s18 =	sadd.s32 $0x1ED800, s31;
	[sflag:s12] =	ssyncadd.s32 $0xFFFFC000  }
0x2b: {  	[hbm4b:s18+s3] =	stream.linear.scatter [tilespmem:s7], [sflag:$0x4], $0x4000, $0x38;
	[tilespmem:$0x8800] =	vst v63  }
0x2c: {  	_ =	swait.ge [sflag:s13], $0x4000  }
0x2d: {  	[sflag:s13] =	ssyncset.done $0x0  }
0x2e: {  	s19 =	simm.s32 $0x280;
	[sflag:s13] =	ssyncadd.s32 $0xFFFFC000  }
0x2f: {  	[tilespmem:s7], [sflag:$0x2] =	stream.indirect.gather [hbm4b:s2+s5], $0x80, s19, s5, $0xb8;
	[tilespmem:$0x8800] =	vst v63  }
0x30: {  	_ =	swait.ge [sflag:s8], $0x4000  }
0x31: {  	[sflag:s8] =	ssyncset.done $0x0  }
0x32: {  	s20 =	sadd.s32 $0x1EE000, s31;
	[sflag:s8] =	ssyncadd.s32 $0xFFFFC000  }
0x33: {  	[hbm4b:s20+s3] =	stream.linear.scatter [tilespmem:s6], [sflag:$0x3], $0x4000, $0x38;
	[tilespmem:$0x8800] =	vst v63  }
0x34: {  	_ =	swait.ge [sflag:s10], $0x4000  }
0x35: {  	[sflag:s10] =	ssyncset.done $0x0  }
0x36: {  	s21 =	simm.s32 $0x300;
	[sflag:s10] =	ssyncadd.s32 $0xFFFFC000  }
0x37: {  	[tilespmem:s6], [sflag:$0x1] =	stream.indirect.gather [hbm4b:s2+s5], $0x80, s21, s5, $0xb8;
	[tilespmem:$0x8800] =	vst v63  }
0x38: {  	_ =	swait.ge [sflag:s12], $0x4000  }
0x39: {  	[sflag:s12] =	ssyncset.done $0x0  }
0x3a: {  	s22 =	sadd.s32 $0x1EE800, s31;
	[sflag:s12] =	ssyncadd.s32 $0xFFFFC000  }
0x3b: {  	[hbm4b:s22+s3] =	stream.linear.scatter [tilespmem:s7], [sflag:$0x4], $0x4000, $0x38;
	[tilespmem:$0x8800] =	vst v63  }
0x3c: {  	_ =	swait.ge [sflag:s13], $0x4000  }
0x3d: {  	[sflag:s13] =	ssyncset.done $0x0  }
0x3e: {  	s23 =	simm.s32 $0x380;
	[sflag:s13] =	ssyncadd.s32 $0xFFFFC000  }
0x3f: {  	[tilespmem:s7], [sflag:$0x2] =	stream.indirect.gather [hbm4b:s2+s5], $0x80, s23, s5, $0xb8;
	[tilespmem:$0x8800] =	vst v63  }
0x40: {  	_ =	swait.ge [sflag:s8], $0x4000  }
0x41: {  	[sflag:s8] =	ssyncset.done $0x0  }
0x42: {  	s24 =	sadd.s32 $0x1EF000, s31;
	[sflag:s8] =	ssyncadd.s32 $0xFFFFC000  }
0x43: {  	[hbm4b:s24+s3] =	stream.linear.scatter [tilespmem:s6], [sflag:$0x3], $0x4000, $0x38;
	[tilespmem:$0x8800] =	vst v63  }
0x44: {  	_ =	swait.ge [sflag:s10], $0x4000  }
0x45: {  	[sflag:s10] =	ssyncset.done $0x0  }
0x46: {  	s25 =	simm.s32 $0x400;
	[sflag:s10] =	ssyncadd.s32 $0xFFFFC000  }
0x47: {  	[tilespmem:s6], [sflag:$0x1] =	stream.indirect.gather [hbm4b:s2+s5], $0x80, s25, s5, $0xb8;
	[tilespmem:$0x8800] =	vst v63  }
0x48: {  	_ =	swait.ge [sflag:s12], $0x4000  }
0x49: {  	[sflag:s12] =	ssyncset.done $0x0  }
0x4a: {  	s26 =	sadd.s32 $0x1EF800, s31;
	[sflag:s12] =	ssyncadd.s32 $0xFFFFC000  }
0x4b: {  	[hbm4b:s26+s3] =	stream.linear.scatter [tilespmem:s7], [sflag:$0x4], $0x4000, $0x38;
	[tilespmem:$0x8800] =	vst v63  }
0x4c: {  	_ =	swait.ge [sflag:s13], $0x4000  }
0x4d: {  	[sflag:s13] =	ssyncset.done $0x0  }
0x4e: {  	s28 =	simm.s32 $0x480;
	[sflag:s13] =	ssyncadd.s32 $0xFFFFC000  }
0x4f: {  	[tilespmem:s7], [sflag:$0x2] =	stream.indirect.gather [hbm4b:s2+s5], $0x80, s28, s5, $0xb8;
	[tilespmem:$0x8800] =	vst v63  }
0x50: {  	_ =	swait.ge [sflag:s8], $0x4000  }
0x51: {  	s1 =	ssub.s32 $0x2, s30;
	s29 =	sadd.s32 $0x1F0000, s31;
	[sflag:s8] =	ssyncset.done $0x0  }
0x52: {  	s30 =	sadd.s32 $0x1F0800, s31;
	s31 =	sshrl.u32 s1, $0x1;
	[sflag:s8] =	ssyncadd.s32 $0xFFFFC000  }
0x53: {  	[hbm4b:s29+s3] =	stream.linear.scatter [tilespmem:s6], [sflag:$0x3], $0x4000, $0x38;
	[tilespmem:$0x8800] =	vst v63  }
0x54: {  	s1 =	ssub.s32 s1, s31;
	_ =	swait.ge [sflag:s12], $0x4000  }
0x55: {  	s1 =	smax.u32 s1, $0x1;
	[sflag:s12] =	ssyncset.done $0x0  }
0x56: {  	p0 =	sne.s32 s1, $0x1;
	[sflag:s12] =	ssyncadd.s32 $0xFFFFC000  }
0x57: {  	[hbm4b:s30+s3] =	stream.linear.scatter [tilespmem:s7], [sflag:$0x4], $0x4000, $0x38;
	[tilespmem:$0x8800] =	vst v63  }
.Ltmp0:
0x58: {  	_ =	swait.ge [sflag:s10], $0x4000;
	(pc) =	sbr.rel @!p0 .LBB2_2-.Ltmp0, $4  }
0x59: {  	[sflag:s10] =	ssyncset.done $0x0  }
0x5a: {  	[sflag:s10] =	ssyncadd.s32 $0xFFFFC000  }
0x5b: {  	_ =	swait.ge [sflag:s13], $0x4000  }
0x5c: {  	s31 =	sadd.s32 $0xFFFFFFFF, s1;
	[sflag:s13] =	ssyncset.done $0x0  }
.LBB2_1:
0x5d: {  	s1 =	rddreg [dreg:$0x3];
	[sflag:s13] =	ssyncadd.s32 $0xFFFFC000  }
0x5e: {  	[tilespmem:s3], [sflag:$0x5] =	stream.linear.gather [hbm4b:s1+s3], $0x500, $0x38;
	[tilespmem:$0x8800] =	vst v63  }
0x5f: {  	_ =	swait.ge [sflag:s4], $0x500  }
0x60: {  	[sflag:s4] =	ssyncset.done $0x0  }
0x61: {  	[sflag:s4] =	ssyncadd.s32 $0xFFFFFB00  }
0x62: {  	[tilespmem:s6], [sflag:$0x1] =	stream.indirect.gather [hbm4b:s2+s5], $0x80, s3, s5, $0xb8;
	[tilespmem:$0x8800] =	vst v63  }
0x63: {  	_ = 	snop  }
0x64: {  	[tilespmem:s7], [sflag:$0x2] =	stream.indirect.gather [hbm4b:s2+s5], $0x80, s5, s5, $0xb8;
	[tilespmem:$0x8800] =	vst v63  }
0x65: {  	_ =	swait.ge [sflag:s8], $0x4000  }
0x66: {  	[sflag:s8] =	ssyncset.done $0x0  }
0x67: {  	[sflag:s8] =	ssyncadd.s32 $0xFFFFC000  }
0x68: {  	[hbm4b:s9+s3] =	stream.linear.scatter [tilespmem:s6], [sflag:$0x3], $0x4000, $0x38;
	[tilespmem:$0x8800] =	vst v63  }
0x69: {  	_ =	swait.ge [sflag:s10], $0x4000  }
0x6a: {  	[sflag:s10] =	ssyncset.done $0x0  }
0x6b: {  	[sflag:s10] =	ssyncadd.s32 $0xFFFFC000  }
0x6c: {  	[tilespmem:s6], [sflag:$0x1] =	stream.indirect.gather [hbm4b:s2+s5], $0x80, s11, s5, $0xb8;
	[tilespmem:$0x8800] =	vst v63  }
0x6d: {  	_ =	swait.ge [sflag:s12], $0x4000  }
0x6e: {  	[sflag:s12] =	ssyncset.done $0x0  }
0x6f: {  	[sflag:s12] =	ssyncadd.s32 $0xFFFFC000  }
0x70: {  	[hbm4b:s14+s3] =	stream.linear.scatter [tilespmem:s7], [sflag:$0x4], $0x4000, $0x38;
	[tilespmem:$0x8800] =	vst v63  }
0x71: {  	_ =	swait.ge [sflag:s13], $0x4000  }
0x72: {  	[sflag:s13] =	ssyncset.done $0x0  }
0x73: {  	[sflag:s13] =	ssyncadd.s32 $0xFFFFC000  }
0x74: {  	[tilespmem:s7], [sflag:$0x2] =	stream.indirect.gather [hbm4b:s2+s5], $0x80, s15, s5, $0xb8;
	[tilespmem:$0x8800] =	vst v63  }
0x75: {  	_ =	swait.ge [sflag:s8], $0x4000  }
0x76: {  	[sflag:s8] =	ssyncset.done $0x0  }
0x77: {  	[sflag:s8] =	ssyncadd.s32 $0xFFFFC000  }
0x78: {  	[hbm4b:s16+s3] =	stream.linear.scatter [tilespmem:s6], [sflag:$0x3], $0x4000, $0x38;
	[tilespmem:$0x8800] =	vst v63  }
0x79: {  	_ =	swait.ge [sflag:s10], $0x4000  }
0x7a: {  	[sflag:s10] =	ssyncset.done $0x0  }
0x7b: {  	[sflag:s10] =	ssyncadd.s32 $0xFFFFC000  }
0x7c: {  	[tilespmem:s6], [sflag:$0x1] =	stream.indirect.gather [hbm4b:s2+s5], $0x80, s17, s5, $0xb8;
	[tilespmem:$0x8800] =	vst v63  }
0x7d: {  	_ =	swait.ge [sflag:s12], $0x4000  }
0x7e: {  	[sflag:s12] =	ssyncset.done $0x0  }
0x7f: {  	[sflag:s12] =	ssyncadd.s32 $0xFFFFC000  }
0x80: {  	[hbm4b:s18+s3] =	stream.linear.scatter [tilespmem:s7], [sflag:$0x4], $0x4000, $0x38;
	[tilespmem:$0x8800] =	vst v63  }
0x81: {  	_ =	swait.ge [sflag:s13], $0x4000  }
0x82: {  	[sflag:s13] =	ssyncset.done $0x0  }
0x83: {  	[sflag:s13] =	ssyncadd.s32 $0xFFFFC000  }
0x84: {  	[tilespmem:s7], [sflag:$0x2] =	stream.indirect.gather [hbm4b:s2+s5], $0x80, s19, s5, $0xb8;
	[tilespmem:$0x8800] =	vst v63  }
0x85: {  	_ =	swait.ge [sflag:s8], $0x4000  }
0x86: {  	[sflag:s8] =	ssyncset.done $0x0  }
0x87: {  	[sflag:s8] =	ssyncadd.s32 $0xFFFFC000  }
0x88: {  	[hbm4b:s20+s3] =	stream.linear.scatter [tilespmem:s6], [sflag:$0x3], $0x4000, $0x38;
	[tilespmem:$0x8800] =	vst v63  }
0x89: {  	_ =	swait.ge [sflag:s10], $0x4000  }
0x8a: {  	[sflag:s10] =	ssyncset.done $0x0  }
0x8b: {  	[sflag:s10] =	ssyncadd.s32 $0xFFFFC000  }
0x8c: {  	[tilespmem:s6], [sflag:$0x1] =	stream.indirect.gather [hbm4b:s2+s5], $0x80, s21, s5, $0xb8;
	[tilespmem:$0x8800] =	vst v63  }
0x8d: {  	_ =	swait.ge [sflag:s12], $0x4000  }
0x8e: {  	[sflag:s12] =	ssyncset.done $0x0  }
0x8f: {  	[sflag:s12] =	ssyncadd.s32 $0xFFFFC000  }
0x90: {  	[hbm4b:s22+s3] =	stream.linear.scatter [tilespmem:s7], [sflag:$0x4], $0x4000, $0x38;
	[tilespmem:$0x8800] =	vst v63  }
0x91: {  	_ =	swait.ge [sflag:s13], $0x4000  }
0x92: {  	[sflag:s13] =	ssyncset.done $0x0  }
0x93: {  	[sflag:s13] =	ssyncadd.s32 $0xFFFFC000  }
0x94: {  	[tilespmem:s7], [sflag:$0x2] =	stream.indirect.gather [hbm4b:s2+s5], $0x80, s23, s5, $0xb8;
	[tilespmem:$0x8800] =	vst v63  }
0x95: {  	_ =	swait.ge [sflag:s8], $0x4000  }
0x96: {  	[sflag:s8] =	ssyncset.done $0x0  }
0x97: {  	[sflag:s8] =	ssyncadd.s32 $0xFFFFC000  }
0x98: {  	[hbm4b:s24+s3] =	stream.linear.scatter [tilespmem:s6], [sflag:$0x3], $0x4000, $0x38;
	[tilespmem:$0x8800] =	vst v63  }
0x99: {  	_ =	swait.ge [sflag:s10], $0x4000  }
0x9a: {  	[sflag:s10] =	ssyncset.done $0x0  }
0x9b: {  	[sflag:s10] =	ssyncadd.s32 $0xFFFFC000  }
0x9c: {  	[tilespmem:s6], [sflag:$0x1] =	stream.indirect.gather [hbm4b:s2+s5], $0x80, s25, s5, $0xb8;
	[tilespmem:$0x8800] =	vst v63  }
0x9d: {  	_ =	swait.ge [sflag:s12], $0x4000  }
0x9e: {  	[sflag:s12] =	ssyncset.done $0x0  }
0x9f: {  	[sflag:s12] =	ssyncadd.s32 $0xFFFFC000  }
0xa0: {  	[hbm4b:s26+s3] =	stream.linear.scatter [tilespmem:s7], [sflag:$0x4], $0x4000, $0x38;
	[tilespmem:$0x8800] =	vst v63  }
0xa1: {  	_ =	swait.ge [sflag:s13], $0x4000  }
0xa2: {  	[sflag:s13] =	ssyncset.done $0x0  }
0xa3: {  	[sflag:s13] =	ssyncadd.s32 $0xFFFFC000  }
0xa4: {  	[tilespmem:s7], [sflag:$0x2] =	stream.indirect.gather [hbm4b:s2+s5], $0x80, s28, s5, $0xb8;
	[tilespmem:$0x8800] =	vst v63  }
0xa5: {  	_ =	swait.ge [sflag:s8], $0x4000  }
0xa6: {  	[sflag:s8] =	ssyncset.done $0x0  }
0xa7: {  	[sflag:s8] =	ssyncadd.s32 $0xFFFFC000  }
0xa8: {  	[hbm4b:s29+s3] =	stream.linear.scatter [tilespmem:s6], [sflag:$0x3], $0x4000, $0x38;
	[tilespmem:$0x8800] =	vst v63  }
0xa9: {  	_ =	swait.ge [sflag:s12], $0x4000  }
0xaa: {  	[sflag:s12] =	ssyncset.done $0x0  }
0xab: {  	p0 =	sne.s32 s31, $0x1;
	[sflag:s12] =	ssyncadd.s32 $0xFFFFC000  }
0xac: {  	[hbm4b:s30+s3] =	stream.linear.scatter [tilespmem:s7], [sflag:$0x4], $0x4000, $0x38;
	[tilespmem:$0x8800] =	vst v63  }
.Ltmp1:
0xad: {  	_ =	swait.ge [sflag:s10], $0x4000;
	(pc) =	sbr.rel @p0 .LBB2_1-.Ltmp1, $4  }
0xae: {  	[sflag:s10] =	ssyncset.done $0x0  }
0xaf: {  	[sflag:s10] =	ssyncadd.s32 $0xFFFFC000  }
0xb0: {  	_ =	swait.ge [sflag:s13], $0x4000  }
0xb1: {  	s31 =	sadd.s32 $0xFFFFFFFF, s31;
	[sflag:s13] =	ssyncset.done $0x0  }
.LBB2_2:
0xb2: {  	[sflag:s13] =	ssyncadd.s32 $0xFFFFC000  }
0xb3: {  	_ =	sfence.sel $0x180000  }
0xb4: {  	[bflag:$0x0] =	sbarrier.arrive $0xFFFF  }
0xb5: {  	_ =	strace $0x90000053  }
0xb6: {  	[bflag:$0x2] =	sbarrier.arrive $0xFFFF  }
0xb7: {  	p0 =	sne.s32 s0, $0x0;
	s0 =	rddreg [dreg:$0x2]  }
0xb8: {  	s0 =	sadd.s32 @!p0 $0x100000, s0  }
0xb9: {  	[sflag:s0] =	ssyncadd.tile.s32 @!p0 $0x1;
	_ =	shalt  }
.Lfunc_end2:
_tile_overlayer_lowered:
.L_overlay_start_2:
0xba: {  	(tag) =	ssettag $0x2  }
0xbb: {  	s0 =	rddreg [dreg:$0x0];
	s2 =	stileid.u32  }
0xbc: {  	s1 =	rddreg [dreg:$0x1];
	p0 =	sne.s32 s2, $0x0  }
0xbd: {  	s3 =	rddreg [dreg:$0x2];
	[bflag:$0x3] =	sbarrier.arrive $0xFFFF;
	s2 =	simm.s32 @!p0 $0x1C05  }
0xbe: {  	[timem:s3], [sflag:s2] =	dma.local @!p0 [hbm:s0], s1  }
0xbf: {  	s0 =	simm.s32 @!p0 $0x5  }
0xc0: {  	_ =	swait.ge @!p0 [sflag:s0], s1  }
0xc1: {  	s1 =	ssub.s32 @!p0 $0x0, s1;
	[sflag:s0] =	ssyncset.done @!p0 $0x0  }
0xc2: {  	[sflag:s0] =	ssyncadd.s32 @!p0 s1  }
0xc3: {  	[bflag:$0x3] =	sbarrier.arrive $0xFFFF  }
0xc4: {  	_ =	shalt  }

</sc_bundles>
